<compile_context>
chip_gen: v7x
topology: tpu7x:2x2x1
jax: 0.10.2.dev20260603
libtpu: 0.0.44.dev20260713+nightly
codegen_flags: <defaults>
</compile_context>

<pallas_src>
import functools

import jax
import jax.numpy as jnp
from jax import lax
from jax.experimental import pallas as pl
from jax.experimental.pallas import tpu as pltpu
from jax.experimental.pallas import tpu_sc as plsc

N_NODES = 10000
N_EDGES = 320000
NODE_DIM = 128
EDGE_DIM = 16
HIDDEN = 128
HEADS = 4
HEAD_DIM = HIDDEN // HEADS

NC = 2
NS = 16
NW = NC * NS
L = 16

EPW1 = N_EDGES // NS
BLK1 = 160
NB1 = EPW1 // BLK1
CH1 = 80
EPW2 = N_EDGES // NS
BLK2 = 160
NB2 = EPW2 // BLK2
SPMH_R = 5120
RPT = SPMH_R // NS
ZCH = 16
SPME_R = 2560
RPT2 = SPME_R // NS

_f32 = jnp.float32
_i32 = jnp.int32


def _node_proj_body(nf_ref, wn_ref, asd_ref, h_ref, a_ref, m_ref):
    h = lax.dot_general(nf_ref[...], wn_ref[...],
                        (((1,), (1,)), ((), ())),
                        preferred_element_type=_f32)
    h_ref[...] = h
    a = lax.dot_general(h, asd_ref[...], (((1,), (0,)), ((), ())),
                        preferred_element_type=_f32)
    a_ref[...] = a
    m_ref[...] = jnp.broadcast_to(jnp.max(a, axis=0, keepdims=True), (8, 8))


def _node_proj(node_feat, w_node, a_sd):
    return pl.pallas_call(
        _node_proj_body,
        out_shape=(
            jax.ShapeDtypeStruct((N_NODES, HIDDEN), _f32),
            jax.ShapeDtypeStruct((N_NODES, 8), _f32),
            jax.ShapeDtypeStruct((8, 8), _f32),
        ),
    )(node_feat, w_node, a_sd)


def _edge_coef_body(eat_ref, we_ref, ae_ref, o_ref, m_ref):
    c = lax.dot_general(we_ref[...], ae_ref[...], (((0,), (0,)), ((), ())),
                        preferred_element_type=_f32)
    o = lax.dot_general(c, eat_ref[...], (((0,), (0,)), ((), ())),
                        preferred_element_type=_f32)
    o_ref[...] = o
    m_ref[...] = jnp.broadcast_to(jnp.max(o, axis=1, keepdims=True), (HEADS, 8))


def _edge_coef(edge_attr_t, w_edge, a_edge):
    return pl.pallas_call(
        _edge_coef_body,
        out_shape=(
            jax.ShapeDtypeStruct((HEADS, N_EDGES), _f32),
            jax.ShapeDtypeStruct((HEADS, 8), _f32),
        ),
    )(edge_attr_t, w_edge, a_edge)


def _pass1_body(src_hbm, dst_hbm, an_hbm, ae_hbm, mb_hbm,
                p_hbm, dpart_hbm,
                an_v, den_v, src_v, dst_v, ae_v, p_v, mb_v, sem):
    cid = lax.axis_index("c")
    sid = lax.axis_index("s")
    wid = sid * NC + cid
    base = sid * EPW1
    h0 = 2 * cid * N_EDGES

    pltpu.sync_copy(an_hbm.at[pl.ds(cid * N_NODES * 4, N_NODES * 4)], an_v)
    pltpu.sync_copy(mb_hbm.at[pl.ds(cid * 2 * L, 2 * L)], mb_v)
    mb_b = [mb_v[pl.ds(j * L, L)] for j in range(2)]

    def _zero(i, carry):
        den_v[pl.ds(i * L, L)] = jnp.zeros((L,), _f32)
        return carry
    lax.fori_loop(0, N_NODES * 2 // L, _zero, 0)

    def _block(i, carry):
        off = base + i * BLK1
        dmas = [
            pltpu.make_async_copy(src_hbm.at[pl.ds(off, BLK1)], src_v, sem),
            pltpu.make_async_copy(dst_hbm.at[pl.ds(off, BLK1)], dst_v, sem),
            pltpu.make_async_copy(ae_hbm.at[pl.ds(h0 + off, BLK1)],
                                  ae_v.at[pl.ds(0, BLK1)], sem),
            pltpu.make_async_copy(ae_hbm.at[pl.ds(h0 + N_EDGES + off, BLK1)],
                                  ae_v.at[pl.ds(BLK1, BLK1)], sem),
        ]
        for d in dmas:
            d.start()
        for d in dmas:
            d.wait()

        def _grp(g, c2):
            s16 = src_v[pl.ds(g * L, L)]
            d16 = dst_v[pl.ds(g * L, L)]
            for j in range(2):
                asrc = plsc.load_gather(an_v, [s16 * 4 + j])
                adst = plsc.load_gather(an_v, [d16 * 4 + (2 + j)])
                ae16 = ae_v[pl.ds(j * BLK1 + g * L, L)]
                lg = asrc + adst + ae16
                lg = jnp.where(lg >= 0.0, lg, lg * jnp.float32(0.2))
                pexp = jnp.exp(lg - mb_b[j])
                p_v[pl.ds(j * BLK1 + g * L, L)] = pexp
                plsc.addupdate_scatter(den_v, [d16 * 2 + j], pexp)
            return c2
        lax.fori_loop(0, BLK1 // L, _grp, 0)

        for j in range(2):
            pltpu.sync_copy(p_v.at[pl.ds(j * BLK1, BLK1)],
                            p_hbm.at[pl.ds(h0 + j * N_EDGES + off, BLK1)])
        return carry
    lax.fori_loop(0, NB1, _block, 0)

    pltpu.sync_copy(den_v, dpart_hbm.at[pl.ds(wid * N_NODES * 2,
                                              N_NODES * 2)])


def _pass1(src, dst, an_sp, ae_t, mb):
    f = functools.partial(
        pl.kernel,
        out_type=(
            jax.ShapeDtypeStruct((HEADS * N_EDGES,), _f32),
            jax.ShapeDtypeStruct((NW * N_NODES * 2,), _f32),
        ),
        mesh=plsc.VectorSubcoreMesh(core_axis_name="c", subcore_axis_name="s",
                                    num_cores=NC, num_subcores=NS),
        compiler_params=pltpu.CompilerParams(needs_layout_passes=False),
        scratch_types=[
            pltpu.VMEM((N_NODES * 4,), _f32),
            pltpu.VMEM((N_NODES * 2,), _f32),
            pltpu.VMEM((BLK1,), _i32),
            pltpu.VMEM((BLK1,), _i32),
            pltpu.VMEM((BLK1 * 2,), _f32),
            pltpu.VMEM((BLK1 * 2,), _f32),
            pltpu.VMEM((2 * L,), _f32),
            pltpu.SemaphoreType.DMA,
        ],
    )
    return f(_pass1_body)(src, dst, an_sp, ae_t, mb)


def _dinv_body(dp_ref, o_ref):
    s = jnp.sum(dp_ref[...], axis=0, keepdims=True)
    o_ref[...] = 1.0 / s


def _dinv(dparts):
    return pl.pallas_call(
        _dinv_body,
        out_shape=jax.ShapeDtypeStruct((1, NC * N_NODES * 2), _f32),
    )(dparts)


def _pass2_body(src_hbm, dst_hbm, p_hbm, h_hbm, eat_hbm,
                out1_hbm, u_hbm,
                sidx_v, didx_v, didx2_v, didx4_v, par_v, q_v,
                p_v, eat_v, hrow_v, msgh_v, msge_v,
                spmh, spme, sem, sem2):
    cid = lax.axis_index("c")
    sid = lax.axis_index("s")
    base = sid * EPW2
    h0 = 2 * cid * N_EDGES

    row1 = sid * RPT
    row2 = sid * RPT2

    def _zmsg(e, carry):
        for c in range(HIDDEN // L):
            msgh_v[e, pl.ds(c * L, L)] = jnp.zeros((L,), _f32)
        return carry
    lax.fori_loop(0, BLK2, _zmsg, 0)

    def _zspm1(j, carry):
        pltpu.sync_copy(msgh_v.at[pl.ds(0, ZCH)],
                        spmh.at[pl.ds(row1 + j * ZCH, ZCH)])
        return carry
    lax.fori_loop(0, RPT // ZCH, _zspm1, 0)

    def _zspm2(j, carry):
        pltpu.sync_copy(msgh_v.at[pl.ds(0, ZCH)],
                        spme.at[pl.ds(row2 + j * ZCH, ZCH)])
        return carry
    lax.fori_loop(0, RPT2 // ZCH, _zspm2, 0)
    plsc.subcore_barrier()

    def _block(i, carry):
        off = base + i * BLK2
        dmas = [
            pltpu.make_async_copy(src_hbm.at[pl.ds(off, BLK2)], sidx_v, sem),
            pltpu.make_async_copy(dst_hbm.at[pl.ds(off, BLK2)], didx_v, sem),
            pltpu.make_async_copy(
                eat_hbm.at[pl.ds(off * EDGE_DIM, BLK2 * EDGE_DIM)], eat_v, sem),
            pltpu.make_async_copy(p_hbm.at[pl.ds(h0 + off, BLK2)],
                                  p_v.at[pl.ds(0, BLK2)], sem),
            pltpu.make_async_copy(p_hbm.at[pl.ds(h0 + N_EDGES + off, BLK2)],
                                  p_v.at[pl.ds(BLK2, BLK2)], sem),
        ]
        for d in dmas:
            d.start()
        for d in dmas:
            d.wait()

        gaths = [
            pltpu.make_async_copy(h_hbm.at[sidx_v.at[pl.ds(c * CH1, CH1)]],
                                  hrow_v.at[pl.ds(c * CH1, CH1)], sem2)
            for c in range(BLK2 // CH1)
        ]
        for g in gaths:
            g.start()

        @plsc.parallel_loop(0, BLK2 // L, unroll=2)
        def _prep(g):
            d16 = didx_v[pl.ds(g * L, L)]
            didx2_v[g // (CH1 // L), pl.ds((g % (CH1 // L)) * L, L)] = (
                lax.shift_right_logical(d16, 1))
            didx4_v[g // (CH1 // L), pl.ds((g % (CH1 // L)) * L, L)] = (
                lax.shift_right_logical(d16, 2))
            par_v[pl.ds(g * L, L)] = (d16 & 1).astype(_f32)
            q_v[pl.ds(g * L, L)] = d16 & 3

        for g in gaths:
            g.wait()

        @plsc.parallel_loop(0, BLK2, unroll=4)
        def _edge(e):
            eidx = jnp.broadcast_to(e, (L,))
            pb = [plsc.load_gather(p_v, [eidx + (j * BLK2)]) for j in range(2)]
            par = plsc.load_gather(par_v, [eidx])
            npar = 1.0 - par
            for k in range(64 // L):
                hv = hrow_v[e, pl.ds(cid * 64 + k * L, L)]
                v = hv * pb[k // 2]
                msgh_v[e, pl.ds(k * L, L)] = v * npar
                msgh_v[e, pl.ds(64 + k * L, L)] = v * par
            qb = plsc.load_gather(q_v, [eidx])
            eav = eat_v[pl.ds(e * EDGE_DIM, EDGE_DIM)]
            mq = [jnp.where(qb == q, jnp.float32(1.0), jnp.float32(0.0))
                  for q in range(4)]
            for j in range(2):
                v = eav * pb[j]
                for q in range(4):
                    msge_v[e, pl.ds(q * 2 * EDGE_DIM + j * EDGE_DIM,
                                    EDGE_DIM)] = v * mq[q]

        for c in range(BLK2 // CH1):
            pltpu.sync_copy(msgh_v.at[pl.ds(c * CH1, CH1)],
                            spmh.at[didx2_v.at[c]], add=True)
            pltpu.sync_copy(msge_v.at[pl.ds(c * CH1, CH1)],
                            spme.at[didx4_v.at[c]], add=True)
        return carry
    lax.fori_loop(0, NB2, _block, 0)
    plsc.subcore_barrier()

    def _flush1(j, carry):
        pltpu.sync_copy(spmh.at[pl.ds(row1 + j * ZCH, ZCH)],
                        out1_hbm.at[pl.ds(cid * SPMH_R + row1 + j * ZCH, ZCH)])
        return carry
    lax.fori_loop(0, RPT // ZCH, _flush1, 0)

    def _flush2(j, carry):
        pltpu.sync_copy(spme.at[pl.ds(row2 + j * ZCH, ZCH)],
                        u_hbm.at[pl.ds(cid * SPME_R + row2 + j * ZCH, ZCH)])
        return carry
    lax.fori_loop(0, RPT2 // ZCH, _flush2, 0)


def _pass2(src, dst, p, h, ea_flat):
    f = functools.partial(
        pl.kernel,
        out_type=(
            jax.ShapeDtypeStruct((NC * SPMH_R, HIDDEN), _f32),
            jax.ShapeDtypeStruct((NC * SPME_R, HIDDEN), _f32),
        ),
        mesh=plsc.VectorSubcoreMesh(core_axis_name="c", subcore_axis_name="s",
                                    num_cores=NC, num_subcores=NS),
        compiler_params=pltpu.CompilerParams(needs_layout_passes=False),
        scratch_types=[
            pltpu.VMEM((BLK2,), _i32),
            pltpu.VMEM((BLK2,), _i32),
            pltpu.VMEM((BLK2 // CH1, CH1), _i32),
            pltpu.VMEM((BLK2 // CH1, CH1), _i32),
            pltpu.VMEM((BLK2,), _f32),
            pltpu.VMEM((BLK2,), _i32),
            pltpu.VMEM((BLK2 * 2,), _f32),
            pltpu.VMEM((BLK2 * EDGE_DIM,), _f32),
            pltpu.VMEM((BLK2, HIDDEN), _f32),
            pltpu.VMEM((BLK2, HIDDEN), _f32),
            pltpu.VMEM((BLK2, HIDDEN), _f32),
            pltpu.VMEM_SHARED((SPMH_R, HIDDEN), _f32),
            pltpu.VMEM_SHARED((SPME_R, HIDDEN), _f32),
            pltpu.SemaphoreType.DMA,
            pltpu.SemaphoreType.DMA,
        ],
    )
    return f(_pass2_body)(src, dst, p, h, ea_flat)


def _final_body(acc1_ref, u_ref, din_ref, nf_ref, we_ref, g_ref, b_ref, o_ref):
    a1 = acc1_ref[...]
    din = din_ref[...]
    halves = []
    for c in range(NC):
        for j in range(2):
            halves.append(a1[c][:, j * HEAD_DIM:(j + 1) * HEAD_DIM]
                          * din[c][:, j][:, None])
    out1 = jnp.concatenate(halves, axis=1)
    u = u_ref[...]
    din = din_ref[...]
    o2 = []
    for h in range(HEADS):
        c, j = divmod(h, 2)
        uh = u[c][:, j * EDGE_DIM:(j + 1) * EDGE_DIM]
        bh = uh * din[c][:, j][:, None]
        wh = we_ref[pl.ds(h * HEAD_DIM, HEAD_DIM), :]
        o2.append(lax.dot_general(bh, wh, (((1,), (1,)), ((), ())),
                                  preferred_element_type=_f32))
    out2 = jnp.concatenate(o2, axis=1)
    pre = out1 + out2 + nf_ref[...]
    mu = jnp.mean(pre, axis=1, keepdims=True)
    cen = pre - mu
    var = jnp.mean(cen * cen, axis=1, keepdims=True)
    normed = cen * lax.rsqrt(var + 1e-5) * g_ref[...] + b_ref[...]
    o_ref[...] = jnp.where(normed > 0, normed, jnp.exp(jnp.minimum(normed, 0.0)) - 1.0)


_BR = 2000


def _final(acc1, u2, din3, node_feat, w_edge, gamma, beta):
    return pl.pallas_call(
        _final_body,
        grid=(N_NODES // _BR,),
        in_specs=[
            pl.BlockSpec((NC, _BR, 64), lambda i: (0, i, 0)),
            pl.BlockSpec((NC, _BR, 2 * EDGE_DIM), lambda i: (0, i, 0)),
            pl.BlockSpec((NC, _BR, 2), lambda i: (0, i, 0)),
            pl.BlockSpec((_BR, HIDDEN), lambda i: (i, 0)),
            pl.BlockSpec((HIDDEN, EDGE_DIM), lambda i: (0, 0)),
            pl.BlockSpec((1, HIDDEN), lambda i: (0, 0)),
            pl.BlockSpec((1, HIDDEN), lambda i: (0, 0)),
        ],
        out_specs=pl.BlockSpec((_BR, HIDDEN), lambda i: (i, 0)),
        out_shape=jax.ShapeDtypeStruct((N_NODES, HIDDEN), _f32),
    )(acc1, u2, din3, node_feat, w_edge, gamma, beta)


def kernel(node_feat, edge_attr, W_node, W_edge, att_src, att_dst, att_edge,
           ln_gamma, ln_beta, edge_index):
    src = edge_index[0].astype(_i32)
    dst = edge_index[1].astype(_i32)

    eye = jnp.eye(HEADS, dtype=_f32)
    a_src_m = (eye[:, None, :] * att_src[:, :, None]).reshape(HIDDEN, HEADS)
    a_dst_m = (eye[:, None, :] * att_dst[:, :, None]).reshape(HIDDEN, HEADS)
    a_edge_m = (eye[:, None, :] * att_edge[:, :, None]).reshape(HIDDEN, HEADS)
    a_sd = jnp.concatenate([a_src_m, a_dst_m], axis=1)

    h, a_nodes, m_node = _node_proj(node_feat, W_node, a_sd)
    ae_t, m_edge = _edge_coef(edge_attr.T, W_edge, a_edge_m)

    mb = m_node[0, :HEADS] + m_node[0, HEADS:] + m_edge[:, 0]
    mb = jnp.where(mb >= 0.0, mb, mb * 0.2)
    mb16 = jnp.broadcast_to(mb[:, None], (HEADS, L)).reshape(-1)

    asrc, adst = a_nodes[:, :HEADS], a_nodes[:, HEADS:]
    an_sp = jnp.concatenate(
        [jnp.concatenate([asrc[:, 2 * c:2 * c + 2], adst[:, 2 * c:2 * c + 2]],
                         axis=1).reshape(-1) for c in range(NC)])

    p, dparts = _pass1(src, dst, an_sp, ae_t.reshape(-1), mb16)
    dinv = _dinv(dparts.reshape(NS, NC * N_NODES * 2)).reshape(-1)
    acc1, u = _pass2(src, dst, p, h, edge_attr.reshape(-1))
    a1 = acc1.reshape(NC, SPMH_R * 2, 64)[:, :N_NODES, :]
    u2 = u.reshape(NC, SPME_R * 4, 2 * EDGE_DIM)[:, :N_NODES, :]
    return _final(a1, u2,
                  dinv.reshape(NC, N_NODES, 2), node_feat, W_edge,
                  ln_gamma.reshape(1, HIDDEN), ln_beta.reshape(1, HIDDEN))

# --- scband reference (transcript-rebuilt; emitter-appended) ---
"""Pipeline reference for scband-edge-gatlayer-53936199303551 (READ-ONLY COPY).

The authoritative reference and input builder live on the scoring server;
editing this copy changes nothing except your own understanding.
"""

import jax, jax.numpy as jnp
import numpy as np

N_NODES = 10000
N_EDGES = 320000
NODE_DIM = 128
EDGE_DIM = 16
HIDDEN = 128
HEADS = 4
HEAD_DIM = HIDDEN // HEADS


def _xavier(key, shape):
    fan_in, fan_out = shape[-1], shape[0]
    a = float(np.sqrt(6.0 / (fan_in + fan_out)))
    return jax.random.uniform(key, shape, dtype=jnp.float32, minval=-a, maxval=a)


def setup_inputs(seed: int = 0) -> dict:
    key = jax.random.key(seed)
    ks = jax.random.split(key, 9)
    node_feat = jax.random.normal(ks[0], (N_NODES, NODE_DIM), dtype=jnp.float32)
    edge_index = jax.random.randint(ks[1], (2, N_EDGES), 0, N_NODES, dtype=jnp.int64)
    edge_attr = jax.random.normal(ks[2], (N_EDGES, EDGE_DIM), dtype=jnp.float32)
    W_node = _xavier(ks[3], (HIDDEN, NODE_DIM))
    W_edge = _xavier(ks[4], (HIDDEN, EDGE_DIM))
    att_src = _xavier(ks[5], (HEADS, HEAD_DIM))
    att_dst = _xavier(ks[6], (HEADS, HEAD_DIM))
    att_edge = _xavier(ks[7], (HEADS, HEAD_DIM))
    ln_gamma = jnp.ones((HIDDEN,), dtype=jnp.float32)
    ln_beta = jnp.zeros((HIDDEN,), dtype=jnp.float32)
    return {
        "node_feat": node_feat,
        "edge_attr": edge_attr,
        "W_node": W_node,
        "W_edge": W_edge,
        "att_src": att_src,
        "att_dst": att_dst,
        "att_edge": att_edge,
        "ln_gamma": ln_gamma,
        "ln_beta": ln_beta,
        "edge_index": edge_index,
    }


def reference(node_feat, edge_attr, W_node, W_edge, att_src, att_dst, att_edge, ln_gamma, ln_beta, edge_index):
    num_nodes = node_feat.shape[0]
    src = edge_index[0]
    dst = edge_index[1]
    h = (node_feat @ W_node.T).reshape(num_nodes, HEADS, HEAD_DIM)
    e = (edge_attr @ W_edge.T).reshape(edge_attr.shape[0], HEADS, HEAD_DIM)
    h_src = h[src]
    h_dst = h[dst]
    logits = ((h_src * att_src[None]).sum(-1)
              + (h_dst * att_dst[None]).sum(-1)
              + (e * att_edge[None]).sum(-1))
    logits = jax.nn.leaky_relu(logits, negative_slope=0.2)
    # per-destination-node softmax over incoming edges (per head)
    seg_max = jax.ops.segment_max(logits, dst, num_segments=num_nodes)
    exp_l = jnp.exp(logits - seg_max[dst])
    denom = jax.ops.segment_sum(exp_l, dst, num_segments=num_nodes)
    alpha = exp_l / denom[dst]
    messages = alpha[..., None] * (h_src + e)
    out = jax.ops.segment_sum(messages, dst, num_segments=num_nodes)
    out = out.reshape(num_nodes, HIDDEN)
    # residual is Identity since node_dim == hidden_dim
    pre = out + node_feat
    mu = pre.mean(axis=-1, keepdims=True)
    var = pre.var(axis=-1, keepdims=True)
    normed = (pre - mu) / jnp.sqrt(var + 1e-5)
    normed = normed * ln_gamma + ln_beta
    return jax.nn.elu(normed)

if __name__ == "__main__":
    import jax
    _d = setup_inputs()
    print(jax.jit(kernel)(*tuple(_d.values())))

</pallas_src>

<mosaic_0001>
#map = affine_map<(d0, d1) -> (0)>
#map1 = affine_map<(d0, d1) -> (0, 0)>
module attributes {stable_mosaic.version = 14 : i64} {
  func.func @_pass2_body(%arg0: i32, %arg1: i32, %arg2: memref<320000xi32, #tpu.memory_space<hbm>>, %arg3: memref<320000xi32, #tpu.memory_space<hbm>>, %arg4: memref<1280000xf32, #tpu.memory_space<hbm>>, %arg5: memref<10000x128xf32, #tpu.memory_space<hbm>>, %arg6: memref<5120000xf32, #tpu.memory_space<hbm>>, %arg7: memref<10240x128xf32, #tpu.memory_space<hbm>>, %arg8: memref<5120x128xf32, #tpu.memory_space<hbm>>, %arg9: memref<160xi32, #tpu.memory_space<vmem>>, %arg10: memref<160xi32, #tpu.memory_space<vmem>>, %arg11: memref<2x80xi32, #tpu.memory_space<vmem>>, %arg12: memref<2x80xi32, #tpu.memory_space<vmem>>, %arg13: memref<160xf32, #tpu.memory_space<vmem>>, %arg14: memref<160xi32, #tpu.memory_space<vmem>>, %arg15: memref<320xf32, #tpu.memory_space<vmem>>, %arg16: memref<2560xf32, #tpu.memory_space<vmem>>, %arg17: memref<160x128xf32, #tpu.memory_space<vmem>>, %arg18: memref<160x128xf32, #tpu.memory_space<vmem>>, %arg19: memref<160x128xf32, #tpu.memory_space<vmem>>, %arg20: memref<5120x128xf32, #tpu.memory_space<vmem_shared>>, %arg21: memref<2560x128xf32, #tpu.memory_space<vmem_shared>>, %arg22: memref<!tpu.dma_semaphore, #tpu.memory_space<semaphore_mem>>, %arg23: memref<!tpu.dma_semaphore, #tpu.memory_space<semaphore_mem>>) attributes {dimension_semantics = [#tpu.dimension_semantics<core_parallel>, #tpu.dimension_semantics<subcore_parallel>], iteration_bounds = array<i64: 2, 16>, scalar_prefetch = 0 : i64, scratch_operands = 15 : i64, tpu.core_type = #tpu.core_type<sc_vector_subcore>, window_params = [{transform_indices = #map}, {transform_indices = #map}, {transform_indices = #map}, {transform_indices = #map1}, {transform_indices = #map}, {transform_indices = #map1}, {transform_indices = #map1}]} {
    %mul3A = arith.constant 20000 : i32
    %mul3A_0 = arith.muli %arg1, %mul3A : i32
    %mul3A_1 = arith.constant 2 : i32
    %mul3A_2 = arith.muli %mul3A_1, %arg0 : i32
    %mul3A_3 = arith.constant 320000 : i32
    %mul3A_4 = arith.muli %mul3A_2, %mul3A_3 : i32
    %mul3A_5 = arith.constant 320 : i32
    %mul3A_6 = arith.muli %arg1, %mul3A_5 : i32
    %mul3A_7 = arith.constant 160 : i32
    %mul3A_8 = arith.muli %arg1, %mul3A_7 : i32
    %scan3A = arith.constant 0 : i32
    %scan3A_9 = arith.constant 0 : i32
    %scan3A_10 = arith.constant 160 : i32
    %scan3A_11 = arith.addi %scan3A_9, %scan3A_10 : i32
    %scan3A_12 = arith.constant 1 : i32
    scf.for %scan3A_45 = %scan3A_9 to %scan3A_11 step %scan3A_12  : i32 {
      %broadcast_in_dim3A = arith.constant 0.000000e+00 : f32
      %broadcast_in_dim3A_46 = vector.broadcast %broadcast_in_dim3A : f32 to vector<16xf32>
      %swap3A = arith.index_cast %scan3A_45 : i32 to index
      %swap3A_47 = arith.constant 0 : index
      %swap3A_48 = tpu.vector_load %arg18[%swap3A, %swap3A_47] {strides = array<i32>} : memref<160x128xf32, #tpu.memory_space<vmem>>, vector<16xf32>,
      tpu.vector_store %arg18[%swap3A, %swap3A_47], %broadcast_in_dim3A_46 {strides = array<i32>} : memref<160x128xf32, #tpu.memory_space<vmem>>, vector<16xf32>,
      %broadcast_in_dim3A_49 = arith.constant 0.000000e+00 : f32
      %broadcast_in_dim3A_50 = vector.broadcast %broadcast_in_dim3A_49 : f32 to vector<16xf32>
      %swap3A_51 = arith.index_cast %scan3A_45 : i32 to index
      %swap3A_52 = arith.constant 16 : index
      %swap3A_53 = tpu.vector_load %arg18[%swap3A_51, %swap3A_52] {strides = array<i32>} : memref<160x128xf32, #tpu.memory_space<vmem>>, vector<16xf32>,
      tpu.vector_store %arg18[%swap3A_51, %swap3A_52], %broadcast_in_dim3A_50 {strides = array<i32>} : memref<160x128xf32, #tpu.memory_space<vmem>>, vector<16xf32>,
      %broadcast_in_dim3A_54 = arith.constant 0.000000e+00 : f32
      %broadcast_in_dim3A_55 = vector.broadcast %broadcast_in_dim3A_54 : f32 to vector<16xf32>
      %swap3A_56 = arith.index_cast %scan3A_45 : i32 to index
      %swap3A_57 = arith.constant 32 : index
      %swap3A_58 = tpu.vector_load %arg18[%swap3A_56, %swap3A_57] {strides = array<i32>} : memref<160x128xf32, #tpu.memory_space<vmem>>, vector<16xf32>,
      tpu.vector_store %arg18[%swap3A_56, %swap3A_57], %broadcast_in_dim3A_55 {strides = array<i32>} : memref<160x128xf32, #tpu.memory_space<vmem>>, vector<16xf32>,
      %broadcast_in_dim3A_59 = arith.constant 0.000000e+00 : f32
      %broadcast_in_dim3A_60 = vector.broadcast %broadcast_in_dim3A_59 : f32 to vector<16xf32>
      %swap3A_61 = arith.index_cast %scan3A_45 : i32 to index
      %swap3A_62 = arith.constant 48 : index
      %swap3A_63 = tpu.vector_load %arg18[%swap3A_61, %swap3A_62] {strides = array<i32>} : memref<160x128xf32, #tpu.memory_space<vmem>>, vector<16xf32>,
      tpu.vector_store %arg18[%swap3A_61, %swap3A_62], %broadcast_in_dim3A_60 {strides = array<i32>} : memref<160x128xf32, #tpu.memory_space<vmem>>, vector<16xf32>,
      %broadcast_in_dim3A_64 = arith.constant 0.000000e+00 : f32
      %broadcast_in_dim3A_65 = vector.broadcast %broadcast_in_dim3A_64 : f32 to vector<16xf32>
      %swap3A_66 = arith.index_cast %scan3A_45 : i32 to index
      %swap3A_67 = arith.constant 64 : index
      %swap3A_68 = tpu.vector_load %arg18[%swap3A_66, %swap3A_67] {strides = array<i32>} : memref<160x128xf32, #tpu.memory_space<vmem>>, vector<16xf32>,
      tpu.vector_store %arg18[%swap3A_66, %swap3A_67], %broadcast_in_dim3A_65 {strides = array<i32>} : memref<160x128xf32, #tpu.memory_space<vmem>>, vector<16xf32>,
      %broadcast_in_dim3A_69 = arith.constant 0.000000e+00 : f32
      %broadcast_in_dim3A_70 = vector.broadcast %broadcast_in_dim3A_69 : f32 to vector<16xf32>
      %swap3A_71 = arith.index_cast %scan3A_45 : i32 to index
      %swap3A_72 = arith.constant 80 : index
      %swap3A_73 = tpu.vector_load %arg18[%swap3A_71, %swap3A_72] {strides = array<i32>} : memref<160x128xf32, #tpu.memory_space<vmem>>, vector<16xf32>,
      tpu.vector_store %arg18[%swap3A_71, %swap3A_72], %broadcast_in_dim3A_70 {strides = array<i32>} : memref<160x128xf32, #tpu.memory_space<vmem>>, vector<16xf32>,
      %broadcast_in_dim3A_74 = arith.constant 0.000000e+00 : f32
      %broadcast_in_dim3A_75 = vector.broadcast %broadcast_in_dim3A_74 : f32 to vector<16xf32>
      %swap3A_76 = arith.index_cast %scan3A_45 : i32 to index
      %swap3A_77 = arith.constant 96 : index
      %swap3A_78 = tpu.vector_load %arg18[%swap3A_76, %swap3A_77] {strides = array<i32>} : memref<160x128xf32, #tpu.memory_space<vmem>>, vector<16xf32>,
      tpu.vector_store %arg18[%swap3A_76, %swap3A_77], %broadcast_in_dim3A_75 {strides = array<i32>} : memref<160x128xf32, #tpu.memory_space<vmem>>, vector<16xf32>,
      %broadcast_in_dim3A_79 = arith.constant 0.000000e+00 : f32
      %broadcast_in_dim3A_80 = vector.broadcast %broadcast_in_dim3A_79 : f32 to vector<16xf32>
      %swap3A_81 = arith.index_cast %scan3A_45 : i32 to index
      %swap3A_82 = arith.constant 112 : index
      %swap3A_83 = tpu.vector_load %arg18[%swap3A_81, %swap3A_82] {strides = array<i32>} : memref<160x128xf32, #tpu.memory_space<vmem>>, vector<16xf32>,
      tpu.vector_store %arg18[%swap3A_81, %swap3A_82], %broadcast_in_dim3A_80 {strides = array<i32>} : memref<160x128xf32, #tpu.memory_space<vmem>>, vector<16xf32>,
    }
    %scan3A_13 = arith.constant 160 : i32
    %scan3A_14 = arith.constant 0 : i32
    %scan3A_15 = arith.constant 0 : i32
    %scan3A_16 = arith.constant 20 : i32
    %scan3A_17 = arith.addi %scan3A_15, %scan3A_16 : i32
    %scan3A_18 = arith.constant 1 : i32
    scf.for %scan3A_45 = %scan3A_15 to %scan3A_17 step %scan3A_18  : i32 {
      %mul3A_46 = arith.constant 16 : i32
      %mul3A_47 = arith.muli %scan3A_45, %mul3A_46 : i32
      %add3A = arith.addi %mul3A_6, %mul3A_47 : i32
      "tpu.region"() ({
        %run_scoped3A = tpu.sem_alloc : memref<!tpu.dma_semaphore, #tpu.memory_space<semaphore_mem>>
        %dma_start3A = arith.constant 0 : i32
        %dma_start3A_48 = arith.constant 0 : i32
        %dma_start3A_49 = tpu.memref_slice %arg18[%dma_start3A, %dma_start3A_48] : memref<160x128xf32, #tpu.memory_space<vmem>> -> memref<16x128xf32, #tpu.memory_space<vmem>>
        %dma_start3A_50 = arith.constant 0 : i32
        %dma_start3A_51 = tpu.memref_slice %arg20[%add3A, %dma_start3A_50] : memref<5120x128xf32, #tpu.memory_space<vmem_shared>> -> memref<16x128xf32, #tpu.memory_space<vmem_shared>>
        %dma_start3A_52 = arith.constant 0 : i32
        %dma_start3A_53 = tpu.memref_slice %arg20[%add3A, %dma_start3A_52] : memref<5120x128xf32, #tpu.memory_space<vmem_shared>> -> memref<16x128xf32, #tpu.memory_space<vmem_shared>>
        %dma_start3A_54 = arith.constant 0 : i32
        %dma_start3A_55 = arith.constant 0 : i32
        %dma_start3A_56 = tpu.memref_slice %arg18[%dma_start3A_54, %dma_start3A_55] : memref<160x128xf32, #tpu.memory_space<vmem>> -> memref<16x128xf32, #tpu.memory_space<vmem>>
        tpu.enqueue_dma source(%dma_start3A_56 : memref<16x128xf32, #tpu.memory_space<vmem>>) target(%dma_start3A_53 : memref<16x128xf32, #tpu.memory_space<vmem_shared>>) target_semaphore(%run_scoped3A : memref<!tpu.dma_semaphore, #tpu.memory_space<semaphore_mem>>)
        %dma_wait3A = arith.constant 0 : i32
        %dma_wait3A_57 = arith.constant 0 : i32
        %dma_wait3A_58 = tpu.memref_slice %arg18[%dma_wait3A, %dma_wait3A_57] : memref<160x128xf32, #tpu.memory_space<vmem>> -> memref<16x128xf32, #tpu.memory_space<vmem>>
        %dma_wait3A_59 = arith.constant 0 : i32
        %dma_wait3A_60 = tpu.memref_slice %arg20[%add3A, %dma_wait3A_59] : memref<5120x128xf32, #tpu.memory_space<vmem_shared>> -> memref<16x128xf32, #tpu.memory_space<vmem_shared>>
        %dma_wait3A_61 = arith.constant 0 : i32
        %dma_wait3A_62 = tpu.memref_slice %arg20[%add3A, %dma_wait3A_61] : memref<5120x128xf32, #tpu.memory_space<vmem_shared>> -> memref<16x128xf32, #tpu.memory_space<vmem_shared>>
        %dma_wait3A_63 = arith.constant 0 : i32
        %dma_wait3A_64 = arith.constant 0 : i32
        %dma_wait3A_65 = tpu.memref_slice %arg18[%dma_wait3A_63, %dma_wait3A_64] : memref<160x128xf32, #tpu.memory_space<vmem>> -> memref<16x128xf32, #tpu.memory_space<vmem>>
        tpu.wait_dma2 semaphore(%run_scoped3A : memref<!tpu.dma_semaphore, #tpu.memory_space<semaphore_mem>>) src(%dma_wait3A_65 : memref<16x128xf32, #tpu.memory_space<vmem>>) dst(%dma_wait3A_62 : memref<16x128xf32, #tpu.memory_space<vmem_shared>>)
        tpu.yield
      }) : () -> ()
    }
    %scan3A_19 = arith.constant 20 : i32
    %scan3A_20 = arith.constant 0 : i32
    %scan3A_21 = arith.constant 0 : i32
    %scan3A_22 = arith.constant 10 : i32
    %scan3A_23 = arith.addi %scan3A_21, %scan3A_22 : i32
    %scan3A_24 = arith.constant 1 : i32
    scf.for %scan3A_45 = %scan3A_21 to %scan3A_23 step %scan3A_24  : i32 {
      %mul3A_46 = arith.constant 16 : i32
      %mul3A_47 = arith.muli %scan3A_45, %mul3A_46 : i32
      %add3A = arith.addi %mul3A_8, %mul3A_47 : i32
      "tpu.region"() ({
        %run_scoped3A = tpu.sem_alloc : memref<!tpu.dma_semaphore, #tpu.memory_space<semaphore_mem>>
        %dma_start3A = arith.constant 0 : i32
        %dma_start3A_48 = arith.constant 0 : i32
        %dma_start3A_49 = tpu.memref_slice %arg18[%dma_start3A, %dma_start3A_48] : memref<160x128xf32, #tpu.memory_space<vmem>> -> memref<16x128xf32, #tpu.memory_space<vmem>>
        %dma_start3A_50 = arith.constant 0 : i32
        %dma_start3A_51 = tpu.memref_slice %arg21[%add3A, %dma_start3A_50] : memref<2560x128xf32, #tpu.memory_space<vmem_shared>> -> memref<16x128xf32, #tpu.memory_space<vmem_shared>>
        %dma_start3A_52 = arith.constant 0 : i32
        %dma_start3A_53 = tpu.memref_slice %arg21[%add3A, %dma_start3A_52] : memref<2560x128xf32, #tpu.memory_space<vmem_shared>> -> memref<16x128xf32, #tpu.memory_space<vmem_shared>>
        %dma_start3A_54 = arith.constant 0 : i32
        %dma_start3A_55 = arith.constant 0 : i32
        %dma_start3A_56 = tpu.memref_slice %arg18[%dma_start3A_54, %dma_start3A_55] : memref<160x128xf32, #tpu.memory_space<vmem>> -> memref<16x128xf32, #tpu.memory_space<vmem>>
        tpu.enqueue_dma source(%dma_start3A_56 : memref<16x128xf32, #tpu.memory_space<vmem>>) target(%dma_start3A_53 : memref<16x128xf32, #tpu.memory_space<vmem_shared>>) target_semaphore(%run_scoped3A : memref<!tpu.dma_semaphore, #tpu.memory_space<semaphore_mem>>)
        %dma_wait3A = arith.constant 0 : i32
        %dma_wait3A_57 = arith.constant 0 : i32
        %dma_wait3A_58 = tpu.memref_slice %arg18[%dma_wait3A, %dma_wait3A_57] : memref<160x128xf32, #tpu.memory_space<vmem>> -> memref<16x128xf32, #tpu.memory_space<vmem>>
        %dma_wait3A_59 = arith.constant 0 : i32
        %dma_wait3A_60 = tpu.memref_slice %arg21[%add3A, %dma_wait3A_59] : memref<2560x128xf32, #tpu.memory_space<vmem_shared>> -> memref<16x128xf32, #tpu.memory_space<vmem_shared>>
        %dma_wait3A_61 = arith.constant 0 : i32
        %dma_wait3A_62 = tpu.memref_slice %arg21[%add3A, %dma_wait3A_61] : memref<2560x128xf32, #tpu.memory_space<vmem_shared>> -> memref<16x128xf32, #tpu.memory_space<vmem_shared>>
        %dma_wait3A_63 = arith.constant 0 : i32
        %dma_wait3A_64 = arith.constant 0 : i32
        %dma_wait3A_65 = tpu.memref_slice %arg18[%dma_wait3A_63, %dma_wait3A_64] : memref<160x128xf32, #tpu.memory_space<vmem>> -> memref<16x128xf32, #tpu.memory_space<vmem>>
        tpu.wait_dma2 semaphore(%run_scoped3A : memref<!tpu.dma_semaphore, #tpu.memory_space<semaphore_mem>>) src(%dma_wait3A_65 : memref<16x128xf32, #tpu.memory_space<vmem>>) dst(%dma_wait3A_62 : memref<16x128xf32, #tpu.memory_space<vmem_shared>>)
        tpu.yield
      }) : () -> ()
    }
    %scan3A_25 = arith.constant 10 : i32
    %barrier3A = arith.constant 0 : index
    tpu.barrier barrier_id(%barrier3A)
    %scan3A_26 = arith.constant 0 : i32
    %scan3A_27 = arith.constant 0 : i32
    %scan3A_28 = arith.constant 125 : i32
    %scan3A_29 = arith.addi %scan3A_27, %scan3A_28 : i32
    %scan3A_30 = arith.constant 1 : i32
    scf.for %scan3A_45 = %scan3A_27 to %scan3A_29 step %scan3A_30  : i32 {
      %mul3A_46 = arith.constant 160 : i32
      %mul3A_47 = arith.muli %scan3A_45, %mul3A_46 : i32
      %add3A = arith.addi %mul3A_0, %mul3A_47 : i32
      %mul3A_48 = arith.constant 16 : i32
      %mul3A_49 = arith.muli %add3A, %mul3A_48 : i32
      %add3A_50 = arith.addi %mul3A_4, %add3A : i32
      %add3A_51 = arith.constant 320000 : i32
      %add3A_52 = arith.addi %mul3A_4, %add3A_51 : i32
      %add3A_53 = arith.addi %add3A_52, %add3A : i32
      %dma_start3A = tpu.memref_slice %arg2[%add3A] : memref<320000xi32, #tpu.memory_space<hbm>> -> memref<160xi32, #tpu.memory_space<hbm>>
      %dma_start3A_54 = tpu.memref_slice %arg2[%add3A] : memref<320000xi32, #tpu.memory_space<hbm>> -> memref<160xi32, #tpu.memory_space<hbm>>
      tpu.enqueue_dma source(%dma_start3A_54 : memref<160xi32, #tpu.memory_space<hbm>>) target(%arg9 : memref<160xi32, #tpu.memory_space<vmem>>) target_semaphore(%arg22 : memref<!tpu.dma_semaphore, #tpu.memory_space<semaphore_mem>>)
      %dma_start3A_55 = tpu.memref_slice %arg3[%add3A] : memref<320000xi32, #tpu.memory_space<hbm>> -> memref<160xi32, #tpu.memory_space<hbm>>
      %dma_start3A_56 = tpu.memref_slice %arg3[%add3A] : memref<320000xi32, #tpu.memory_space<hbm>> -> memref<160xi32, #tpu.memory_space<hbm>>
      tpu.enqueue_dma source(%dma_start3A_56 : memref<160xi32, #tpu.memory_space<hbm>>) target(%arg10 : memref<160xi32, #tpu.memory_space<vmem>>) target_semaphore(%arg22 : memref<!tpu.dma_semaphore, #tpu.memory_space<semaphore_mem>>)
      %dma_start3A_57 = tpu.memref_slice %arg6[%mul3A_49] : memref<5120000xf32, #tpu.memory_space<hbm>> -> memref<2560xf32, #tpu.memory_space<hbm>>
      %dma_start3A_58 = tpu.memref_slice %arg6[%mul3A_49] : memref<5120000xf32, #tpu.memory_space<hbm>> -> memref<2560xf32, #tpu.memory_space<hbm>>
      tpu.enqueue_dma source(%dma_start3A_58 : memref<2560xf32, #tpu.memory_space<hbm>>) target(%arg16 : memref<2560xf32, #tpu.memory_space<vmem>>) target_semaphore(%arg22 : memref<!tpu.dma_semaphore, #tpu.memory_space<semaphore_mem>>)
      %dma_start3A_59 = arith.constant 0 : i32
      %dma_start3A_60 = tpu.memref_slice %arg15[%dma_start3A_59] : memref<320xf32, #tpu.memory_space<vmem>> -> memref<160xf32, #tpu.memory_space<vmem>>
      %dma_start3A_61 = tpu.memref_slice %arg4[%add3A_50] : memref<1280000xf32, #tpu.memory_space<hbm>> -> memref<160xf32, #tpu.memory_space<hbm>>
      %dma_start3A_62 = arith.constant 0 : i32
      %dma_start3A_63 = tpu.memref_slice %arg15[%dma_start3A_62] : memref<320xf32, #tpu.memory_space<vmem>> -> memref<160xf32, #tpu.memory_space<vmem>>
      %dma_start3A_64 = tpu.memref_slice %arg4[%add3A_50] : memref<1280000xf32, #tpu.memory_space<hbm>> -> memref<160xf32, #tpu.memory_space<hbm>>
      tpu.enqueue_dma source(%dma_start3A_64 : memref<160xf32, #tpu.memory_space<hbm>>) target(%dma_start3A_63 : memref<160xf32, #tpu.memory_space<vmem>>) target_semaphore(%arg22 : memref<!tpu.dma_semaphore, #tpu.memory_space<semaphore_mem>>)
      %dma_start3A_65 = arith.constant 160 : i32
      %dma_start3A_66 = tpu.memref_slice %arg15[%dma_start3A_65] : memref<320xf32, #tpu.memory_space<vmem>> -> memref<160xf32, #tpu.memory_space<vmem>>
      %dma_start3A_67 = tpu.memref_slice %arg4[%add3A_53] : memref<1280000xf32, #tpu.memory_space<hbm>> -> memref<160xf32, #tpu.memory_space<hbm>>
      %dma_start3A_68 = arith.constant 160 : i32
      %dma_start3A_69 = tpu.memref_slice %arg15[%dma_start3A_68] : memref<320xf32, #tpu.memory_space<vmem>> -> memref<160xf32, #tpu.memory_space<vmem>>
      %dma_start3A_70 = tpu.memref_slice %arg4[%add3A_53] : memref<1280000xf32, #tpu.memory_space<hbm>> -> memref<160xf32, #tpu.memory_space<hbm>>
      tpu.enqueue_dma source(%dma_start3A_70 : memref<160xf32, #tpu.memory_space<hbm>>) target(%dma_start3A_69 : memref<160xf32, #tpu.memory_space<vmem>>) target_semaphore(%arg22 : memref<!tpu.dma_semaphore, #tpu.memory_space<semaphore_mem>>)
      %dma_wait3A = tpu.memref_slice %arg2[%add3A] : memref<320000xi32, #tpu.memory_space<hbm>> -> memref<160xi32, #tpu.memory_space<hbm>>
      %dma_wait3A_71 = tpu.memref_slice %arg2[%add3A] : memref<320000xi32, #tpu.memory_space<hbm>> -> memref<160xi32, #tpu.memory_space<hbm>>
      tpu.wait_dma2 semaphore(%arg22 : memref<!tpu.dma_semaphore, #tpu.memory_space<semaphore_mem>>) src(%dma_wait3A_71 : memref<160xi32, #tpu.memory_space<hbm>>) dst(%arg9 : memref<160xi32, #tpu.memory_space<vmem>>)
      %dma_wait3A_72 = tpu.memref_slice %arg3[%add3A] : memref<320000xi32, #tpu.memory_space<hbm>> -> memref<160xi32, #tpu.memory_space<hbm>>
      %dma_wait3A_73 = tpu.memref_slice %arg3[%add3A] : memref<320000xi32, #tpu.memory_space<hbm>> -> memref<160xi32, #tpu.memory_space<hbm>>
      tpu.wait_dma2 semaphore(%arg22 : memref<!tpu.dma_semaphore, #tpu.memory_space<semaphore_mem>>) src(%dma_wait3A_73 : memref<160xi32, #tpu.memory_space<hbm>>) dst(%arg10 : memref<160xi32, #tpu.memory_space<vmem>>)
      %dma_wait3A_74 = tpu.memref_slice %arg6[%mul3A_49] : memref<5120000xf32, #tpu.memory_space<hbm>> -> memref<2560xf32, #tpu.memory_space<hbm>>
      %dma_wait3A_75 = tpu.memref_slice %arg6[%mul3A_49] : memref<5120000xf32, #tpu.memory_space<hbm>> -> memref<2560xf32, #tpu.memory_space<hbm>>
      tpu.wait_dma2 semaphore(%arg22 : memref<!tpu.dma_semaphore, #tpu.memory_space<semaphore_mem>>) src(%dma_wait3A_75 : memref<2560xf32, #tpu.memory_space<hbm>>) dst(%arg16 : memref<2560xf32, #tpu.memory_space<vmem>>)
      %dma_wait3A_76 = arith.constant 0 : i32
      %dma_wait3A_77 = tpu.memref_slice %arg15[%dma_wait3A_76] : memref<320xf32, #tpu.memory_space<vmem>> -> memref<160xf32, #tpu.memory_space<vmem>>
      %dma_wait3A_78 = tpu.memref_slice %arg4[%add3A_50] : memref<1280000xf32, #tpu.memory_space<hbm>> -> memref<160xf32, #tpu.memory_space<hbm>>
      %dma_wait3A_79 = arith.constant 0 : i32
      %dma_wait3A_80 = tpu.memref_slice %arg15[%dma_wait3A_79] : memref<320xf32, #tpu.memory_space<vmem>> -> memref<160xf32, #tpu.memory_space<vmem>>
      %dma_wait3A_81 = tpu.memref_slice %arg4[%add3A_50] : memref<1280000xf32, #tpu.memory_space<hbm>> -> memref<160xf32, #tpu.memory_space<hbm>>
      tpu.wait_dma2 semaphore(%arg22 : memref<!tpu.dma_semaphore, #tpu.memory_space<semaphore_mem>>) src(%dma_wait3A_81 : memref<160xf32, #tpu.memory_space<hbm>>) dst(%dma_wait3A_80 : memref<160xf32, #tpu.memory_space<vmem>>)
      %dma_wait3A_82 = arith.constant 160 : i32
      %dma_wait3A_83 = tpu.memref_slice %arg15[%dma_wait3A_82] : memref<320xf32, #tpu.memory_space<vmem>> -> memref<160xf32, #tpu.memory_space<vmem>>
      %dma_wait3A_84 = tpu.memref_slice %arg4[%add3A_53] : memref<1280000xf32, #tpu.memory_space<hbm>> -> memref<160xf32, #tpu.memory_space<hbm>>
      %dma_wait3A_85 = arith.constant 160 : i32
      %dma_wait3A_86 = tpu.memref_slice %arg15[%dma_wait3A_85] : memref<320xf32, #tpu.memory_space<vmem>> -> memref<160xf32, #tpu.memory_space<vmem>>
      %dma_wait3A_87 = tpu.memref_slice %arg4[%add3A_53] : memref<1280000xf32, #tpu.memory_space<hbm>> -> memref<160xf32, #tpu.memory_space<hbm>>
      tpu.wait_dma2 semaphore(%arg22 : memref<!tpu.dma_semaphore, #tpu.memory_space<semaphore_mem>>) src(%dma_wait3A_87 : memref<160xf32, #tpu.memory_space<hbm>>) dst(%dma_wait3A_86 : memref<160xf32, #tpu.memory_space<vmem>>)
      %dma_start3A_88 = arith.constant 0 : i32
      %dma_start3A_89 = arith.constant 0 : i32
      %dma_start3A_90 = tpu.memref_slice %arg17[%dma_start3A_88, %dma_start3A_89] : memref<160x128xf32, #tpu.memory_space<vmem>> -> memref<80x128xf32, #tpu.memory_space<vmem>>
      %dma_start3A_91 = arith.constant 0 : i32
      %dma_start3A_92 = tpu.memref_slice %arg9[%dma_start3A_91] : memref<160xi32, #tpu.memory_space<vmem>> -> memref<80xi32, #tpu.memory_space<vmem>>
      %dma_start3A_93 = arith.constant 0 : i32
      %dma_start3A_94 = arith.constant 0 : i32
      %dma_start3A_95 = tpu.memref_slice %arg5[%dma_start3A_93, %dma_start3A_94] : memref<10000x128xf32, #tpu.memory_space<hbm>> -> memref<10000x128xf32, #tpu.memory_space<hbm>>
      tpu.enqueue_indirect_dma source(%dma_start3A_95 : memref<10000x128xf32, #tpu.memory_space<hbm>>) target(%dma_start3A_90 : memref<80x128xf32, #tpu.memory_space<vmem>>) offsets(%dma_start3A_92 : memref<80xi32, #tpu.memory_space<vmem>>) semaphore(%arg23 : memref<!tpu.dma_semaphore, #tpu.memory_space<semaphore_mem>>)
      %dma_start3A_96 = arith.constant 80 : i32
      %dma_start3A_97 = arith.constant 0 : i32
      %dma_start3A_98 = tpu.memref_slice %arg17[%dma_start3A_96, %dma_start3A_97] : memref<160x128xf32, #tpu.memory_space<vmem>> -> memref<80x128xf32, #tpu.memory_space<vmem>>
      %dma_start3A_99 = arith.constant 80 : i32
      %dma_start3A_100 = tpu.memref_slice %arg9[%dma_start3A_99] : memref<160xi32, #tpu.memory_space<vmem>> -> memref<80xi32, #tpu.memory_space<vmem>>
      %dma_start3A_101 = arith.constant 0 : i32
      %dma_start3A_102 = arith.constant 0 : i32
      %dma_start3A_103 = tpu.memref_slice %arg5[%dma_start3A_101, %dma_start3A_102] : memref<10000x128xf32, #tpu.memory_space<hbm>> -> memref<10000x128xf32, #tpu.memory_space<hbm>>
      tpu.enqueue_indirect_dma source(%dma_start3A_103 : memref<10000x128xf32, #tpu.memory_space<hbm>>) target(%dma_start3A_98 : memref<80x128xf32, #tpu.memory_space<vmem>>) offsets(%dma_start3A_100 : memref<80xi32, #tpu.memory_space<vmem>>) semaphore(%arg23 : memref<!tpu.dma_semaphore, #tpu.memory_space<semaphore_mem>>)
      %parallel_loop3A = arith.constant 0 : i32
      %parallel_loop3A_104 = arith.constant 10 : i32
      %parallel_loop3A_105 = arith.constant 1 : i32
      scf.for %parallel_loop3A_128 = %parallel_loop3A to %parallel_loop3A_104 step %parallel_loop3A_105  : i32 {
        %parallel_loop3A_129 = arith.constant 16 : i32
        %parallel_loop3A_130 = arith.muli %parallel_loop3A_128, %parallel_loop3A_129 : i32
        %parallel_loop3A_131 = arith.index_cast %parallel_loop3A_130 : i32 to index
        %parallel_loop3A_132 = tpu.vector_load %arg10[%parallel_loop3A_131] {strides = array<i32>} : memref<160xi32, #tpu.memory_space<vmem>>, vector<16xi32>,
        %parallel_loop3A_133 = arith.constant 1 : i32
        %parallel_loop3A_134 = vector.broadcast %parallel_loop3A_133 : i32 to vector<16xi32>
        %parallel_loop3A_135 = arith.shrui %parallel_loop3A_132, %parallel_loop3A_134 : vector<16xi32>
        %parallel_loop3A_136 = arith.constant 5 : i32
        %parallel_loop3A_137 = arith.divsi %parallel_loop3A_128, %parallel_loop3A_136 : i32
        %parallel_loop3A_138 = arith.constant 0 : i32
        %parallel_loop3A_139 = arith.cmpi sgt, %parallel_loop3A_128, %parallel_loop3A_138 : i32
        %parallel_loop3A_140 = arith.extui %parallel_loop3A_139 : i1 to i32
        %parallel_loop3A_141 = arith.constant 0 : i32
        %parallel_loop3A_142 = arith.cmpi slt, %parallel_loop3A_128, %parallel_loop3A_141 : i32
        %parallel_loop3A_143 = arith.extui %parallel_loop3A_142 : i1 to i32
        %parallel_loop3A_144 = arith.subi %parallel_loop3A_140, %parallel_loop3A_143 : i32
        %parallel_loop3A_145 = arith.constant 0 : i32
        %parallel_loop3A_146 = arith.cmpi sgt, %parallel_loop3A_136, %parallel_loop3A_145 : i32
        %parallel_loop3A_147 = arith.extui %parallel_loop3A_146 : i1 to i32
        %parallel_loop3A_148 = arith.constant 0 : i32
        %parallel_loop3A_149 = arith.cmpi slt, %parallel_loop3A_136, %parallel_loop3A_148 : i32
        %parallel_loop3A_150 = arith.extui %parallel_loop3A_149 : i1 to i32
        %parallel_loop3A_151 = arith.subi %parallel_loop3A_147, %parallel_loop3A_150 : i32
        %parallel_loop3A_152 = arith.cmpi ne, %parallel_loop3A_144, %parallel_loop3A_151 : i32
        %parallel_loop3A_153 = arith.remsi %parallel_loop3A_128, %parallel_loop3A_136 : i32
        %parallel_loop3A_154 = arith.constant 0 : i32
        %parallel_loop3A_155 = arith.cmpi ne, %parallel_loop3A_153, %parallel_loop3A_154 : i32
        %parallel_loop3A_156 = arith.andi %parallel_loop3A_152, %parallel_loop3A_155 : i1
        %parallel_loop3A_157 = arith.constant 1 : i32
        %parallel_loop3A_158 = arith.subi %parallel_loop3A_137, %parallel_loop3A_157 : i32
        %parallel_loop3A_159 = arith.select %parallel_loop3A_156, %parallel_loop3A_158, %parallel_loop3A_137 : i32
        %parallel_loop3A_160 = arith.constant 5 : i32
        %parallel_loop3A_161 = arith.constant 0 : i32
        %parallel_loop3A_162 = arith.cmpi eq, %parallel_loop3A_160, %parallel_loop3A_161 : i32
        %parallel_loop3A_163 = arith.constant 1 : i32
        %parallel_loop3A_164 = arith.select %parallel_loop3A_162, %parallel_loop3A_163, %parallel_loop3A_160 : i32
        %parallel_loop3A_165 = arith.remsi %parallel_loop3A_128, %parallel_loop3A_164 : i32
        %parallel_loop3A_166 = arith.constant 0 : i32
        %parallel_loop3A_167 = arith.cmpi ne, %parallel_loop3A_165, %parallel_loop3A_166 : i32
        %parallel_loop3A_168 = arith.constant 0 : i32
        %parallel_loop3A_169 = arith.cmpi slt, %parallel_loop3A_165, %parallel_loop3A_168 : i32
        %parallel_loop3A_170 = arith.constant 0 : i32
        %parallel_loop3A_171 = arith.cmpi slt, %parallel_loop3A_164, %parallel_loop3A_170 : i32
        %parallel_loop3A_172 = arith.xori %parallel_loop3A_169, %parallel_loop3A_171 : i1
        %parallel_loop3A_173 = arith.andi %parallel_loop3A_172, %parallel_loop3A_167 : i1
        %parallel_loop3A_174 = arith.addi %parallel_loop3A_165, %parallel_loop3A_164 : i32
        %parallel_loop3A_175 = arith.select %parallel_loop3A_173, %parallel_loop3A_174, %parallel_loop3A_165 : i32
        %parallel_loop3A_176 = arith.constant 16 : i32
        %parallel_loop3A_177 = arith.muli %parallel_loop3A_175, %parallel_loop3A_176 : i32
        %parallel_loop3A_178 = arith.index_cast %parallel_loop3A_159 : i32 to index
        %parallel_loop3A_179 = arith.index_cast %parallel_loop3A_177 : i32 to index
        %parallel_loop3A_180 = tpu.vector_load %arg11[%parallel_loop3A_178, %parallel_loop3A_179] {strides = array<i32>} : memref<2x80xi32, #tpu.memory_space<vmem>>, vector<16xi32>,
        tpu.vector_store %arg11[%parallel_loop3A_178, %parallel_loop3A_179], %parallel_loop3A_135 {strides = array<i32>} : memref<2x80xi32, #tpu.memory_space<vmem>>, vector<16xi32>,
        %parallel_loop3A_181 = arith.constant 2 : i32
        %parallel_loop3A_182 = vector.broadcast %parallel_loop3A_181 : i32 to vector<16xi32>
        %parallel_loop3A_183 = arith.shrui %parallel_loop3A_132, %parallel_loop3A_182 : vector<16xi32>
        %parallel_loop3A_184 = arith.constant 5 : i32
        %parallel_loop3A_185 = arith.divsi %parallel_loop3A_128, %parallel_loop3A_184 : i32
        %parallel_loop3A_186 = arith.constant 0 : i32
        %parallel_loop3A_187 = arith.cmpi sgt, %parallel_loop3A_128, %parallel_loop3A_186 : i32
        %parallel_loop3A_188 = arith.extui %parallel_loop3A_187 : i1 to i32
        %parallel_loop3A_189 = arith.constant 0 : i32
        %parallel_loop3A_190 = arith.cmpi slt, %parallel_loop3A_128, %parallel_loop3A_189 : i32
        %parallel_loop3A_191 = arith.extui %parallel_loop3A_190 : i1 to i32
        %parallel_loop3A_192 = arith.subi %parallel_loop3A_188, %parallel_loop3A_191 : i32
        %parallel_loop3A_193 = arith.constant 0 : i32
        %parallel_loop3A_194 = arith.cmpi sgt, %parallel_loop3A_184, %parallel_loop3A_193 : i32
        %parallel_loop3A_195 = arith.extui %parallel_loop3A_194 : i1 to i32
        %parallel_loop3A_196 = arith.constant 0 : i32
        %parallel_loop3A_197 = arith.cmpi slt, %parallel_loop3A_184, %parallel_loop3A_196 : i32
        %parallel_loop3A_198 = arith.extui %parallel_loop3A_197 : i1 to i32
        %parallel_loop3A_199 = arith.subi %parallel_loop3A_195, %parallel_loop3A_198 : i32
        %parallel_loop3A_200 = arith.cmpi ne, %parallel_loop3A_192, %parallel_loop3A_199 : i32
        %parallel_loop3A_201 = arith.remsi %parallel_loop3A_128, %parallel_loop3A_184 : i32
        %parallel_loop3A_202 = arith.constant 0 : i32
        %parallel_loop3A_203 = arith.cmpi ne, %parallel_loop3A_201, %parallel_loop3A_202 : i32
        %parallel_loop3A_204 = arith.andi %parallel_loop3A_200, %parallel_loop3A_203 : i1
        %parallel_loop3A_205 = arith.constant 1 : i32
        %parallel_loop3A_206 = arith.subi %parallel_loop3A_185, %parallel_loop3A_205 : i32
        %parallel_loop3A_207 = arith.select %parallel_loop3A_204, %parallel_loop3A_206, %parallel_loop3A_185 : i32
        %parallel_loop3A_208 = arith.constant 5 : i32
        %parallel_loop3A_209 = arith.constant 0 : i32
        %parallel_loop3A_210 = arith.cmpi eq, %parallel_loop3A_208, %parallel_loop3A_209 : i32
        %parallel_loop3A_211 = arith.constant 1 : i32
        %parallel_loop3A_212 = arith.select %parallel_loop3A_210, %parallel_loop3A_211, %parallel_loop3A_208 : i32
        %parallel_loop3A_213 = arith.remsi %parallel_loop3A_128, %parallel_loop3A_212 : i32
        %parallel_loop3A_214 = arith.constant 0 : i32
        %parallel_loop3A_215 = arith.cmpi ne, %parallel_loop3A_213, %parallel_loop3A_214 : i32
        %parallel_loop3A_216 = arith.constant 0 : i32
        %parallel_loop3A_217 = arith.cmpi slt, %parallel_loop3A_213, %parallel_loop3A_216 : i32
        %parallel_loop3A_218 = arith.constant 0 : i32
        %parallel_loop3A_219 = arith.cmpi slt, %parallel_loop3A_212, %parallel_loop3A_218 : i32
        %parallel_loop3A_220 = arith.xori %parallel_loop3A_217, %parallel_loop3A_219 : i1
        %parallel_loop3A_221 = arith.andi %parallel_loop3A_220, %parallel_loop3A_215 : i1
        %parallel_loop3A_222 = arith.addi %parallel_loop3A_213, %parallel_loop3A_212 : i32
        %parallel_loop3A_223 = arith.select %parallel_loop3A_221, %parallel_loop3A_222, %parallel_loop3A_213 : i32
        %parallel_loop3A_224 = arith.constant 16 : i32
        %parallel_loop3A_225 = arith.muli %parallel_loop3A_223, %parallel_loop3A_224 : i32
        %parallel_loop3A_226 = arith.index_cast %parallel_loop3A_207 : i32 to index
        %parallel_loop3A_227 = arith.index_cast %parallel_loop3A_225 : i32 to index
        %parallel_loop3A_228 = tpu.vector_load %arg12[%parallel_loop3A_226, %parallel_loop3A_227] {strides = array<i32>} : memref<2x80xi32, #tpu.memory_space<vmem>>, vector<16xi32>,
        tpu.vector_store %arg12[%parallel_loop3A_226, %parallel_loop3A_227], %parallel_loop3A_183 {strides = array<i32>} : memref<2x80xi32, #tpu.memory_space<vmem>>, vector<16xi32>,
        %parallel_loop3A_229 = arith.constant 1 : i32
        %parallel_loop3A_230 = vector.broadcast %parallel_loop3A_229 : i32 to vector<16xi32>
        %parallel_loop3A_231 = arith.andi %parallel_loop3A_132, %parallel_loop3A_230 : vector<16xi32>
        %parallel_loop3A_232 = arith.sitofp %parallel_loop3A_231 : vector<16xi32> to vector<16xf32>
        %parallel_loop3A_233 = arith.constant 16 : i32
        %parallel_loop3A_234 = arith.muli %parallel_loop3A_128, %parallel_loop3A_233 : i32
        %parallel_loop3A_235 = arith.index_cast %parallel_loop3A_234 : i32 to index
        %parallel_loop3A_236 = tpu.vector_load %arg13[%parallel_loop3A_235] {strides = array<i32>} : memref<160xf32, #tpu.memory_space<vmem>>, vector<16xf32>,
        tpu.vector_store %arg13[%parallel_loop3A_235], %parallel_loop3A_232 {strides = array<i32>} : memref<160xf32, #tpu.memory_space<vmem>>, vector<16xf32>,
        %parallel_loop3A_237 = arith.constant 3 : i32
        %parallel_loop3A_238 = vector.broadcast %parallel_loop3A_237 : i32 to vector<16xi32>
        %parallel_loop3A_239 = arith.andi %parallel_loop3A_132, %parallel_loop3A_238 : vector<16xi32>
        %parallel_loop3A_240 = arith.constant 16 : i32
        %parallel_loop3A_241 = arith.muli %parallel_loop3A_128, %parallel_loop3A_240 : i32
        %parallel_loop3A_242 = arith.index_cast %parallel_loop3A_241 : i32 to index
        %parallel_loop3A_243 = tpu.vector_load %arg14[%parallel_loop3A_242] {strides = array<i32>} : memref<160xi32, #tpu.memory_space<vmem>>, vector<16xi32>,
        tpu.vector_store %arg14[%parallel_loop3A_242], %parallel_loop3A_239 {strides = array<i32>} : memref<160xi32, #tpu.memory_space<vmem>>, vector<16xi32>,
      } {sc.loop_unroll_factor = 2 : i64, sc.parallel_access}
      %dma_wait3A_106 = arith.constant 0 : i32
      %dma_wait3A_107 = arith.constant 0 : i32
      %dma_wait3A_108 = tpu.memref_slice %arg17[%dma_wait3A_106, %dma_wait3A_107] : memref<160x128xf32, #tpu.memory_space<vmem>> -> memref<80x128xf32, #tpu.memory_space<vmem>>
      %dma_wait3A_109 = arith.constant 0 : i32
      %dma_wait3A_110 = tpu.memref_slice %arg9[%dma_wait3A_109] : memref<160xi32, #tpu.memory_space<vmem>> -> memref<80xi32, #tpu.memory_space<vmem>>
      %dma_wait3A_111 = arith.constant 0 : i32
      %dma_wait3A_112 = arith.constant 0 : i32
      %dma_wait3A_113 = tpu.memref_slice %arg5[%dma_wait3A_111, %dma_wait3A_112] : memref<10000x128xf32, #tpu.memory_space<hbm>> -> memref<10000x128xf32, #tpu.memory_space<hbm>>
      tpu.wait_indirect_dma semaphore(%arg23 : memref<!tpu.dma_semaphore, #tpu.memory_space<semaphore_mem>>) src(%dma_wait3A_113 : memref<10000x128xf32, #tpu.memory_space<hbm>>) dst(%dma_wait3A_108 : memref<80x128xf32, #tpu.memory_space<vmem>>)
      %dma_wait3A_114 = arith.constant 80 : i32
      %dma_wait3A_115 = arith.constant 0 : i32
      %dma_wait3A_116 = tpu.memref_slice %arg17[%dma_wait3A_114, %dma_wait3A_115] : memref<160x128xf32, #tpu.memory_space<vmem>> -> memref<80x128xf32, #tpu.memory_space<vmem>>
      %dma_wait3A_117 = arith.constant 80 : i32
      %dma_wait3A_118 = tpu.memref_slice %arg9[%dma_wait3A_117] : memref<160xi32, #tpu.memory_space<vmem>> -> memref<80xi32, #tpu.memory_space<vmem>>
      %dma_wait3A_119 = arith.constant 0 : i32
      %dma_wait3A_120 = arith.constant 0 : i32
      %dma_wait3A_121 = tpu.memref_slice %arg5[%dma_wait3A_119, %dma_wait3A_120] : memref<10000x128xf32, #tpu.memory_space<hbm>> -> memref<10000x128xf32, #tpu.memory_space<hbm>>
      tpu.wait_indirect_dma semaphore(%arg23 : memref<!tpu.dma_semaphore, #tpu.memory_space<semaphore_mem>>) src(%dma_wait3A_121 : memref<10000x128xf32, #tpu.memory_space<hbm>>) dst(%dma_wait3A_116 : memref<80x128xf32, #tpu.memory_space<vmem>>)
      %parallel_loop3A_122 = arith.constant 0 : i32
      %parallel_loop3A_123 = arith.constant 160 : i32
      %parallel_loop3A_124 = arith.constant 1 : i32
      scf.for %parallel_loop3A_128 = %parallel_loop3A_122 to %parallel_loop3A_123 step %parallel_loop3A_124  : i32 {
        %parallel_loop3A_129 = vector.broadcast %parallel_loop3A_128 : i32 to vector<16xi32>
        %parallel_loop3A_130 = arith.constant 0 : i32
        %parallel_loop3A_131 = vector.broadcast %parallel_loop3A_130 : i32 to vector<16xi32>
        %parallel_loop3A_132 = arith.addi %parallel_loop3A_129, %parallel_loop3A_131 : vector<16xi32>
        %parallel_loop3A_133 = tpu.vector_load_idx %arg15[%parallel_loop3A_132] : memref<320xf32, #tpu.memory_space<vmem>>[vector<16xi32>], vector<16xf32>,
        %parallel_loop3A_134 = arith.constant 160 : i32
        %parallel_loop3A_135 = vector.broadcast %parallel_loop3A_134 : i32 to vector<16xi32>
        %parallel_loop3A_136 = arith.addi %parallel_loop3A_129, %parallel_loop3A_135 : vector<16xi32>
        %parallel_loop3A_137 = tpu.vector_load_idx %arg15[%parallel_loop3A_136] : memref<320xf32, #tpu.memory_space<vmem>>[vector<16xi32>], vector<16xf32>,
        %parallel_loop3A_138 = tpu.vector_load_idx %arg13[%parallel_loop3A_129] : memref<160xf32, #tpu.memory_space<vmem>>[vector<16xi32>], vector<16xf32>,
        %parallel_loop3A_139 = arith.constant 1.000000e+00 : f32
        %parallel_loop3A_140 = vector.broadcast %parallel_loop3A_139 : f32 to vector<16xf32>
        %parallel_loop3A_141 = arith.subf %parallel_loop3A_140, %parallel_loop3A_138 : vector<16xf32>
        %parallel_loop3A_142 = arith.constant 64 : i32
        %parallel_loop3A_143 = arith.muli %arg0, %parallel_loop3A_142 : i32
        %parallel_loop3A_144 = arith.constant 0 : i32
        %parallel_loop3A_145 = arith.addi %parallel_loop3A_143, %parallel_loop3A_144 : i32
        %parallel_loop3A_146 = arith.index_cast %parallel_loop3A_128 : i32 to index
        %parallel_loop3A_147 = arith.index_cast %parallel_loop3A_145 : i32 to index
        %parallel_loop3A_148 = tpu.vector_load %arg17[%parallel_loop3A_146, %parallel_loop3A_147] {strides = array<i32>} : memref<160x128xf32, #tpu.memory_space<vmem>>, vector<16xf32>,
        %parallel_loop3A_149 = arith.mulf %parallel_loop3A_148, %parallel_loop3A_133 : vector<16xf32>
        %parallel_loop3A_150 = arith.mulf %parallel_loop3A_149, %parallel_loop3A_141 : vector<16xf32>
        %parallel_loop3A_151 = arith.index_cast %parallel_loop3A_128 : i32 to index
        %parallel_loop3A_152 = arith.constant 0 : index
        %parallel_loop3A_153 = tpu.vector_load %arg18[%parallel_loop3A_151, %parallel_loop3A_152] {strides = array<i32>} : memref<160x128xf32, #tpu.memory_space<vmem>>, vector<16xf32>,
        tpu.vector_store %arg18[%parallel_loop3A_151, %parallel_loop3A_152], %parallel_loop3A_150 {strides = array<i32>} : memref<160x128xf32, #tpu.memory_space<vmem>>, vector<16xf32>,
        %parallel_loop3A_154 = arith.mulf %parallel_loop3A_149, %parallel_loop3A_138 : vector<16xf32>
        %parallel_loop3A_155 = arith.index_cast %parallel_loop3A_128 : i32 to index
        %parallel_loop3A_156 = arith.constant 64 : index
        %parallel_loop3A_157 = tpu.vector_load %arg18[%parallel_loop3A_155, %parallel_loop3A_156] {strides = array<i32>} : memref<160x128xf32, #tpu.memory_space<vmem>>, vector<16xf32>,
        tpu.vector_store %arg18[%parallel_loop3A_155, %parallel_loop3A_156], %parallel_loop3A_154 {strides = array<i32>} : memref<160x128xf32, #tpu.memory_space<vmem>>, vector<16xf32>,
        %parallel_loop3A_158 = arith.constant 64 : i32
        %parallel_loop3A_159 = arith.muli %arg0, %parallel_loop3A_158 : i32
        %parallel_loop3A_160 = arith.constant 16 : i32
        %parallel_loop3A_161 = arith.addi %parallel_loop3A_159, %parallel_loop3A_160 : i32
        %parallel_loop3A_162 = arith.index_cast %parallel_loop3A_128 : i32 to index
        %parallel_loop3A_163 = arith.index_cast %parallel_loop3A_161 : i32 to index
        %parallel_loop3A_164 = tpu.vector_load %arg17[%parallel_loop3A_162, %parallel_loop3A_163] {strides = array<i32>} : memref<160x128xf32, #tpu.memory_space<vmem>>, vector<16xf32>,
        %parallel_loop3A_165 = arith.mulf %parallel_loop3A_164, %parallel_loop3A_133 : vector<16xf32>
        %parallel_loop3A_166 = arith.mulf %parallel_loop3A_165, %parallel_loop3A_141 : vector<16xf32>
        %parallel_loop3A_167 = arith.index_cast %parallel_loop3A_128 : i32 to index
        %parallel_loop3A_168 = arith.constant 16 : index
        %parallel_loop3A_169 = tpu.vector_load %arg18[%parallel_loop3A_167, %parallel_loop3A_168] {strides = array<i32>} : memref<160x128xf32, #tpu.memory_space<vmem>>, vector<16xf32>,
        tpu.vector_store %arg18[%parallel_loop3A_167, %parallel_loop3A_168], %parallel_loop3A_166 {strides = array<i32>} : memref<160x128xf32, #tpu.memory_space<vmem>>, vector<16xf32>,
        %parallel_loop3A_170 = arith.mulf %parallel_loop3A_165, %parallel_loop3A_138 : vector<16xf32>
        %parallel_loop3A_171 = arith.index_cast %parallel_loop3A_128 : i32 to index
        %parallel_loop3A_172 = arith.constant 80 : index
        %parallel_loop3A_173 = tpu.vector_load %arg18[%parallel_loop3A_171, %parallel_loop3A_172] {strides = array<i32>} : memref<160x128xf32, #tpu.memory_space<vmem>>, vector<16xf32>,
        tpu.vector_store %arg18[%parallel_loop3A_171, %parallel_loop3A_172], %parallel_loop3A_170 {strides = array<i32>} : memref<160x128xf32, #tpu.memory_space<vmem>>, vector<16xf32>,
        %parallel_loop3A_174 = arith.constant 64 : i32
        %parallel_loop3A_175 = arith.muli %arg0, %parallel_loop3A_174 : i32
        %parallel_loop3A_176 = arith.constant 32 : i32
        %parallel_loop3A_177 = arith.addi %parallel_loop3A_175, %parallel_loop3A_176 : i32
        %parallel_loop3A_178 = arith.index_cast %parallel_loop3A_128 : i32 to index
        %parallel_loop3A_179 = arith.index_cast %parallel_loop3A_177 : i32 to index
        %parallel_loop3A_180 = tpu.vector_load %arg17[%parallel_loop3A_178, %parallel_loop3A_179] {strides = array<i32>} : memref<160x128xf32, #tpu.memory_space<vmem>>, vector<16xf32>,
        %parallel_loop3A_181 = arith.mulf %parallel_loop3A_180, %parallel_loop3A_137 : vector<16xf32>
        %parallel_loop3A_182 = arith.mulf %parallel_loop3A_181, %parallel_loop3A_141 : vector<16xf32>
        %parallel_loop3A_183 = arith.index_cast %parallel_loop3A_128 : i32 to index
        %parallel_loop3A_184 = arith.constant 32 : index
        %parallel_loop3A_185 = tpu.vector_load %arg18[%parallel_loop3A_183, %parallel_loop3A_184] {strides = array<i32>} : memref<160x128xf32, #tpu.memory_space<vmem>>, vector<16xf32>,
        tpu.vector_store %arg18[%parallel_loop3A_183, %parallel_loop3A_184], %parallel_loop3A_182 {strides = array<i32>} : memref<160x128xf32, #tpu.memory_space<vmem>>, vector<16xf32>,
        %parallel_loop3A_186 = arith.mulf %parallel_loop3A_181, %parallel_loop3A_138 : vector<16xf32>
        %parallel_loop3A_187 = arith.index_cast %parallel_loop3A_128 : i32 to index
        %parallel_loop3A_188 = arith.constant 96 : index
        %parallel_loop3A_189 = tpu.vector_load %arg18[%parallel_loop3A_187, %parallel_loop3A_188] {strides = array<i32>} : memref<160x128xf32, #tpu.memory_space<vmem>>, vector<16xf32>,
        tpu.vector_store %arg18[%parallel_loop3A_187, %parallel_loop3A_188], %parallel_loop3A_186 {strides = array<i32>} : memref<160x128xf32, #tpu.memory_space<vmem>>, vector<16xf32>,
        %parallel_loop3A_190 = arith.constant 64 : i32
        %parallel_loop3A_191 = arith.muli %arg0, %parallel_loop3A_190 : i32
        %parallel_loop3A_192 = arith.constant 48 : i32
        %parallel_loop3A_193 = arith.addi %parallel_loop3A_191, %parallel_loop3A_192 : i32
        %parallel_loop3A_194 = arith.index_cast %parallel_loop3A_128 : i32 to index
        %parallel_loop3A_195 = arith.index_cast %parallel_loop3A_193 : i32 to index
        %parallel_loop3A_196 = tpu.vector_load %arg17[%parallel_loop3A_194, %parallel_loop3A_195] {strides = array<i32>} : memref<160x128xf32, #tpu.memory_space<vmem>>, vector<16xf32>,
        %parallel_loop3A_197 = arith.mulf %parallel_loop3A_196, %parallel_loop3A_137 : vector<16xf32>
        %parallel_loop3A_198 = arith.mulf %parallel_loop3A_197, %parallel_loop3A_141 : vector<16xf32>
        %parallel_loop3A_199 = arith.index_cast %parallel_loop3A_128 : i32 to index
        %parallel_loop3A_200 = arith.constant 48 : index
        %parallel_loop3A_201 = tpu.vector_load %arg18[%parallel_loop3A_199, %parallel_loop3A_200] {strides = array<i32>} : memref<160x128xf32, #tpu.memory_space<vmem>>, vector<16xf32>,
        tpu.vector_store %arg18[%parallel_loop3A_199, %parallel_loop3A_200], %parallel_loop3A_198 {strides = array<i32>} : memref<160x128xf32, #tpu.memory_space<vmem>>, vector<16xf32>,
        %parallel_loop3A_202 = arith.mulf %parallel_loop3A_197, %parallel_loop3A_138 : vector<16xf32>
        %parallel_loop3A_203 = arith.index_cast %parallel_loop3A_128 : i32 to index
        %parallel_loop3A_204 = arith.constant 112 : index
        %parallel_loop3A_205 = tpu.vector_load %arg18[%parallel_loop3A_203, %parallel_loop3A_204] {strides = array<i32>} : memref<160x128xf32, #tpu.memory_space<vmem>>, vector<16xf32>,
        tpu.vector_store %arg18[%parallel_loop3A_203, %parallel_loop3A_204], %parallel_loop3A_202 {strides = array<i32>} : memref<160x128xf32, #tpu.memory_space<vmem>>, vector<16xf32>,
        %parallel_loop3A_206 = tpu.vector_load_idx %arg14[%parallel_loop3A_129] : memref<160xi32, #tpu.memory_space<vmem>>[vector<16xi32>], vector<16xi32>,
        %parallel_loop3A_207 = arith.constant 16 : i32
        %parallel_loop3A_208 = arith.muli %parallel_loop3A_128, %parallel_loop3A_207 : i32
        %parallel_loop3A_209 = arith.index_cast %parallel_loop3A_208 : i32 to index
        %parallel_loop3A_210 = tpu.vector_load %arg16[%parallel_loop3A_209] {strides = array<i32>} : memref<2560xf32, #tpu.memory_space<vmem>>, vector<16xf32>,
        %parallel_loop3A_211 = arith.constant 0 : i32
        %parallel_loop3A_212 = vector.broadcast %parallel_loop3A_211 : i32 to vector<16xi32>
        %parallel_loop3A_213 = arith.cmpi eq, %parallel_loop3A_206, %parallel_loop3A_212 : vector<16xi32>
        %parallel_loop3A_214 = arith.constant 1.000000e+00 : f32
        %parallel_loop3A_215 = arith.constant 0.000000e+00 : f32
        %parallel_loop3A_216 = vector.broadcast %parallel_loop3A_214 : f32 to vector<16xf32>
        %parallel_loop3A_217 = vector.broadcast %parallel_loop3A_215 : f32 to vector<16xf32>
        %parallel_loop3A_218 = arith.select %parallel_loop3A_213, %parallel_loop3A_216, %parallel_loop3A_217 : vector<16xi1>, vector<16xf32>
        %parallel_loop3A_219 = arith.constant 1 : i32
        %parallel_loop3A_220 = vector.broadcast %parallel_loop3A_219 : i32 to vector<16xi32>
        %parallel_loop3A_221 = arith.cmpi eq, %parallel_loop3A_206, %parallel_loop3A_220 : vector<16xi32>
        %parallel_loop3A_222 = arith.constant 1.000000e+00 : f32
        %parallel_loop3A_223 = arith.constant 0.000000e+00 : f32
        %parallel_loop3A_224 = vector.broadcast %parallel_loop3A_222 : f32 to vector<16xf32>
        %parallel_loop3A_225 = vector.broadcast %parallel_loop3A_223 : f32 to vector<16xf32>
        %parallel_loop3A_226 = arith.select %parallel_loop3A_221, %parallel_loop3A_224, %parallel_loop3A_225 : vector<16xi1>, vector<16xf32>
        %parallel_loop3A_227 = arith.constant 2 : i32
        %parallel_loop3A_228 = vector.broadcast %parallel_loop3A_227 : i32 to vector<16xi32>
        %parallel_loop3A_229 = arith.cmpi eq, %parallel_loop3A_206, %parallel_loop3A_228 : vector<16xi32>
        %parallel_loop3A_230 = arith.constant 1.000000e+00 : f32
        %parallel_loop3A_231 = arith.constant 0.000000e+00 : f32
        %parallel_loop3A_232 = vector.broadcast %parallel_loop3A_230 : f32 to vector<16xf32>
        %parallel_loop3A_233 = vector.broadcast %parallel_loop3A_231 : f32 to vector<16xf32>
        %parallel_loop3A_234 = arith.select %parallel_loop3A_229, %parallel_loop3A_232, %parallel_loop3A_233 : vector<16xi1>, vector<16xf32>
        %parallel_loop3A_235 = arith.constant 3 : i32
        %parallel_loop3A_236 = vector.broadcast %parallel_loop3A_235 : i32 to vector<16xi32>
        %parallel_loop3A_237 = arith.cmpi eq, %parallel_loop3A_206, %parallel_loop3A_236 : vector<16xi32>
        %parallel_loop3A_238 = arith.constant 1.000000e+00 : f32
        %parallel_loop3A_239 = arith.constant 0.000000e+00 : f32
        %parallel_loop3A_240 = vector.broadcast %parallel_loop3A_238 : f32 to vector<16xf32>
        %parallel_loop3A_241 = vector.broadcast %parallel_loop3A_239 : f32 to vector<16xf32>
        %parallel_loop3A_242 = arith.select %parallel_loop3A_237, %parallel_loop3A_240, %parallel_loop3A_241 : vector<16xi1>, vector<16xf32>
        %parallel_loop3A_243 = arith.mulf %parallel_loop3A_210, %parallel_loop3A_133 : vector<16xf32>
        %parallel_loop3A_244 = arith.mulf %parallel_loop3A_243, %parallel_loop3A_218 : vector<16xf32>
        %parallel_loop3A_245 = arith.index_cast %parallel_loop3A_128 : i32 to index
        %parallel_loop3A_246 = arith.constant 0 : index
        %parallel_loop3A_247 = tpu.vector_load %arg19[%parallel_loop3A_245, %parallel_loop3A_246] {strides = array<i32>} : memref<160x128xf32, #tpu.memory_space<vmem>>, vector<16xf32>,
        tpu.vector_store %arg19[%parallel_loop3A_245, %parallel_loop3A_246], %parallel_loop3A_244 {strides = array<i32>} : memref<160x128xf32, #tpu.memory_space<vmem>>, vector<16xf32>,
        %parallel_loop3A_248 = arith.mulf %parallel_loop3A_243, %parallel_loop3A_226 : vector<16xf32>
        %parallel_loop3A_249 = arith.index_cast %parallel_loop3A_128 : i32 to index
        %parallel_loop3A_250 = arith.constant 32 : index
        %parallel_loop3A_251 = tpu.vector_load %arg19[%parallel_loop3A_249, %parallel_loop3A_250] {strides = array<i32>} : memref<160x128xf32, #tpu.memory_space<vmem>>, vector<16xf32>,
        tpu.vector_store %arg19[%parallel_loop3A_249, %parallel_loop3A_250], %parallel_loop3A_248 {strides = array<i32>} : memref<160x128xf32, #tpu.memory_space<vmem>>, vector<16xf32>,
        %parallel_loop3A_252 = arith.mulf %parallel_loop3A_243, %parallel_loop3A_234 : vector<16xf32>
        %parallel_loop3A_253 = arith.index_cast %parallel_loop3A_128 : i32 to index
        %parallel_loop3A_254 = arith.constant 64 : index
        %parallel_loop3A_255 = tpu.vector_load %arg19[%parallel_loop3A_253, %parallel_loop3A_254] {strides = array<i32>} : memref<160x128xf32, #tpu.memory_space<vmem>>, vector<16xf32>,
        tpu.vector_store %arg19[%parallel_loop3A_253, %parallel_loop3A_254], %parallel_loop3A_252 {strides = array<i32>} : memref<160x128xf32, #tpu.memory_space<vmem>>, vector<16xf32>,
        %parallel_loop3A_256 = arith.mulf %parallel_loop3A_243, %parallel_loop3A_242 : vector<16xf32>
        %parallel_loop3A_257 = arith.index_cast %parallel_loop3A_128 : i32 to index
        %parallel_loop3A_258 = arith.constant 96 : index
        %parallel_loop3A_259 = tpu.vector_load %arg19[%parallel_loop3A_257, %parallel_loop3A_258] {strides = array<i32>} : memref<160x128xf32, #tpu.memory_space<vmem>>, vector<16xf32>,
        tpu.vector_store %arg19[%parallel_loop3A_257, %parallel_loop3A_258], %parallel_loop3A_256 {strides = array<i32>} : memref<160x128xf32, #tpu.memory_space<vmem>>, vector<16xf32>,
        %parallel_loop3A_260 = arith.mulf %parallel_loop3A_210, %parallel_loop3A_137 : vector<16xf32>
        %parallel_loop3A_261 = arith.mulf %parallel_loop3A_260, %parallel_loop3A_218 : vector<16xf32>
        %parallel_loop3A_262 = arith.index_cast %parallel_loop3A_128 : i32 to index
        %parallel_loop3A_263 = arith.constant 16 : index
        %parallel_loop3A_264 = tpu.vector_load %arg19[%parallel_loop3A_262, %parallel_loop3A_263] {strides = array<i32>} : memref<160x128xf32, #tpu.memory_space<vmem>>, vector<16xf32>,
        tpu.vector_store %arg19[%parallel_loop3A_262, %parallel_loop3A_263], %parallel_loop3A_261 {strides = array<i32>} : memref<160x128xf32, #tpu.memory_space<vmem>>, vector<16xf32>,
        %parallel_loop3A_265 = arith.mulf %parallel_loop3A_260, %parallel_loop3A_226 : vector<16xf32>
        %parallel_loop3A_266 = arith.index_cast %parallel_loop3A_128 : i32 to index
        %parallel_loop3A_267 = arith.constant 48 : index
        %parallel_loop3A_268 = tpu.vector_load %arg19[%parallel_loop3A_266, %parallel_loop3A_267] {strides = array<i32>} : memref<160x128xf32, #tpu.memory_space<vmem>>, vector<16xf32>,
        tpu.vector_store %arg19[%parallel_loop3A_266, %parallel_loop3A_267], %parallel_loop3A_265 {strides = array<i32>} : memref<160x128xf32, #tpu.memory_space<vmem>>, vector<16xf32>,
        %parallel_loop3A_269 = arith.mulf %parallel_loop3A_260, %parallel_loop3A_234 : vector<16xf32>
        %parallel_loop3A_270 = arith.index_cast %parallel_loop3A_128 : i32 to index
        %parallel_loop3A_271 = arith.constant 80 : index
        %parallel_loop3A_272 = tpu.vector_load %arg19[%parallel_loop3A_270, %parallel_loop3A_271] {strides = array<i32>} : memref<160x128xf32, #tpu.memory_space<vmem>>, vector<16xf32>,
        tpu.vector_store %arg19[%parallel_loop3A_270, %parallel_loop3A_271], %parallel_loop3A_269 {strides = array<i32>} : memref<160x128xf32, #tpu.memory_space<vmem>>, vector<16xf32>,
        %parallel_loop3A_273 = arith.mulf %parallel_loop3A_260, %parallel_loop3A_242 : vector<16xf32>
        %parallel_loop3A_274 = arith.index_cast %parallel_loop3A_128 : i32 to index
        %parallel_loop3A_275 = arith.constant 112 : index
        %parallel_loop3A_276 = tpu.vector_load %arg19[%parallel_loop3A_274, %parallel_loop3A_275] {strides = array<i32>} : memref<160x128xf32, #tpu.memory_space<vmem>>, vector<16xf32>,
        tpu.vector_store %arg19[%parallel_loop3A_274, %parallel_loop3A_275], %parallel_loop3A_273 {strides = array<i32>} : memref<160x128xf32, #tpu.memory_space<vmem>>, vector<16xf32>,
      } {sc.loop_unroll_factor = 4 : i64, sc.parallel_access}
      %run_scoped3A = arith.constant 0 : i32
      "tpu.region"() ({
        %run_scoped3A_128 = tpu.sem_alloc : memref<!tpu.dma_semaphore, #tpu.memory_space<semaphore_mem>>
        %dma_start3A_129 = arith.constant 0 : i32
        %dma_start3A_130 = arith.constant 0 : i32
        %dma_start3A_131 = tpu.memref_slice %arg18[%dma_start3A_129, %dma_start3A_130] : memref<160x128xf32, #tpu.memory_space<vmem>> -> memref<80x128xf32, #tpu.memory_space<vmem>>
        %dma_start3A_132 = arith.constant 0 : i32
        %dma_start3A_133 = tpu.memref_slice %arg11[%run_scoped3A, %dma_start3A_132] : memref<2x80xi32, #tpu.memory_space<vmem>> -> memref<1x80xi32, #tpu.memory_space<vmem>>
        %dma_start3A_134 = tpu.memref_squeeze %dma_start3A_133 : memref<1x80xi32, #tpu.memory_space<vmem>> -> memref<80xi32, #tpu.memory_space<vmem>>
        %dma_start3A_135 = arith.constant 0 : i32
        %dma_start3A_136 = arith.constant 0 : i32
        %dma_start3A_137 = tpu.memref_slice %arg20[%dma_start3A_135, %dma_start3A_136] : memref<5120x128xf32, #tpu.memory_space<vmem_shared>> -> memref<5120x128xf32, #tpu.memory_space<vmem_shared>>
        tpu.enqueue_indirect_dma source(%dma_start3A_131 : memref<80x128xf32, #tpu.memory_space<vmem>>) target(%dma_start3A_137 : memref<5120x128xf32, #tpu.memory_space<vmem_shared>>) offsets(%dma_start3A_134 : memref<80xi32, #tpu.memory_space<vmem>>) semaphore(%run_scoped3A_128 : memref<!tpu.dma_semaphore, #tpu.memory_space<semaphore_mem>>) {add = true}
        %dma_wait3A_138 = arith.constant 0 : i32
        %dma_wait3A_139 = arith.constant 0 : i32
        %dma_wait3A_140 = tpu.memref_slice %arg18[%dma_wait3A_138, %dma_wait3A_139] : memref<160x128xf32, #tpu.memory_space<vmem>> -> memref<80x128xf32, #tpu.memory_space<vmem>>
        %dma_wait3A_141 = arith.constant 0 : i32
        %dma_wait3A_142 = tpu.memref_slice %arg11[%run_scoped3A, %dma_wait3A_141] : memref<2x80xi32, #tpu.memory_space<vmem>> -> memref<1x80xi32, #tpu.memory_space<vmem>>
        %dma_wait3A_143 = tpu.memref_squeeze %dma_wait3A_142 : memref<1x80xi32, #tpu.memory_space<vmem>> -> memref<80xi32, #tpu.memory_space<vmem>>
        %dma_wait3A_144 = arith.constant 0 : i32
        %dma_wait3A_145 = arith.constant 0 : i32
        %dma_wait3A_146 = tpu.memref_slice %arg20[%dma_wait3A_144, %dma_wait3A_145] : memref<5120x128xf32, #tpu.memory_space<vmem_shared>> -> memref<5120x128xf32, #tpu.memory_space<vmem_shared>>
        tpu.wait_indirect_dma semaphore(%run_scoped3A_128 : memref<!tpu.dma_semaphore, #tpu.memory_space<semaphore_mem>>) src(%dma_wait3A_140 : memref<80x128xf32, #tpu.memory_space<vmem>>) dst(%dma_wait3A_146 : memref<5120x128xf32, #tpu.memory_space<vmem_shared>>)
        tpu.yield
      }) : () -> ()
      %run_scoped3A_125 = arith.constant 0 : i32
      "tpu.region"() ({
        %run_scoped3A_128 = tpu.sem_alloc : memref<!tpu.dma_semaphore, #tpu.memory_space<semaphore_mem>>
        %dma_start3A_129 = arith.constant 0 : i32
        %dma_start3A_130 = arith.constant 0 : i32
        %dma_start3A_131 = tpu.memref_slice %arg19[%dma_start3A_129, %dma_start3A_130] : memref<160x128xf32, #tpu.memory_space<vmem>> -> memref<80x128xf32, #tpu.memory_space<vmem>>
        %dma_start3A_132 = arith.constant 0 : i32
        %dma_start3A_133 = tpu.memref_slice %arg12[%run_scoped3A_125, %dma_start3A_132] : memref<2x80xi32, #tpu.memory_space<vmem>> -> memref<1x80xi32, #tpu.memory_space<vmem>>
        %dma_start3A_134 = tpu.memref_squeeze %dma_start3A_133 : memref<1x80xi32, #tpu.memory_space<vmem>> -> memref<80xi32, #tpu.memory_space<vmem>>
        %dma_start3A_135 = arith.constant 0 : i32
        %dma_start3A_136 = arith.constant 0 : i32
        %dma_start3A_137 = tpu.memref_slice %arg21[%dma_start3A_135, %dma_start3A_136] : memref<2560x128xf32, #tpu.memory_space<vmem_shared>> -> memref<2560x128xf32, #tpu.memory_space<vmem_shared>>
        tpu.enqueue_indirect_dma source(%dma_start3A_131 : memref<80x128xf32, #tpu.memory_space<vmem>>) target(%dma_start3A_137 : memref<2560x128xf32, #tpu.memory_space<vmem_shared>>) offsets(%dma_start3A_134 : memref<80xi32, #tpu.memory_space<vmem>>) semaphore(%run_scoped3A_128 : memref<!tpu.dma_semaphore, #tpu.memory_space<semaphore_mem>>) {add = true}
        %dma_wait3A_138 = arith.constant 0 : i32
        %dma_wait3A_139 = arith.constant 0 : i32
        %dma_wait3A_140 = tpu.memref_slice %arg19[%dma_wait3A_138, %dma_wait3A_139] : memref<160x128xf32, #tpu.memory_space<vmem>> -> memref<80x128xf32, #tpu.memory_space<vmem>>
        %dma_wait3A_141 = arith.constant 0 : i32
        %dma_wait3A_142 = tpu.memref_slice %arg12[%run_scoped3A_125, %dma_wait3A_141] : memref<2x80xi32, #tpu.memory_space<vmem>> -> memref<1x80xi32, #tpu.memory_space<vmem>>
        %dma_wait3A_143 = tpu.memref_squeeze %dma_wait3A_142 : memref<1x80xi32, #tpu.memory_space<vmem>> -> memref<80xi32, #tpu.memory_space<vmem>>
        %dma_wait3A_144 = arith.constant 0 : i32
        %dma_wait3A_145 = arith.constant 0 : i32
        %dma_wait3A_146 = tpu.memref_slice %arg21[%dma_wait3A_144, %dma_wait3A_145] : memref<2560x128xf32, #tpu.memory_space<vmem_shared>> -> memref<2560x128xf32, #tpu.memory_space<vmem_shared>>
        tpu.wait_indirect_dma semaphore(%run_scoped3A_128 : memref<!tpu.dma_semaphore, #tpu.memory_space<semaphore_mem>>) src(%dma_wait3A_140 : memref<80x128xf32, #tpu.memory_space<vmem>>) dst(%dma_wait3A_146 : memref<2560x128xf32, #tpu.memory_space<vmem_shared>>)
        tpu.yield
      }) : () -> ()
      %run_scoped3A_126 = arith.constant 1 : i32
      "tpu.region"() ({
        %run_scoped3A_128 = tpu.sem_alloc : memref<!tpu.dma_semaphore, #tpu.memory_space<semaphore_mem>>
        %dma_start3A_129 = arith.constant 80 : i32
        %dma_start3A_130 = arith.constant 0 : i32
        %dma_start3A_131 = tpu.memref_slice %arg18[%dma_start3A_129, %dma_start3A_130] : memref<160x128xf32, #tpu.memory_space<vmem>> -> memref<80x128xf32, #tpu.memory_space<vmem>>
        %dma_start3A_132 = arith.constant 0 : i32
        %dma_start3A_133 = tpu.memref_slice %arg11[%run_scoped3A_126, %dma_start3A_132] : memref<2x80xi32, #tpu.memory_space<vmem>> -> memref<1x80xi32, #tpu.memory_space<vmem>>
        %dma_start3A_134 = tpu.memref_squeeze %dma_start3A_133 : memref<1x80xi32, #tpu.memory_space<vmem>> -> memref<80xi32, #tpu.memory_space<vmem>>
        %dma_start3A_135 = arith.constant 0 : i32
        %dma_start3A_136 = arith.constant 0 : i32
        %dma_start3A_137 = tpu.memref_slice %arg20[%dma_start3A_135, %dma_start3A_136] : memref<5120x128xf32, #tpu.memory_space<vmem_shared>> -> memref<5120x128xf32, #tpu.memory_space<vmem_shared>>
        tpu.enqueue_indirect_dma source(%dma_start3A_131 : memref<80x128xf32, #tpu.memory_space<vmem>>) target(%dma_start3A_137 : memref<5120x128xf32, #tpu.memory_space<vmem_shared>>) offsets(%dma_start3A_134 : memref<80xi32, #tpu.memory_space<vmem>>) semaphore(%run_scoped3A_128 : memref<!tpu.dma_semaphore, #tpu.memory_space<semaphore_mem>>) {add = true}
        %dma_wait3A_138 = arith.constant 80 : i32
        %dma_wait3A_139 = arith.constant 0 : i32
        %dma_wait3A_140 = tpu.memref_slice %arg18[%dma_wait3A_138, %dma_wait3A_139] : memref<160x128xf32, #tpu.memory_space<vmem>> -> memref<80x128xf32, #tpu.memory_space<vmem>>
        %dma_wait3A_141 = arith.constant 0 : i32
        %dma_wait3A_142 = tpu.memref_slice %arg11[%run_scoped3A_126, %dma_wait3A_141] : memref<2x80xi32, #tpu.memory_space<vmem>> -> memref<1x80xi32, #tpu.memory_space<vmem>>
        %dma_wait3A_143 = tpu.memref_squeeze %dma_wait3A_142 : memref<1x80xi32, #tpu.memory_space<vmem>> -> memref<80xi32, #tpu.memory_space<vmem>>
        %dma_wait3A_144 = arith.constant 0 : i32
        %dma_wait3A_145 = arith.constant 0 : i32
        %dma_wait3A_146 = tpu.memref_slice %arg20[%dma_wait3A_144, %dma_wait3A_145] : memref<5120x128xf32, #tpu.memory_space<vmem_shared>> -> memref<5120x128xf32, #tpu.memory_space<vmem_shared>>
        tpu.wait_indirect_dma semaphore(%run_scoped3A_128 : memref<!tpu.dma_semaphore, #tpu.memory_space<semaphore_mem>>) src(%dma_wait3A_140 : memref<80x128xf32, #tpu.memory_space<vmem>>) dst(%dma_wait3A_146 : memref<5120x128xf32, #tpu.memory_space<vmem_shared>>)
        tpu.yield
      }) : () -> ()
      %run_scoped3A_127 = arith.constant 1 : i32
      "tpu.region"() ({
        %run_scoped3A_128 = tpu.sem_alloc : memref<!tpu.dma_semaphore, #tpu.memory_space<semaphore_mem>>
        %dma_start3A_129 = arith.constant 80 : i32
        %dma_start3A_130 = arith.constant 0 : i32
        %dma_start3A_131 = tpu.memref_slice %arg19[%dma_start3A_129, %dma_start3A_130] : memref<160x128xf32, #tpu.memory_space<vmem>> -> memref<80x128xf32, #tpu.memory_space<vmem>>
        %dma_start3A_132 = arith.constant 0 : i32
        %dma_start3A_133 = tpu.memref_slice %arg12[%run_scoped3A_127, %dma_start3A_132] : memref<2x80xi32, #tpu.memory_space<vmem>> -> memref<1x80xi32, #tpu.memory_space<vmem>>
        %dma_start3A_134 = tpu.memref_squeeze %dma_start3A_133 : memref<1x80xi32, #tpu.memory_space<vmem>> -> memref<80xi32, #tpu.memory_space<vmem>>
        %dma_start3A_135 = arith.constant 0 : i32
        %dma_start3A_136 = arith.constant 0 : i32
        %dma_start3A_137 = tpu.memref_slice %arg21[%dma_start3A_135, %dma_start3A_136] : memref<2560x128xf32, #tpu.memory_space<vmem_shared>> -> memref<2560x128xf32, #tpu.memory_space<vmem_shared>>
        tpu.enqueue_indirect_dma source(%dma_start3A_131 : memref<80x128xf32, #tpu.memory_space<vmem>>) target(%dma_start3A_137 : memref<2560x128xf32, #tpu.memory_space<vmem_shared>>) offsets(%dma_start3A_134 : memref<80xi32, #tpu.memory_space<vmem>>) semaphore(%run_scoped3A_128 : memref<!tpu.dma_semaphore, #tpu.memory_space<semaphore_mem>>) {add = true}
        %dma_wait3A_138 = arith.constant 80 : i32
        %dma_wait3A_139 = arith.constant 0 : i32
        %dma_wait3A_140 = tpu.memref_slice %arg19[%dma_wait3A_138, %dma_wait3A_139] : memref<160x128xf32, #tpu.memory_space<vmem>> -> memref<80x128xf32, #tpu.memory_space<vmem>>
        %dma_wait3A_141 = arith.constant 0 : i32
        %dma_wait3A_142 = tpu.memref_slice %arg12[%run_scoped3A_127, %dma_wait3A_141] : memref<2x80xi32, #tpu.memory_space<vmem>> -> memref<1x80xi32, #tpu.memory_space<vmem>>
        %dma_wait3A_143 = tpu.memref_squeeze %dma_wait3A_142 : memref<1x80xi32, #tpu.memory_space<vmem>> -> memref<80xi32, #tpu.memory_space<vmem>>
        %dma_wait3A_144 = arith.constant 0 : i32
        %dma_wait3A_145 = arith.constant 0 : i32
        %dma_wait3A_146 = tpu.memref_slice %arg21[%dma_wait3A_144, %dma_wait3A_145] : memref<2560x128xf32, #tpu.memory_space<vmem_shared>> -> memref<2560x128xf32, #tpu.memory_space<vmem_shared>>
        tpu.wait_indirect_dma semaphore(%run_scoped3A_128 : memref<!tpu.dma_semaphore, #tpu.memory_space<semaphore_mem>>) src(%dma_wait3A_140 : memref<80x128xf32, #tpu.memory_space<vmem>>) dst(%dma_wait3A_146 : memref<2560x128xf32, #tpu.memory_space<vmem_shared>>)
        tpu.yield
      }) : () -> ()
    }
    %scan3A_31 = arith.constant 125 : i32
    %barrier3A_32 = arith.constant 0 : index
    tpu.barrier barrier_id(%barrier3A_32)
    %scan3A_33 = arith.constant 0 : i32
    %scan3A_34 = arith.constant 0 : i32
    %scan3A_35 = arith.constant 20 : i32
    %scan3A_36 = arith.addi %scan3A_34, %scan3A_35 : i32
    %scan3A_37 = arith.constant 1 : i32
    scf.for %scan3A_45 = %scan3A_34 to %scan3A_36 step %scan3A_37  : i32 {
      %mul3A_46 = arith.constant 16 : i32
      %mul3A_47 = arith.muli %scan3A_45, %mul3A_46 : i32
      %add3A = arith.addi %mul3A_6, %mul3A_47 : i32
      %mul3A_48 = arith.constant 5120 : i32
      %mul3A_49 = arith.muli %arg0, %mul3A_48 : i32
      %add3A_50 = arith.addi %mul3A_49, %mul3A_6 : i32
      %mul3A_51 = arith.constant 16 : i32
      %mul3A_52 = arith.muli %scan3A_45, %mul3A_51 : i32
      %add3A_53 = arith.addi %add3A_50, %mul3A_52 : i32
      "tpu.region"() ({
        %run_scoped3A = tpu.sem_alloc : memref<!tpu.dma_semaphore, #tpu.memory_space<semaphore_mem>>
        %dma_start3A = arith.constant 0 : i32
        %dma_start3A_54 = tpu.memref_slice %arg7[%add3A_53, %dma_start3A] : memref<10240x128xf32, #tpu.memory_space<hbm>> -> memref<16x128xf32, #tpu.memory_space<hbm>>
        %dma_start3A_55 = arith.constant 0 : i32
        %dma_start3A_56 = tpu.memref_slice %arg20[%add3A, %dma_start3A_55] : memref<5120x128xf32, #tpu.memory_space<vmem_shared>> -> memref<16x128xf32, #tpu.memory_space<vmem_shared>>
        tpu.enqueue_dma source(%dma_start3A_56 : memref<16x128xf32, #tpu.memory_space<vmem_shared>>) target(%dma_start3A_54 : memref<16x128xf32, #tpu.memory_space<hbm>>) target_semaphore(%run_scoped3A : memref<!tpu.dma_semaphore, #tpu.memory_space<semaphore_mem>>)
        %dma_wait3A = arith.constant 0 : i32
        %dma_wait3A_57 = tpu.memref_slice %arg7[%add3A_53, %dma_wait3A] : memref<10240x128xf32, #tpu.memory_space<hbm>> -> memref<16x128xf32, #tpu.memory_space<hbm>>
        %dma_wait3A_58 = arith.constant 0 : i32
        %dma_wait3A_59 = tpu.memref_slice %arg20[%add3A, %dma_wait3A_58] : memref<5120x128xf32, #tpu.memory_space<vmem_shared>> -> memref<16x128xf32, #tpu.memory_space<vmem_shared>>
        tpu.wait_dma2 semaphore(%run_scoped3A : memref<!tpu.dma_semaphore, #tpu.memory_space<semaphore_mem>>) src(%dma_wait3A_59 : memref<16x128xf32, #tpu.memory_space<vmem_shared>>) dst(%dma_wait3A_57 : memref<16x128xf32, #tpu.memory_space<hbm>>)
        tpu.yield
      }) : () -> ()
    }
    %scan3A_38 = arith.constant 20 : i32
    %scan3A_39 = arith.constant 0 : i32
    %scan3A_40 = arith.constant 0 : i32
    %scan3A_41 = arith.constant 10 : i32
    %scan3A_42 = arith.addi %scan3A_40, %scan3A_41 : i32
    %scan3A_43 = arith.constant 1 : i32
    scf.for %scan3A_45 = %scan3A_40 to %scan3A_42 step %scan3A_43  : i32 {
      %mul3A_46 = arith.constant 16 : i32
      %mul3A_47 = arith.muli %scan3A_45, %mul3A_46 : i32
      %add3A = arith.addi %mul3A_8, %mul3A_47 : i32
      %mul3A_48 = arith.constant 2560 : i32
      %mul3A_49 = arith.muli %arg0, %mul3A_48 : i32
      %add3A_50 = arith.addi %mul3A_49, %mul3A_8 : i32
      %mul3A_51 = arith.constant 16 : i32
      %mul3A_52 = arith.muli %scan3A_45, %mul3A_51 : i32
      %add3A_53 = arith.addi %add3A_50, %mul3A_52 : i32
      "tpu.region"() ({
        %run_scoped3A = tpu.sem_alloc : memref<!tpu.dma_semaphore, #tpu.memory_space<semaphore_mem>>
        %dma_start3A = arith.constant 0 : i32
        %dma_start3A_54 = tpu.memref_slice %arg8[%add3A_53, %dma_start3A] : memref<5120x128xf32, #tpu.memory_space<hbm>> -> memref<16x128xf32, #tpu.memory_space<hbm>>
        %dma_start3A_55 = arith.constant 0 : i32
        %dma_start3A_56 = tpu.memref_slice %arg21[%add3A, %dma_start3A_55] : memref<2560x128xf32, #tpu.memory_space<vmem_shared>> -> memref<16x128xf32, #tpu.memory_space<vmem_shared>>
        tpu.enqueue_dma source(%dma_start3A_56 : memref<16x128xf32, #tpu.memory_space<vmem_shared>>) target(%dma_start3A_54 : memref<16x128xf32, #tpu.memory_space<hbm>>) target_semaphore(%run_scoped3A : memref<!tpu.dma_semaphore, #tpu.memory_space<semaphore_mem>>)
        %dma_wait3A = arith.constant 0 : i32
        %dma_wait3A_57 = tpu.memref_slice %arg8[%add3A_53, %dma_wait3A] : memref<5120x128xf32, #tpu.memory_space<hbm>> -> memref<16x128xf32, #tpu.memory_space<hbm>>
        %dma_wait3A_58 = arith.constant 0 : i32
        %dma_wait3A_59 = tpu.memref_slice %arg21[%add3A, %dma_wait3A_58] : memref<2560x128xf32, #tpu.memory_space<vmem_shared>> -> memref<16x128xf32, #tpu.memory_space<vmem_shared>>
        tpu.wait_dma2 semaphore(%run_scoped3A : memref<!tpu.dma_semaphore, #tpu.memory_space<semaphore_mem>>) src(%dma_wait3A_59 : memref<16x128xf32, #tpu.memory_space<vmem_shared>>) dst(%dma_wait3A_57 : memref<16x128xf32, #tpu.memory_space<hbm>>)
        tpu.yield
      }) : () -> ()
    }
    %scan3A_44 = arith.constant 10 : i32
    return
  }
}

#map = affine_map<(d0, d1) -> (0)>
module attributes {stable_mosaic.version = 14 : i64} {
  func.func @_pass1_body(%arg0: i32, %arg1: i32, %arg2: memref<320000xi32, #tpu.memory_space<hbm>>, %arg3: memref<320000xi32, #tpu.memory_space<hbm>>, %arg4: memref<80000xf32, #tpu.memory_space<hbm>>, %arg5: memref<1280000xf32, #tpu.memory_space<hbm>>, %arg6: memref<64xf32, #tpu.memory_space<hbm>>, %arg7: memref<1280000xf32, #tpu.memory_space<hbm>>, %arg8: memref<640000xf32, #tpu.memory_space<hbm>>, %arg9: memref<40000xf32, #tpu.memory_space<vmem>>, %arg10: memref<20000xf32, #tpu.memory_space<vmem>>, %arg11: memref<160xi32, #tpu.memory_space<vmem>>, %arg12: memref<160xi32, #tpu.memory_space<vmem>>, %arg13: memref<320xf32, #tpu.memory_space<vmem>>, %arg14: memref<320xf32, #tpu.memory_space<vmem>>, %arg15: memref<32xf32, #tpu.memory_space<vmem>>, %arg16: memref<!tpu.dma_semaphore, #tpu.memory_space<semaphore_mem>>) attributes {dimension_semantics = [#tpu.dimension_semantics<core_parallel>, #tpu.dimension_semantics<subcore_parallel>], iteration_bounds = array<i64: 2, 16>, scalar_prefetch = 0 : i64, scratch_operands = 8 : i64, tpu.core_type = #tpu.core_type<sc_vector_subcore>, window_params = [{transform_indices = #map}, {transform_indices = #map}, {transform_indices = #map}, {transform_indices = #map}, {transform_indices = #map}, {transform_indices = #map}, {transform_indices = #map}]} {
    %mul3A = arith.constant 2 : i32
    %mul3A_0 = arith.muli %arg1, %mul3A : i32
    %add3A = arith.addi %mul3A_0, %arg0 : i32
    %mul3A_1 = arith.constant 20000 : i32
    %mul3A_2 = arith.muli %arg1, %mul3A_1 : i32
    %mul3A_3 = arith.constant 2 : i32
    %mul3A_4 = arith.muli %mul3A_3, %arg0 : i32
    %mul3A_5 = arith.constant 320000 : i32
    %mul3A_6 = arith.muli %mul3A_4, %mul3A_5 : i32
    %mul3A_7 = arith.constant 10000 : i32
    %mul3A_8 = arith.muli %arg0, %mul3A_7 : i32
    %mul3A_9 = arith.constant 4 : i32
    %mul3A_10 = arith.muli %mul3A_8, %mul3A_9 : i32
    "tpu.region"() ({
      %run_scoped3A = tpu.sem_alloc : memref<!tpu.dma_semaphore, #tpu.memory_space<semaphore_mem>>
      %dma_start3A = tpu.memref_slice %arg4[%mul3A_10] : memref<80000xf32, #tpu.memory_space<hbm>> -> memref<40000xf32, #tpu.memory_space<hbm>>
      %dma_start3A_33 = tpu.memref_slice %arg4[%mul3A_10] : memref<80000xf32, #tpu.memory_space<hbm>> -> memref<40000xf32, #tpu.memory_space<hbm>>
      tpu.enqueue_dma source(%dma_start3A_33 : memref<40000xf32, #tpu.memory_space<hbm>>) target(%arg9 : memref<40000xf32, #tpu.memory_space<vmem>>) target_semaphore(%run_scoped3A : memref<!tpu.dma_semaphore, #tpu.memory_space<semaphore_mem>>)
      %dma_wait3A = tpu.memref_slice %arg4[%mul3A_10] : memref<80000xf32, #tpu.memory_space<hbm>> -> memref<40000xf32, #tpu.memory_space<hbm>>
      %dma_wait3A_34 = tpu.memref_slice %arg4[%mul3A_10] : memref<80000xf32, #tpu.memory_space<hbm>> -> memref<40000xf32, #tpu.memory_space<hbm>>
      tpu.wait_dma2 semaphore(%run_scoped3A : memref<!tpu.dma_semaphore, #tpu.memory_space<semaphore_mem>>) src(%dma_wait3A_34 : memref<40000xf32, #tpu.memory_space<hbm>>) dst(%arg9 : memref<40000xf32, #tpu.memory_space<vmem>>)
      tpu.yield
    }) : () -> ()
    %mul3A_11 = arith.constant 2 : i32
    %mul3A_12 = arith.muli %arg0, %mul3A_11 : i32
    %mul3A_13 = arith.constant 16 : i32
    %mul3A_14 = arith.muli %mul3A_12, %mul3A_13 : i32
    "tpu.region"() ({
      %run_scoped3A = tpu.sem_alloc : memref<!tpu.dma_semaphore, #tpu.memory_space<semaphore_mem>>
      %dma_start3A = tpu.memref_slice %arg6[%mul3A_14] : memref<64xf32, #tpu.memory_space<hbm>> -> memref<32xf32, #tpu.memory_space<hbm>>
      %dma_start3A_33 = tpu.memref_slice %arg6[%mul3A_14] : memref<64xf32, #tpu.memory_space<hbm>> -> memref<32xf32, #tpu.memory_space<hbm>>
      tpu.enqueue_dma source(%dma_start3A_33 : memref<32xf32, #tpu.memory_space<hbm>>) target(%arg15 : memref<32xf32, #tpu.memory_space<vmem>>) target_semaphore(%run_scoped3A : memref<!tpu.dma_semaphore, #tpu.memory_space<semaphore_mem>>)
      %dma_wait3A = tpu.memref_slice %arg6[%mul3A_14] : memref<64xf32, #tpu.memory_space<hbm>> -> memref<32xf32, #tpu.memory_space<hbm>>
      %dma_wait3A_34 = tpu.memref_slice %arg6[%mul3A_14] : memref<64xf32, #tpu.memory_space<hbm>> -> memref<32xf32, #tpu.memory_space<hbm>>
      tpu.wait_dma2 semaphore(%run_scoped3A : memref<!tpu.dma_semaphore, #tpu.memory_space<semaphore_mem>>) src(%dma_wait3A_34 : memref<32xf32, #tpu.memory_space<hbm>>) dst(%arg15 : memref<32xf32, #tpu.memory_space<vmem>>)
      tpu.yield
    }) : () -> ()
    %get3A = arith.constant 0 : index
    %get3A_15 = tpu.vector_load %arg15[%get3A] {strides = array<i32>} : memref<32xf32, #tpu.memory_space<vmem>>, vector<16xf32>,
    %get3A_16 = arith.constant 16 : index
    %get3A_17 = tpu.vector_load %arg15[%get3A_16] {strides = array<i32>} : memref<32xf32, #tpu.memory_space<vmem>>, vector<16xf32>,
    %scan3A = arith.constant 0 : i32
    %scan3A_18 = arith.constant 0 : i32
    %scan3A_19 = arith.constant 1250 : i32
    %scan3A_20 = arith.addi %scan3A_18, %scan3A_19 : i32
    %scan3A_21 = arith.constant 1 : i32
    scf.for %scan3A_33 = %scan3A_18 to %scan3A_20 step %scan3A_21  : i32 {
      %broadcast_in_dim3A = arith.constant 0.000000e+00 : f32
      %broadcast_in_dim3A_34 = vector.broadcast %broadcast_in_dim3A : f32 to vector<16xf32>
      %mul3A_35 = arith.constant 16 : i32
      %mul3A_36 = arith.muli %scan3A_33, %mul3A_35 : i32
      %swap3A = arith.index_cast %mul3A_36 : i32 to index
      %swap3A_37 = tpu.vector_load %arg10[%swap3A] {strides = array<i32>} : memref<20000xf32, #tpu.memory_space<vmem>>, vector<16xf32>,
      tpu.vector_store %arg10[%swap3A], %broadcast_in_dim3A_34 {strides = array<i32>} : memref<20000xf32, #tpu.memory_space<vmem>>, vector<16xf32>,
    }
    %scan3A_22 = arith.constant 1250 : i32
    %scan3A_23 = arith.constant 0 : i32
    %scan3A_24 = arith.constant 0 : i32
    %scan3A_25 = arith.constant 125 : i32
    %scan3A_26 = arith.addi %scan3A_24, %scan3A_25 : i32
    %scan3A_27 = arith.constant 1 : i32
    scf.for %scan3A_33 = %scan3A_24 to %scan3A_26 step %scan3A_27  : i32 {
      %mul3A_34 = arith.constant 160 : i32
      %mul3A_35 = arith.muli %scan3A_33, %mul3A_34 : i32
      %add3A_36 = arith.addi %mul3A_2, %mul3A_35 : i32
      %add3A_37 = arith.addi %mul3A_6, %add3A_36 : i32
      %add3A_38 = arith.constant 320000 : i32
      %add3A_39 = arith.addi %mul3A_6, %add3A_38 : i32
      %add3A_40 = arith.addi %add3A_39, %add3A_36 : i32
      %dma_start3A = tpu.memref_slice %arg2[%add3A_36] : memref<320000xi32, #tpu.memory_space<hbm>> -> memref<160xi32, #tpu.memory_space<hbm>>
      %dma_start3A_41 = tpu.memref_slice %arg2[%add3A_36] : memref<320000xi32, #tpu.memory_space<hbm>> -> memref<160xi32, #tpu.memory_space<hbm>>
      tpu.enqueue_dma source(%dma_start3A_41 : memref<160xi32, #tpu.memory_space<hbm>>) target(%arg11 : memref<160xi32, #tpu.memory_space<vmem>>) target_semaphore(%arg16 : memref<!tpu.dma_semaphore, #tpu.memory_space<semaphore_mem>>)
      %dma_start3A_42 = tpu.memref_slice %arg3[%add3A_36] : memref<320000xi32, #tpu.memory_space<hbm>> -> memref<160xi32, #tpu.memory_space<hbm>>
      %dma_start3A_43 = tpu.memref_slice %arg3[%add3A_36] : memref<320000xi32, #tpu.memory_space<hbm>> -> memref<160xi32, #tpu.memory_space<hbm>>
      tpu.enqueue_dma source(%dma_start3A_43 : memref<160xi32, #tpu.memory_space<hbm>>) target(%arg12 : memref<160xi32, #tpu.memory_space<vmem>>) target_semaphore(%arg16 : memref<!tpu.dma_semaphore, #tpu.memory_space<semaphore_mem>>)
      %dma_start3A_44 = arith.constant 0 : i32
      %dma_start3A_45 = tpu.memref_slice %arg13[%dma_start3A_44] : memref<320xf32, #tpu.memory_space<vmem>> -> memref<160xf32, #tpu.memory_space<vmem>>
      %dma_start3A_46 = tpu.memref_slice %arg5[%add3A_37] : memref<1280000xf32, #tpu.memory_space<hbm>> -> memref<160xf32, #tpu.memory_space<hbm>>
      %dma_start3A_47 = arith.constant 0 : i32
      %dma_start3A_48 = tpu.memref_slice %arg13[%dma_start3A_47] : memref<320xf32, #tpu.memory_space<vmem>> -> memref<160xf32, #tpu.memory_space<vmem>>
      %dma_start3A_49 = tpu.memref_slice %arg5[%add3A_37] : memref<1280000xf32, #tpu.memory_space<hbm>> -> memref<160xf32, #tpu.memory_space<hbm>>
      tpu.enqueue_dma source(%dma_start3A_49 : memref<160xf32, #tpu.memory_space<hbm>>) target(%dma_start3A_48 : memref<160xf32, #tpu.memory_space<vmem>>) target_semaphore(%arg16 : memref<!tpu.dma_semaphore, #tpu.memory_space<semaphore_mem>>)
      %dma_start3A_50 = arith.constant 160 : i32
      %dma_start3A_51 = tpu.memref_slice %arg13[%dma_start3A_50] : memref<320xf32, #tpu.memory_space<vmem>> -> memref<160xf32, #tpu.memory_space<vmem>>
      %dma_start3A_52 = tpu.memref_slice %arg5[%add3A_40] : memref<1280000xf32, #tpu.memory_space<hbm>> -> memref<160xf32, #tpu.memory_space<hbm>>
      %dma_start3A_53 = arith.constant 160 : i32
      %dma_start3A_54 = tpu.memref_slice %arg13[%dma_start3A_53] : memref<320xf32, #tpu.memory_space<vmem>> -> memref<160xf32, #tpu.memory_space<vmem>>
      %dma_start3A_55 = tpu.memref_slice %arg5[%add3A_40] : memref<1280000xf32, #tpu.memory_space<hbm>> -> memref<160xf32, #tpu.memory_space<hbm>>
      tpu.enqueue_dma source(%dma_start3A_55 : memref<160xf32, #tpu.memory_space<hbm>>) target(%dma_start3A_54 : memref<160xf32, #tpu.memory_space<vmem>>) target_semaphore(%arg16 : memref<!tpu.dma_semaphore, #tpu.memory_space<semaphore_mem>>)
      %dma_wait3A = tpu.memref_slice %arg2[%add3A_36] : memref<320000xi32, #tpu.memory_space<hbm>> -> memref<160xi32, #tpu.memory_space<hbm>>
      %dma_wait3A_56 = tpu.memref_slice %arg2[%add3A_36] : memref<320000xi32, #tpu.memory_space<hbm>> -> memref<160xi32, #tpu.memory_space<hbm>>
      tpu.wait_dma2 semaphore(%arg16 : memref<!tpu.dma_semaphore, #tpu.memory_space<semaphore_mem>>) src(%dma_wait3A_56 : memref<160xi32, #tpu.memory_space<hbm>>) dst(%arg11 : memref<160xi32, #tpu.memory_space<vmem>>)
      %dma_wait3A_57 = tpu.memref_slice %arg3[%add3A_36] : memref<320000xi32, #tpu.memory_space<hbm>> -> memref<160xi32, #tpu.memory_space<hbm>>
      %dma_wait3A_58 = tpu.memref_slice %arg3[%add3A_36] : memref<320000xi32, #tpu.memory_space<hbm>> -> memref<160xi32, #tpu.memory_space<hbm>>
      tpu.wait_dma2 semaphore(%arg16 : memref<!tpu.dma_semaphore, #tpu.memory_space<semaphore_mem>>) src(%dma_wait3A_58 : memref<160xi32, #tpu.memory_space<hbm>>) dst(%arg12 : memref<160xi32, #tpu.memory_space<vmem>>)
      %dma_wait3A_59 = arith.constant 0 : i32
      %dma_wait3A_60 = tpu.memref_slice %arg13[%dma_wait3A_59] : memref<320xf32, #tpu.memory_space<vmem>> -> memref<160xf32, #tpu.memory_space<vmem>>
      %dma_wait3A_61 = tpu.memref_slice %arg5[%add3A_37] : memref<1280000xf32, #tpu.memory_space<hbm>> -> memref<160xf32, #tpu.memory_space<hbm>>
      %dma_wait3A_62 = arith.constant 0 : i32
      %dma_wait3A_63 = tpu.memref_slice %arg13[%dma_wait3A_62] : memref<320xf32, #tpu.memory_space<vmem>> -> memref<160xf32, #tpu.memory_space<vmem>>
      %dma_wait3A_64 = tpu.memref_slice %arg5[%add3A_37] : memref<1280000xf32, #tpu.memory_space<hbm>> -> memref<160xf32, #tpu.memory_space<hbm>>
      tpu.wait_dma2 semaphore(%arg16 : memref<!tpu.dma_semaphore, #tpu.memory_space<semaphore_mem>>) src(%dma_wait3A_64 : memref<160xf32, #tpu.memory_space<hbm>>) dst(%dma_wait3A_63 : memref<160xf32, #tpu.memory_space<vmem>>)
      %dma_wait3A_65 = arith.constant 160 : i32
      %dma_wait3A_66 = tpu.memref_slice %arg13[%dma_wait3A_65] : memref<320xf32, #tpu.memory_space<vmem>> -> memref<160xf32, #tpu.memory_space<vmem>>
      %dma_wait3A_67 = tpu.memref_slice %arg5[%add3A_40] : memref<1280000xf32, #tpu.memory_space<hbm>> -> memref<160xf32, #tpu.memory_space<hbm>>
      %dma_wait3A_68 = arith.constant 160 : i32
      %dma_wait3A_69 = tpu.memref_slice %arg13[%dma_wait3A_68] : memref<320xf32, #tpu.memory_space<vmem>> -> memref<160xf32, #tpu.memory_space<vmem>>
      %dma_wait3A_70 = tpu.memref_slice %arg5[%add3A_40] : memref<1280000xf32, #tpu.memory_space<hbm>> -> memref<160xf32, #tpu.memory_space<hbm>>
      tpu.wait_dma2 semaphore(%arg16 : memref<!tpu.dma_semaphore, #tpu.memory_space<semaphore_mem>>) src(%dma_wait3A_70 : memref<160xf32, #tpu.memory_space<hbm>>) dst(%dma_wait3A_69 : memref<160xf32, #tpu.memory_space<vmem>>)
      %scan3A_71 = arith.constant 0 : i32
      %scan3A_72 = arith.constant 0 : i32
      %scan3A_73 = arith.constant 10 : i32
      %scan3A_74 = arith.addi %scan3A_72, %scan3A_73 : i32
      %scan3A_75 = arith.constant 1 : i32
      scf.for %scan3A_83 = %scan3A_72 to %scan3A_74 step %scan3A_75  : i32 {
        %mul3A_84 = arith.constant 16 : i32
        %mul3A_85 = arith.muli %scan3A_83, %mul3A_84 : i32
        %get3A_86 = arith.index_cast %mul3A_85 : i32 to index
        %get3A_87 = tpu.vector_load %arg11[%get3A_86] {strides = array<i32>} : memref<160xi32, #tpu.memory_space<vmem>>, vector<16xi32>,
        %mul3A_88 = arith.constant 16 : i32
        %mul3A_89 = arith.muli %scan3A_83, %mul3A_88 : i32
        %get3A_90 = arith.index_cast %mul3A_89 : i32 to index
        %get3A_91 = tpu.vector_load %arg12[%get3A_90] {strides = array<i32>} : memref<160xi32, #tpu.memory_space<vmem>>, vector<16xi32>,
        %mul3A_92 = arith.constant 4 : i32
        %mul3A_93 = vector.broadcast %mul3A_92 : i32 to vector<16xi32>
        %mul3A_94 = arith.muli %get3A_87, %mul3A_93 : vector<16xi32>
        %add3A_95 = arith.constant 0 : i32
        %add3A_96 = vector.broadcast %add3A_95 : i32 to vector<16xi32>
        %add3A_97 = arith.addi %mul3A_94, %add3A_96 : vector<16xi32>
        %gather3A = tpu.vector_load_idx %arg9[%add3A_97] : memref<40000xf32, #tpu.memory_space<vmem>>[vector<16xi32>], vector<16xf32>,
        %mul3A_98 = arith.constant 4 : i32
        %mul3A_99 = vector.broadcast %mul3A_98 : i32 to vector<16xi32>
        %mul3A_100 = arith.muli %get3A_91, %mul3A_99 : vector<16xi32>
        %add3A_101 = arith.constant 2 : i32
        %add3A_102 = vector.broadcast %add3A_101 : i32 to vector<16xi32>
        %add3A_103 = arith.addi %mul3A_100, %add3A_102 : vector<16xi32>
        %gather3A_104 = tpu.vector_load_idx %arg9[%add3A_103] : memref<40000xf32, #tpu.memory_space<vmem>>[vector<16xi32>], vector<16xf32>,
        %mul3A_105 = arith.constant 16 : i32
        %mul3A_106 = arith.muli %scan3A_83, %mul3A_105 : i32
        %add3A_107 = arith.constant 0 : i32
        %add3A_108 = arith.addi %add3A_107, %mul3A_106 : i32
        %get3A_109 = arith.index_cast %add3A_108 : i32 to index
        %get3A_110 = tpu.vector_load %arg13[%get3A_109] {strides = array<i32>} : memref<320xf32, #tpu.memory_space<vmem>>, vector<16xf32>,
        %add3A_111 = arith.addf %gather3A, %gather3A_104 : vector<16xf32>
        %add3A_112 = arith.addf %add3A_111, %get3A_110 : vector<16xf32>
        %ge3A = arith.constant 0.000000e+00 : f32
        %ge3A_113 = vector.broadcast %ge3A : f32 to vector<16xf32>
        %ge3A_114 = arith.cmpf oge, %add3A_112, %ge3A_113 : vector<16xf32>
        %mul3A_115 = arith.constant 2.000000e-01 : f32
        %mul3A_116 = vector.broadcast %mul3A_115 : f32 to vector<16xf32>
        %mul3A_117 = arith.mulf %add3A_112, %mul3A_116 : vector<16xf32>
        %select_n3A = arith.select %ge3A_114, %add3A_112, %mul3A_117 : vector<16xi1>, vector<16xf32>
        %sub3A = arith.subf %select_n3A, %get3A_15 : vector<16xf32>
        %exp3A = math.exp %sub3A : vector<16xf32>
        %mul3A_118 = arith.constant 16 : i32
        %mul3A_119 = arith.muli %scan3A_83, %mul3A_118 : i32
        %add3A_120 = arith.constant 0 : i32
        %add3A_121 = arith.addi %add3A_120, %mul3A_119 : i32
        %swap3A = arith.index_cast %add3A_121 : i32 to index
        %swap3A_122 = tpu.vector_load %arg14[%swap3A] {strides = array<i32>} : memref<320xf32, #tpu.memory_space<vmem>>, vector<16xf32>,
        tpu.vector_store %arg14[%swap3A], %exp3A {strides = array<i32>} : memref<320xf32, #tpu.memory_space<vmem>>, vector<16xf32>,
        %mul3A_123 = arith.constant 2 : i32
        %mul3A_124 = vector.broadcast %mul3A_123 : i32 to vector<16xi32>
        %mul3A_125 = arith.muli %get3A_91, %mul3A_124 : vector<16xi32>
        %add3A_126 = arith.constant 0 : i32
        %add3A_127 = vector.broadcast %add3A_126 : i32 to vector<16xi32>
        %add3A_128 = arith.addi %mul3A_125, %add3A_127 : vector<16xi32>
        tpu.vector_store_idx %arg10[%add3A_128], %exp3A {add = true} : memref<20000xf32, #tpu.memory_space<vmem>>[vector<16xi32>], vector<16xf32>,
        %mul3A_129 = arith.constant 4 : i32
        %mul3A_130 = vector.broadcast %mul3A_129 : i32 to vector<16xi32>
        %mul3A_131 = arith.muli %get3A_87, %mul3A_130 : vector<16xi32>
        %add3A_132 = arith.constant 1 : i32
        %add3A_133 = vector.broadcast %add3A_132 : i32 to vector<16xi32>
        %add3A_134 = arith.addi %mul3A_131, %add3A_133 : vector<16xi32>
        %gather3A_135 = tpu.vector_load_idx %arg9[%add3A_134] : memref<40000xf32, #tpu.memory_space<vmem>>[vector<16xi32>], vector<16xf32>,
        %mul3A_136 = arith.constant 4 : i32
        %mul3A_137 = vector.broadcast %mul3A_136 : i32 to vector<16xi32>
        %mul3A_138 = arith.muli %get3A_91, %mul3A_137 : vector<16xi32>
        %add3A_139 = arith.constant 3 : i32
        %add3A_140 = vector.broadcast %add3A_139 : i32 to vector<16xi32>
        %add3A_141 = arith.addi %mul3A_138, %add3A_140 : vector<16xi32>
        %gather3A_142 = tpu.vector_load_idx %arg9[%add3A_141] : memref<40000xf32, #tpu.memory_space<vmem>>[vector<16xi32>], vector<16xf32>,
        %mul3A_143 = arith.constant 16 : i32
        %mul3A_144 = arith.muli %scan3A_83, %mul3A_143 : i32
        %add3A_145 = arith.constant 160 : i32
        %add3A_146 = arith.addi %add3A_145, %mul3A_144 : i32
        %get3A_147 = arith.index_cast %add3A_146 : i32 to index
        %get3A_148 = tpu.vector_load %arg13[%get3A_147] {strides = array<i32>} : memref<320xf32, #tpu.memory_space<vmem>>, vector<16xf32>,
        %add3A_149 = arith.addf %gather3A_135, %gather3A_142 : vector<16xf32>
        %add3A_150 = arith.addf %add3A_149, %get3A_148 : vector<16xf32>
        %ge3A_151 = arith.constant 0.000000e+00 : f32
        %ge3A_152 = vector.broadcast %ge3A_151 : f32 to vector<16xf32>
        %ge3A_153 = arith.cmpf oge, %add3A_150, %ge3A_152 : vector<16xf32>
        %mul3A_154 = arith.constant 2.000000e-01 : f32
        %mul3A_155 = vector.broadcast %mul3A_154 : f32 to vector<16xf32>
        %mul3A_156 = arith.mulf %add3A_150, %mul3A_155 : vector<16xf32>
        %select_n3A_157 = arith.select %ge3A_153, %add3A_150, %mul3A_156 : vector<16xi1>, vector<16xf32>
        %sub3A_158 = arith.subf %select_n3A_157, %get3A_17 : vector<16xf32>
        %exp3A_159 = math.exp %sub3A_158 : vector<16xf32>
        %mul3A_160 = arith.constant 16 : i32
        %mul3A_161 = arith.muli %scan3A_83, %mul3A_160 : i32
        %add3A_162 = arith.constant 160 : i32
        %add3A_163 = arith.addi %add3A_162, %mul3A_161 : i32
        %swap3A_164 = arith.index_cast %add3A_163 : i32 to index
        %swap3A_165 = tpu.vector_load %arg14[%swap3A_164] {strides = array<i32>} : memref<320xf32, #tpu.memory_space<vmem>>, vector<16xf32>,
        tpu.vector_store %arg14[%swap3A_164], %exp3A_159 {strides = array<i32>} : memref<320xf32, #tpu.memory_space<vmem>>, vector<16xf32>,
        %mul3A_166 = arith.constant 2 : i32
        %mul3A_167 = vector.broadcast %mul3A_166 : i32 to vector<16xi32>
        %mul3A_168 = arith.muli %get3A_91, %mul3A_167 : vector<16xi32>
        %add3A_169 = arith.constant 1 : i32
        %add3A_170 = vector.broadcast %add3A_169 : i32 to vector<16xi32>
        %add3A_171 = arith.addi %mul3A_168, %add3A_170 : vector<16xi32>
        tpu.vector_store_idx %arg10[%add3A_171], %exp3A_159 {add = true} : memref<20000xf32, #tpu.memory_space<vmem>>[vector<16xi32>], vector<16xf32>,
      }
      %scan3A_76 = arith.constant 10 : i32
      %add3A_77 = arith.constant 0 : i32
      %add3A_78 = arith.addi %mul3A_6, %add3A_77 : i32
      %add3A_79 = arith.addi %add3A_78, %add3A_36 : i32
      "tpu.region"() ({
        %run_scoped3A = tpu.sem_alloc : memref<!tpu.dma_semaphore, #tpu.memory_space<semaphore_mem>>
        %dma_start3A_83 = arith.constant 0 : i32
        %dma_start3A_84 = tpu.memref_slice %arg14[%dma_start3A_83] : memref<320xf32, #tpu.memory_space<vmem>> -> memref<160xf32, #tpu.memory_space<vmem>>
        %dma_start3A_85 = tpu.memref_slice %arg7[%add3A_79] : memref<1280000xf32, #tpu.memory_space<hbm>> -> memref<160xf32, #tpu.memory_space<hbm>>
        %dma_start3A_86 = tpu.memref_slice %arg7[%add3A_79] : memref<1280000xf32, #tpu.memory_space<hbm>> -> memref<160xf32, #tpu.memory_space<hbm>>
        %dma_start3A_87 = arith.constant 0 : i32
        %dma_start3A_88 = tpu.memref_slice %arg14[%dma_start3A_87] : memref<320xf32, #tpu.memory_space<vmem>> -> memref<160xf32, #tpu.memory_space<vmem>>
        tpu.enqueue_dma source(%dma_start3A_88 : memref<160xf32, #tpu.memory_space<vmem>>) target(%dma_start3A_86 : memref<160xf32, #tpu.memory_space<hbm>>) target_semaphore(%run_scoped3A : memref<!tpu.dma_semaphore, #tpu.memory_space<semaphore_mem>>)
        %dma_wait3A_89 = arith.constant 0 : i32
        %dma_wait3A_90 = tpu.memref_slice %arg14[%dma_wait3A_89] : memref<320xf32, #tpu.memory_space<vmem>> -> memref<160xf32, #tpu.memory_space<vmem>>
        %dma_wait3A_91 = tpu.memref_slice %arg7[%add3A_79] : memref<1280000xf32, #tpu.memory_space<hbm>> -> memref<160xf32, #tpu.memory_space<hbm>>
        %dma_wait3A_92 = tpu.memref_slice %arg7[%add3A_79] : memref<1280000xf32, #tpu.memory_space<hbm>> -> memref<160xf32, #tpu.memory_space<hbm>>
        %dma_wait3A_93 = arith.constant 0 : i32
        %dma_wait3A_94 = tpu.memref_slice %arg14[%dma_wait3A_93] : memref<320xf32, #tpu.memory_space<vmem>> -> memref<160xf32, #tpu.memory_space<vmem>>
        tpu.wait_dma2 semaphore(%run_scoped3A : memref<!tpu.dma_semaphore, #tpu.memory_space<semaphore_mem>>) src(%dma_wait3A_94 : memref<160xf32, #tpu.memory_space<vmem>>) dst(%dma_wait3A_92 : memref<160xf32, #tpu.memory_space<hbm>>)
        tpu.yield
      }) : () -> ()
      %add3A_80 = arith.constant 320000 : i32
      %add3A_81 = arith.addi %mul3A_6, %add3A_80 : i32
      %add3A_82 = arith.addi %add3A_81, %add3A_36 : i32
      "tpu.region"() ({
        %run_scoped3A = tpu.sem_alloc : memref<!tpu.dma_semaphore, #tpu.memory_space<semaphore_mem>>
        %dma_start3A_83 = arith.constant 160 : i32
        %dma_start3A_84 = tpu.memref_slice %arg14[%dma_start3A_83] : memref<320xf32, #tpu.memory_space<vmem>> -> memref<160xf32, #tpu.memory_space<vmem>>
        %dma_start3A_85 = tpu.memref_slice %arg7[%add3A_82] : memref<1280000xf32, #tpu.memory_space<hbm>> -> memref<160xf32, #tpu.memory_space<hbm>>
        %dma_start3A_86 = tpu.memref_slice %arg7[%add3A_82] : memref<1280000xf32, #tpu.memory_space<hbm>> -> memref<160xf32, #tpu.memory_space<hbm>>
        %dma_start3A_87 = arith.constant 160 : i32
        %dma_start3A_88 = tpu.memref_slice %arg14[%dma_start3A_87] : memref<320xf32, #tpu.memory_space<vmem>> -> memref<160xf32, #tpu.memory_space<vmem>>
        tpu.enqueue_dma source(%dma_start3A_88 : memref<160xf32, #tpu.memory_space<vmem>>) target(%dma_start3A_86 : memref<160xf32, #tpu.memory_space<hbm>>) target_semaphore(%run_scoped3A : memref<!tpu.dma_semaphore, #tpu.memory_space<semaphore_mem>>)
        %dma_wait3A_89 = arith.constant 160 : i32
        %dma_wait3A_90 = tpu.memref_slice %arg14[%dma_wait3A_89] : memref<320xf32, #tpu.memory_space<vmem>> -> memref<160xf32, #tpu.memory_space<vmem>>
        %dma_wait3A_91 = tpu.memref_slice %arg7[%add3A_82] : memref<1280000xf32, #tpu.memory_space<hbm>> -> memref<160xf32, #tpu.memory_space<hbm>>
        %dma_wait3A_92 = tpu.memref_slice %arg7[%add3A_82] : memref<1280000xf32, #tpu.memory_space<hbm>> -> memref<160xf32, #tpu.memory_space<hbm>>
        %dma_wait3A_93 = arith.constant 160 : i32
        %dma_wait3A_94 = tpu.memref_slice %arg14[%dma_wait3A_93] : memref<320xf32, #tpu.memory_space<vmem>> -> memref<160xf32, #tpu.memory_space<vmem>>
        tpu.wait_dma2 semaphore(%run_scoped3A : memref<!tpu.dma_semaphore, #tpu.memory_space<semaphore_mem>>) src(%dma_wait3A_94 : memref<160xf32, #tpu.memory_space<vmem>>) dst(%dma_wait3A_92 : memref<160xf32, #tpu.memory_space<hbm>>)
        tpu.yield
      }) : () -> ()
    }
    %scan3A_28 = arith.constant 125 : i32
    %mul3A_29 = arith.constant 10000 : i32
    %mul3A_30 = arith.muli %add3A, %mul3A_29 : i32
    %mul3A_31 = arith.constant 2 : i32
    %mul3A_32 = arith.muli %mul3A_30, %mul3A_31 : i32
    "tpu.region"() ({
      %run_scoped3A = tpu.sem_alloc : memref<!tpu.dma_semaphore, #tpu.memory_space<semaphore_mem>>
      %dma_start3A = tpu.memref_slice %arg8[%mul3A_32] : memref<640000xf32, #tpu.memory_space<hbm>> -> memref<20000xf32, #tpu.memory_space<hbm>>
      %dma_start3A_33 = tpu.memref_slice %arg8[%mul3A_32] : memref<640000xf32, #tpu.memory_space<hbm>> -> memref<20000xf32, #tpu.memory_space<hbm>>
      tpu.enqueue_dma source(%arg10 : memref<20000xf32, #tpu.memory_space<vmem>>) target(%dma_start3A_33 : memref<20000xf32, #tpu.memory_space<hbm>>) target_semaphore(%run_scoped3A : memref<!tpu.dma_semaphore, #tpu.memory_space<semaphore_mem>>)
      %dma_wait3A = tpu.memref_slice %arg8[%mul3A_32] : memref<640000xf32, #tpu.memory_space<hbm>> -> memref<20000xf32, #tpu.memory_space<hbm>>
      %dma_wait3A_34 = tpu.memref_slice %arg8[%mul3A_32] : memref<640000xf32, #tpu.memory_space<hbm>> -> memref<20000xf32, #tpu.memory_space<hbm>>
      tpu.wait_dma2 semaphore(%run_scoped3A : memref<!tpu.dma_semaphore, #tpu.memory_space<semaphore_mem>>) src(%arg10 : memref<20000xf32, #tpu.memory_space<vmem>>) dst(%dma_wait3A_34 : memref<20000xf32, #tpu.memory_space<hbm>>)
      tpu.yield
    }) : () -> ()
    return
  }
}

module attributes {stable_mosaic.version = 14 : i64} {
  func.func @_node_proj_body(%arg0: memref<10000x128xf32, #tpu.memory_space<vmem>>, %arg1: memref<128x128xf32, #tpu.memory_space<vmem>>, %arg2: memref<128x8xf32, #tpu.memory_space<vmem>>, %arg3: memref<10000x128xf32, #tpu.memory_space<vmem>>, %arg4: memref<10000x8xf32, #tpu.memory_space<vmem>>, %arg5: memref<8x8xf32, #tpu.memory_space<vmem>>) attributes {dimension_semantics = [], scalar_prefetch = 0 : i64, scratch_operands = 0 : i64, tpu.core_type = #tpu.core_type<tc>} {
    %get3A = arith.constant 0 : index
    %get3A_0 = arith.constant 0 : index
    %get3A_1 = vector.load %arg0[%get3A, %get3A_0] : memref<10000x128xf32, #tpu.memory_space<vmem>>, vector<10000x128xf32>
    %get3A_2 = arith.constant 0 : index
    %get3A_3 = arith.constant 0 : index
    %get3A_4 = vector.load %arg1[%get3A_2, %get3A_3] : memref<128x128xf32, #tpu.memory_space<vmem>>, vector<128x128xf32>
    %dot_general3A = arith.constant dense<0.000000e+00> : vector<10000x128xf32>
    %dot_general3A_5 = tpu.matmul %get3A_1, %get3A_4, %dot_general3A {dimension_numbers = #tpu.dot_dimension_numbers<[1], [1], [0], [0], [0, 0, 1, 0], [], []>, transpose_lhs_hint = false} : vector<10000x128xf32>, vector<128x128xf32>, vector<10000x128xf32> -> vector<10000x128xf32>
    %swap3A = arith.constant 0 : index
    %swap3A_6 = arith.constant 0 : index
    %swap3A_7 = vector.load %arg3[%swap3A, %swap3A_6] : memref<10000x128xf32, #tpu.memory_space<vmem>>, vector<10000x128xf32>
    tpu.vector_store %arg3[%swap3A, %swap3A_6], %dot_general3A_5 {strides = array<i32>} : memref<10000x128xf32, #tpu.memory_space<vmem>>, vector<10000x128xf32>,
    %get3A_8 = arith.constant 0 : index
    %get3A_9 = arith.constant 0 : index
    %get3A_10 = vector.load %arg2[%get3A_8, %get3A_9] : memref<128x8xf32, #tpu.memory_space<vmem>>, vector<128x8xf32>
    %dot_general3A_11 = arith.constant dense<0.000000e+00> : vector<10000x8xf32>
    %dot_general3A_12 = tpu.matmul %dot_general3A_5, %get3A_10, %dot_general3A_11 {dimension_numbers = #tpu.dot_dimension_numbers<[1], [0], [0], [1], [0, 0, 1, 1], [], []>, transpose_lhs_hint = false} : vector<10000x128xf32>, vector<128x8xf32>, vector<10000x8xf32> -> vector<10000x8xf32>
    %swap3A_13 = arith.constant 0 : index
    %swap3A_14 = arith.constant 0 : index
    %swap3A_15 = vector.load %arg4[%swap3A_13, %swap3A_14] : memref<10000x8xf32, #tpu.memory_space<vmem>>, vector<10000x8xf32>
    tpu.vector_store %arg4[%swap3A_13, %swap3A_14], %dot_general3A_12 {strides = array<i32>} : memref<10000x8xf32, #tpu.memory_space<vmem>>, vector<10000x8xf32>,
    %reduce_max3A = arith.constant dense<0xFF800000> : vector<8xf32>
    %reduce_max3A_16 = vector.multi_reduction <maximumf>, %dot_general3A_12, %reduce_max3A [0] : vector<10000x8xf32> to vector<8xf32>
    %broadcast_in_dim3A = vector.shape_cast %reduce_max3A_16 : vector<8xf32> to vector<1x8xf32>
    %broadcast_in_dim3A_17 = vector.shape_cast %broadcast_in_dim3A : vector<1x8xf32> to vector<1x8xf32>
    %broadcast_in_dim3A_18 = vector.broadcast %broadcast_in_dim3A_17 : vector<1x8xf32> to vector<8x8xf32>
    %swap3A_19 = arith.constant 0 : index
    %swap3A_20 = arith.constant 0 : index
    %swap3A_21 = vector.load %arg5[%swap3A_19, %swap3A_20] : memref<8x8xf32, #tpu.memory_space<vmem>>, vector<8x8xf32>
    tpu.vector_store %arg5[%swap3A_19, %swap3A_20], %broadcast_in_dim3A_18 {strides = array<i32>} : memref<8x8xf32, #tpu.memory_space<vmem>>, vector<8x8xf32>,
    return
  }
}

module attributes {stable_mosaic.version = 14 : i64} {
  func.func @_edge_coef_body(%arg0: memref<16x320000xf32, #tpu.memory_space<vmem>>, %arg1: memref<128x16xf32, #tpu.memory_space<vmem>>, %arg2: memref<128x4xf32, #tpu.memory_space<vmem>>, %arg3: memref<4x320000xf32, #tpu.memory_space<vmem>>, %arg4: memref<4x8xf32, #tpu.memory_space<vmem>>) attributes {dimension_semantics = [], scalar_prefetch = 0 : i64, scratch_operands = 0 : i64, tpu.core_type = #tpu.core_type<tc>} {
    %get3A = arith.constant 0 : index
    %get3A_0 = arith.constant 0 : index
    %get3A_1 = vector.load %arg1[%get3A, %get3A_0] : memref<128x16xf32, #tpu.memory_space<vmem>>, vector<128x16xf32>
    %get3A_2 = arith.constant 0 : index
    %get3A_3 = arith.constant 0 : index
    %get3A_4 = vector.load %arg2[%get3A_2, %get3A_3] : memref<128x4xf32, #tpu.memory_space<vmem>>, vector<128x4xf32>
    %dot_general3A = arith.constant dense<0.000000e+00> : vector<16x4xf32>
    %dot_general3A_5 = tpu.matmul %get3A_1, %get3A_4, %dot_general3A {dimension_numbers = #tpu.dot_dimension_numbers<[0], [0], [1], [1], [0, 1, 1, 1], [], []>, transpose_lhs_hint = false} : vector<128x16xf32>, vector<128x4xf32>, vector<16x4xf32> -> vector<16x4xf32>
    %get3A_6 = arith.constant 0 : index
    %get3A_7 = arith.constant 0 : index
    %get3A_8 = vector.load %arg0[%get3A_6, %get3A_7] : memref<16x320000xf32, #tpu.memory_space<vmem>>, vector<16x320000xf32>
    %dot_general3A_9 = arith.constant dense<0.000000e+00> : vector<4x320000xf32>
    %dot_general3A_10 = tpu.matmul %dot_general3A_5, %get3A_8, %dot_general3A_9 {dimension_numbers = #tpu.dot_dimension_numbers<[0], [0], [1], [1], [0, 1, 1, 1], [], []>, transpose_lhs_hint = false} : vector<16x4xf32>, vector<16x320000xf32>, vector<4x320000xf32> -> vector<4x320000xf32>
    %swap3A = arith.constant 0 : index
    %swap3A_11 = arith.constant 0 : index
    %swap3A_12 = vector.load %arg3[%swap3A, %swap3A_11] : memref<4x320000xf32, #tpu.memory_space<vmem>>, vector<4x320000xf32>
    tpu.vector_store %arg3[%swap3A, %swap3A_11], %dot_general3A_10 {strides = array<i32>} : memref<4x320000xf32, #tpu.memory_space<vmem>>, vector<4x320000xf32>,
    %reduce_max3A = arith.constant dense<0xFF800000> : vector<4xf32>
    %reduce_max3A_13 = vector.multi_reduction <maximumf>, %dot_general3A_10, %reduce_max3A [1] : vector<4x320000xf32> to vector<4xf32>
    %broadcast_in_dim3A = vector.shape_cast %reduce_max3A_13 : vector<4xf32> to vector<4x1xf32>
    %broadcast_in_dim3A_14 = vector.shape_cast %broadcast_in_dim3A : vector<4x1xf32> to vector<4x1xf32>
    %broadcast_in_dim3A_15 = vector.broadcast %broadcast_in_dim3A_14 : vector<4x1xf32> to vector<4x8xf32>
    %swap3A_16 = arith.constant 0 : index
    %swap3A_17 = arith.constant 0 : index
    %swap3A_18 = vector.load %arg4[%swap3A_16, %swap3A_17] : memref<4x8xf32, #tpu.memory_space<vmem>>, vector<4x8xf32>
    tpu.vector_store %arg4[%swap3A_16, %swap3A_17], %broadcast_in_dim3A_15 {strides = array<i32>} : memref<4x8xf32, #tpu.memory_space<vmem>>, vector<4x8xf32>,
    return
  }
}

module attributes {stable_mosaic.version = 14 : i64} {
  func.func @_dinv_body(%arg0: memref<16x40000xf32, #tpu.memory_space<vmem>>, %arg1: memref<1x40000xf32, #tpu.memory_space<vmem>>) attributes {dimension_semantics = [], scalar_prefetch = 0 : i64, scratch_operands = 0 : i64, tpu.core_type = #tpu.core_type<tc>} {
    %get3A = arith.constant 0 : index
    %get3A_0 = arith.constant 0 : index
    %get3A_1 = vector.load %arg0[%get3A, %get3A_0] : memref<16x40000xf32, #tpu.memory_space<vmem>>, vector<16x40000xf32>
    %reduce_sum3A = arith.constant dense<0.000000e+00> : vector<40000xf32>
    %reduce_sum3A_2 = vector.multi_reduction <add>, %get3A_1, %reduce_sum3A [0] : vector<16x40000xf32> to vector<40000xf32>
    %broadcast_in_dim3A = vector.shape_cast %reduce_sum3A_2 : vector<40000xf32> to vector<1x40000xf32>
    %div3A = arith.constant 1.000000e+00 : f32
    %div3A_3 = vector.broadcast %div3A : f32 to vector<1x40000xf32>
    %div3A_4 = arith.divf %div3A_3, %broadcast_in_dim3A : vector<1x40000xf32>
    %swap3A = arith.constant 0 : index
    %swap3A_5 = arith.constant 0 : index
    %swap3A_6 = vector.load %arg1[%swap3A, %swap3A_5] : memref<1x40000xf32, #tpu.memory_space<vmem>>, vector<1x40000xf32>
    tpu.vector_store %arg1[%swap3A, %swap3A_5], %div3A_4 {strides = array<i32>} : memref<1x40000xf32, #tpu.memory_space<vmem>>, vector<1x40000xf32>,
    return
  }
}

module attributes {stable_mosaic.version = 14 : i64} {
  func.func @_final_body(%arg0: i32, %arg1: memref<2x2000x64xf32, #tpu.memory_space<vmem>>, %arg2: memref<2x2000x32xf32, #tpu.memory_space<vmem>>, %arg3: memref<2x2000x2xf32, #tpu.memory_space<vmem>>, %arg4: memref<2000x128xf32, #tpu.memory_space<vmem>>, %arg5: memref<128x16xf32, #tpu.memory_space<vmem>>, %arg6: memref<1x128xf32, #tpu.memory_space<vmem>>, %arg7: memref<1x128xf32, #tpu.memory_space<vmem>>, %arg8: memref<2000x128xf32, #tpu.memory_space<vmem>>) attributes {dimension_semantics = [#tpu.dimension_semantics<arbitrary>], iteration_bounds = array<i64: 5>, scalar_prefetch = 0 : i64, scratch_operands = 0 : i64, tpu.core_type = #tpu.core_type<tc>, window_params = [{transform_indices = @transform_0, window_bounds = array<i64: 2, 2000, 64>}, {transform_indices = @transform_1, window_bounds = array<i64: 2, 2000, 32>}, {transform_indices = @transform_2, window_bounds = array<i64: 2, 2000, 2>}, {transform_indices = @transform_3, window_bounds = array<i64: 2000, 128>}, {pipeline_mode = #tpu.pipeline_mode<synchronous>, transform_indices = @transform_4, window_bounds = array<i64: 128, 16>}, {pipeline_mode = #tpu.pipeline_mode<synchronous>, transform_indices = @transform_5, window_bounds = array<i64: 1, 128>}, {pipeline_mode = #tpu.pipeline_mode<synchronous>, transform_indices = @transform_6, window_bounds = array<i64: 1, 128>}, {transform_indices = @transform_7, window_bounds = array<i64: 2000, 128>}]} {
    %get3A = arith.constant 0 : index
    %get3A_0 = arith.constant 0 : index
    %get3A_1 = arith.constant 0 : index
    %get3A_2 = vector.load %arg1[%get3A, %get3A_0, %get3A_1] : memref<2x2000x64xf32, #tpu.memory_space<vmem>>, vector<2x2000x64xf32>
    %get3A_3 = arith.constant 0 : index
    %get3A_4 = arith.constant 0 : index
    %get3A_5 = arith.constant 0 : index
    %get3A_6 = vector.load %arg3[%get3A_3, %get3A_4, %get3A_5] : memref<2x2000x2xf32, #tpu.memory_space<vmem>>, vector<2x2000x2xf32>
    %slice3A = vector.extract_strided_slice %get3A_2 {offsets = [0, 0, 0], sizes = [1, 2000, 64], strides = [1, 1, 1]} : vector<2x2000x64xf32> to vector<1x2000x64xf32>
    %squeeze3A = vector.shape_cast %slice3A : vector<1x2000x64xf32> to vector<2000x64xf32>
    %slice3A_7 = vector.extract_strided_slice %squeeze3A {offsets = [0, 0], sizes = [2000, 32], strides = [1, 1]} : vector<2000x64xf32> to vector<2000x32xf32>
    %slice3A_8 = vector.extract_strided_slice %get3A_6 {offsets = [0, 0, 0], sizes = [1, 2000, 2], strides = [1, 1, 1]} : vector<2x2000x2xf32> to vector<1x2000x2xf32>
    %squeeze3A_9 = vector.shape_cast %slice3A_8 : vector<1x2000x2xf32> to vector<2000x2xf32>
    %slice3A_10 = vector.extract_strided_slice %squeeze3A_9 {offsets = [0, 0], sizes = [2000, 1], strides = [1, 1]} : vector<2000x2xf32> to vector<2000x1xf32>
    %squeeze3A_11 = vector.shape_cast %slice3A_10 : vector<2000x1xf32> to vector<2000xf32>
    %broadcast_in_dim3A = vector.shape_cast %squeeze3A_11 : vector<2000xf32> to vector<2000x1xf32>
    %mul3A = vector.broadcast %broadcast_in_dim3A : vector<2000x1xf32> to vector<2000x32xf32>
    %mul3A_12 = arith.mulf %slice3A_7, %mul3A : vector<2000x32xf32>
    %slice3A_13 = vector.extract_strided_slice %get3A_2 {offsets = [0, 0, 0], sizes = [1, 2000, 64], strides = [1, 1, 1]} : vector<2x2000x64xf32> to vector<1x2000x64xf32>
    %squeeze3A_14 = vector.shape_cast %slice3A_13 : vector<1x2000x64xf32> to vector<2000x64xf32>
    %slice3A_15 = vector.extract_strided_slice %squeeze3A_14 {offsets = [0, 32], sizes = [2000, 32], strides = [1, 1]} : vector<2000x64xf32> to vector<2000x32xf32>
    %slice3A_16 = vector.extract_strided_slice %get3A_6 {offsets = [0, 0, 0], sizes = [1, 2000, 2], strides = [1, 1, 1]} : vector<2x2000x2xf32> to vector<1x2000x2xf32>
    %squeeze3A_17 = vector.shape_cast %slice3A_16 : vector<1x2000x2xf32> to vector<2000x2xf32>
    %slice3A_18 = vector.extract_strided_slice %squeeze3A_17 {offsets = [0, 1], sizes = [2000, 1], strides = [1, 1]} : vector<2000x2xf32> to vector<2000x1xf32>
    %squeeze3A_19 = vector.shape_cast %slice3A_18 : vector<2000x1xf32> to vector<2000xf32>
    %broadcast_in_dim3A_20 = vector.shape_cast %squeeze3A_19 : vector<2000xf32> to vector<2000x1xf32>
    %mul3A_21 = vector.broadcast %broadcast_in_dim3A_20 : vector<2000x1xf32> to vector<2000x32xf32>
    %mul3A_22 = arith.mulf %slice3A_15, %mul3A_21 : vector<2000x32xf32>
    %slice3A_23 = vector.extract_strided_slice %get3A_2 {offsets = [1, 0, 0], sizes = [1, 2000, 64], strides = [1, 1, 1]} : vector<2x2000x64xf32> to vector<1x2000x64xf32>
    %squeeze3A_24 = vector.shape_cast %slice3A_23 : vector<1x2000x64xf32> to vector<2000x64xf32>
    %slice3A_25 = vector.extract_strided_slice %squeeze3A_24 {offsets = [0, 0], sizes = [2000, 32], strides = [1, 1]} : vector<2000x64xf32> to vector<2000x32xf32>
    %slice3A_26 = vector.extract_strided_slice %get3A_6 {offsets = [1, 0, 0], sizes = [1, 2000, 2], strides = [1, 1, 1]} : vector<2x2000x2xf32> to vector<1x2000x2xf32>
    %squeeze3A_27 = vector.shape_cast %slice3A_26 : vector<1x2000x2xf32> to vector<2000x2xf32>
    %slice3A_28 = vector.extract_strided_slice %squeeze3A_27 {offsets = [0, 0], sizes = [2000, 1], strides = [1, 1]} : vector<2000x2xf32> to vector<2000x1xf32>
    %squeeze3A_29 = vector.shape_cast %slice3A_28 : vector<2000x1xf32> to vector<2000xf32>
    %broadcast_in_dim3A_30 = vector.shape_cast %squeeze3A_29 : vector<2000xf32> to vector<2000x1xf32>
    %mul3A_31 = vector.broadcast %broadcast_in_dim3A_30 : vector<2000x1xf32> to vector<2000x32xf32>
    %mul3A_32 = arith.mulf %slice3A_25, %mul3A_31 : vector<2000x32xf32>
    %slice3A_33 = vector.extract_strided_slice %get3A_2 {offsets = [1, 0, 0], sizes = [1, 2000, 64], strides = [1, 1, 1]} : vector<2x2000x64xf32> to vector<1x2000x64xf32>
    %squeeze3A_34 = vector.shape_cast %slice3A_33 : vector<1x2000x64xf32> to vector<2000x64xf32>
    %slice3A_35 = vector.extract_strided_slice %squeeze3A_34 {offsets = [0, 32], sizes = [2000, 32], strides = [1, 1]} : vector<2000x64xf32> to vector<2000x32xf32>
    %slice3A_36 = vector.extract_strided_slice %get3A_6 {offsets = [1, 0, 0], sizes = [1, 2000, 2], strides = [1, 1, 1]} : vector<2x2000x2xf32> to vector<1x2000x2xf32>
    %squeeze3A_37 = vector.shape_cast %slice3A_36 : vector<1x2000x2xf32> to vector<2000x2xf32>
    %slice3A_38 = vector.extract_strided_slice %squeeze3A_37 {offsets = [0, 1], sizes = [2000, 1], strides = [1, 1]} : vector<2000x2xf32> to vector<2000x1xf32>
    %squeeze3A_39 = vector.shape_cast %slice3A_38 : vector<2000x1xf32> to vector<2000xf32>
    %broadcast_in_dim3A_40 = vector.shape_cast %squeeze3A_39 : vector<2000xf32> to vector<2000x1xf32>
    %mul3A_41 = vector.broadcast %broadcast_in_dim3A_40 : vector<2000x1xf32> to vector<2000x32xf32>
    %mul3A_42 = arith.mulf %slice3A_35, %mul3A_41 : vector<2000x32xf32>
    %concatenate3A = tpu.concatenate %mul3A_12, %mul3A_22, %mul3A_32, %mul3A_42 in 1 : vector<2000x32xf32>, vector<2000x32xf32>, vector<2000x32xf32>, vector<2000x32xf32> -> vector<2000x128xf32>
    %get3A_43 = arith.constant 0 : index
    %get3A_44 = arith.constant 0 : index
    %get3A_45 = arith.constant 0 : index
    %get3A_46 = vector.load %arg2[%get3A_43, %get3A_44, %get3A_45] : memref<2x2000x32xf32, #tpu.memory_space<vmem>>, vector<2x2000x32xf32>
    %get3A_47 = arith.constant 0 : index
    %get3A_48 = arith.constant 0 : index
    %get3A_49 = arith.constant 0 : index
    %get3A_50 = vector.load %arg3[%get3A_47, %get3A_48, %get3A_49] : memref<2x2000x2xf32, #tpu.memory_space<vmem>>, vector<2x2000x2xf32>
    %slice3A_51 = vector.extract_strided_slice %get3A_46 {offsets = [0, 0, 0], sizes = [1, 2000, 32], strides = [1, 1, 1]} : vector<2x2000x32xf32> to vector<1x2000x32xf32>
    %squeeze3A_52 = vector.shape_cast %slice3A_51 : vector<1x2000x32xf32> to vector<2000x32xf32>
    %slice3A_53 = vector.extract_strided_slice %squeeze3A_52 {offsets = [0, 0], sizes = [2000, 16], strides = [1, 1]} : vector<2000x32xf32> to vector<2000x16xf32>
    %slice3A_54 = vector.extract_strided_slice %get3A_50 {offsets = [0, 0, 0], sizes = [1, 2000, 2], strides = [1, 1, 1]} : vector<2x2000x2xf32> to vector<1x2000x2xf32>
    %squeeze3A_55 = vector.shape_cast %slice3A_54 : vector<1x2000x2xf32> to vector<2000x2xf32>
    %slice3A_56 = vector.extract_strided_slice %squeeze3A_55 {offsets = [0, 0], sizes = [2000, 1], strides = [1, 1]} : vector<2000x2xf32> to vector<2000x1xf32>
    %squeeze3A_57 = vector.shape_cast %slice3A_56 : vector<2000x1xf32> to vector<2000xf32>
    %broadcast_in_dim3A_58 = vector.shape_cast %squeeze3A_57 : vector<2000xf32> to vector<2000x1xf32>
    %mul3A_59 = vector.broadcast %broadcast_in_dim3A_58 : vector<2000x1xf32> to vector<2000x16xf32>
    %mul3A_60 = arith.mulf %slice3A_53, %mul3A_59 : vector<2000x16xf32>
    %get3A_61 = arith.constant 0 : index
    %get3A_62 = arith.constant 0 : index
    %get3A_63 = vector.load %arg5[%get3A_61, %get3A_62] : memref<128x16xf32, #tpu.memory_space<vmem>>, vector<32x16xf32>
    %dot_general3A = arith.constant dense<0.000000e+00> : vector<2000x32xf32>
    %dot_general3A_64 = tpu.matmul %mul3A_60, %get3A_63, %dot_general3A {dimension_numbers = #tpu.dot_dimension_numbers<[1], [1], [0], [0], [0, 0, 1, 0], [], []>, transpose_lhs_hint = false} : vector<2000x16xf32>, vector<32x16xf32>, vector<2000x32xf32> -> vector<2000x32xf32>
    %slice3A_65 = vector.extract_strided_slice %get3A_46 {offsets = [0, 0, 0], sizes = [1, 2000, 32], strides = [1, 1, 1]} : vector<2x2000x32xf32> to vector<1x2000x32xf32>
    %squeeze3A_66 = vector.shape_cast %slice3A_65 : vector<1x2000x32xf32> to vector<2000x32xf32>
    %slice3A_67 = vector.extract_strided_slice %squeeze3A_66 {offsets = [0, 16], sizes = [2000, 16], strides = [1, 1]} : vector<2000x32xf32> to vector<2000x16xf32>
    %slice3A_68 = vector.extract_strided_slice %get3A_50 {offsets = [0, 0, 0], sizes = [1, 2000, 2], strides = [1, 1, 1]} : vector<2x2000x2xf32> to vector<1x2000x2xf32>
    %squeeze3A_69 = vector.shape_cast %slice3A_68 : vector<1x2000x2xf32> to vector<2000x2xf32>
    %slice3A_70 = vector.extract_strided_slice %squeeze3A_69 {offsets = [0, 1], sizes = [2000, 1], strides = [1, 1]} : vector<2000x2xf32> to vector<2000x1xf32>
    %squeeze3A_71 = vector.shape_cast %slice3A_70 : vector<2000x1xf32> to vector<2000xf32>
    %broadcast_in_dim3A_72 = vector.shape_cast %squeeze3A_71 : vector<2000xf32> to vector<2000x1xf32>
    %mul3A_73 = vector.broadcast %broadcast_in_dim3A_72 : vector<2000x1xf32> to vector<2000x16xf32>
    %mul3A_74 = arith.mulf %slice3A_67, %mul3A_73 : vector<2000x16xf32>
    %get3A_75 = arith.constant 32 : index
    %get3A_76 = arith.constant 0 : index
    %get3A_77 = vector.load %arg5[%get3A_75, %get3A_76] : memref<128x16xf32, #tpu.memory_space<vmem>>, vector<32x16xf32>
    %dot_general3A_78 = arith.constant dense<0.000000e+00> : vector<2000x32xf32>
    %dot_general3A_79 = tpu.matmul %mul3A_74, %get3A_77, %dot_general3A_78 {dimension_numbers = #tpu.dot_dimension_numbers<[1], [1], [0], [0], [0, 0, 1, 0], [], []>, transpose_lhs_hint = false} : vector<2000x16xf32>, vector<32x16xf32>, vector<2000x32xf32> -> vector<2000x32xf32>
    %slice3A_80 = vector.extract_strided_slice %get3A_46 {offsets = [1, 0, 0], sizes = [1, 2000, 32], strides = [1, 1, 1]} : vector<2x2000x32xf32> to vector<1x2000x32xf32>
    %squeeze3A_81 = vector.shape_cast %slice3A_80 : vector<1x2000x32xf32> to vector<2000x32xf32>
    %slice3A_82 = vector.extract_strided_slice %squeeze3A_81 {offsets = [0, 0], sizes = [2000, 16], strides = [1, 1]} : vector<2000x32xf32> to vector<2000x16xf32>
    %slice3A_83 = vector.extract_strided_slice %get3A_50 {offsets = [1, 0, 0], sizes = [1, 2000, 2], strides = [1, 1, 1]} : vector<2x2000x2xf32> to vector<1x2000x2xf32>
    %squeeze3A_84 = vector.shape_cast %slice3A_83 : vector<1x2000x2xf32> to vector<2000x2xf32>
    %slice3A_85 = vector.extract_strided_slice %squeeze3A_84 {offsets = [0, 0], sizes = [2000, 1], strides = [1, 1]} : vector<2000x2xf32> to vector<2000x1xf32>
    %squeeze3A_86 = vector.shape_cast %slice3A_85 : vector<2000x1xf32> to vector<2000xf32>
    %broadcast_in_dim3A_87 = vector.shape_cast %squeeze3A_86 : vector<2000xf32> to vector<2000x1xf32>
    %mul3A_88 = vector.broadcast %broadcast_in_dim3A_87 : vector<2000x1xf32> to vector<2000x16xf32>
    %mul3A_89 = arith.mulf %slice3A_82, %mul3A_88 : vector<2000x16xf32>
    %get3A_90 = arith.constant 64 : index
    %get3A_91 = arith.constant 0 : index
    %get3A_92 = vector.load %arg5[%get3A_90, %get3A_91] : memref<128x16xf32, #tpu.memory_space<vmem>>, vector<32x16xf32>
    %dot_general3A_93 = arith.constant dense<0.000000e+00> : vector<2000x32xf32>
    %dot_general3A_94 = tpu.matmul %mul3A_89, %get3A_92, %dot_general3A_93 {dimension_numbers = #tpu.dot_dimension_numbers<[1], [1], [0], [0], [0, 0, 1, 0], [], []>, transpose_lhs_hint = false} : vector<2000x16xf32>, vector<32x16xf32>, vector<2000x32xf32> -> vector<2000x32xf32>
    %slice3A_95 = vector.extract_strided_slice %get3A_46 {offsets = [1, 0, 0], sizes = [1, 2000, 32], strides = [1, 1, 1]} : vector<2x2000x32xf32> to vector<1x2000x32xf32>
    %squeeze3A_96 = vector.shape_cast %slice3A_95 : vector<1x2000x32xf32> to vector<2000x32xf32>
    %slice3A_97 = vector.extract_strided_slice %squeeze3A_96 {offsets = [0, 16], sizes = [2000, 16], strides = [1, 1]} : vector<2000x32xf32> to vector<2000x16xf32>
    %slice3A_98 = vector.extract_strided_slice %get3A_50 {offsets = [1, 0, 0], sizes = [1, 2000, 2], strides = [1, 1, 1]} : vector<2x2000x2xf32> to vector<1x2000x2xf32>
    %squeeze3A_99 = vector.shape_cast %slice3A_98 : vector<1x2000x2xf32> to vector<2000x2xf32>
    %slice3A_100 = vector.extract_strided_slice %squeeze3A_99 {offsets = [0, 1], sizes = [2000, 1], strides = [1, 1]} : vector<2000x2xf32> to vector<2000x1xf32>
    %squeeze3A_101 = vector.shape_cast %slice3A_100 : vector<2000x1xf32> to vector<2000xf32>
    %broadcast_in_dim3A_102 = vector.shape_cast %squeeze3A_101 : vector<2000xf32> to vector<2000x1xf32>
    %mul3A_103 = vector.broadcast %broadcast_in_dim3A_102 : vector<2000x1xf32> to vector<2000x16xf32>
    %mul3A_104 = arith.mulf %slice3A_97, %mul3A_103 : vector<2000x16xf32>
    %get3A_105 = arith.constant 96 : index
    %get3A_106 = arith.constant 0 : index
    %get3A_107 = vector.load %arg5[%get3A_105, %get3A_106] : memref<128x16xf32, #tpu.memory_space<vmem>>, vector<32x16xf32>
    %dot_general3A_108 = arith.constant dense<0.000000e+00> : vector<2000x32xf32>
    %dot_general3A_109 = tpu.matmul %mul3A_104, %get3A_107, %dot_general3A_108 {dimension_numbers = #tpu.dot_dimension_numbers<[1], [1], [0], [0], [0, 0, 1, 0], [], []>, transpose_lhs_hint = false} : vector<2000x16xf32>, vector<32x16xf32>, vector<2000x32xf32> -> vector<2000x32xf32>
    %concatenate3A_110 = tpu.concatenate %dot_general3A_64, %dot_general3A_79, %dot_general3A_94, %dot_general3A_109 in 1 : vector<2000x32xf32>, vector<2000x32xf32>, vector<2000x32xf32>, vector<2000x32xf32> -> vector<2000x128xf32>
    %add3A = arith.addf %concatenate3A, %concatenate3A_110 : vector<2000x128xf32>
    %get3A_111 = arith.constant 0 : index
    %get3A_112 = arith.constant 0 : index
    %get3A_113 = vector.load %arg4[%get3A_111, %get3A_112] : memref<2000x128xf32, #tpu.memory_space<vmem>>, vector<2000x128xf32>
    %add3A_114 = arith.addf %add3A, %get3A_113 : vector<2000x128xf32>
    %reduce_sum3A = arith.constant dense<0.000000e+00> : vector<2000xf32>
    %reduce_sum3A_115 = vector.multi_reduction <add>, %add3A_114, %reduce_sum3A [1] : vector<2000x128xf32> to vector<2000xf32>
    %broadcast_in_dim3A_116 = vector.shape_cast %reduce_sum3A_115 : vector<2000xf32> to vector<2000x1xf32>
    %div3A = arith.constant 1.280000e+02 : f32
    %div3A_117 = vector.broadcast %div3A : f32 to vector<2000x1xf32>
    %div3A_118 = arith.divf %broadcast_in_dim3A_116, %div3A_117 : vector<2000x1xf32>
    %sub3A = vector.broadcast %div3A_118 : vector<2000x1xf32> to vector<2000x128xf32>
    %sub3A_119 = arith.subf %add3A_114, %sub3A : vector<2000x128xf32>
    %mul3A_120 = arith.mulf %sub3A_119, %sub3A_119 : vector<2000x128xf32>
    %reduce_sum3A_121 = arith.constant dense<0.000000e+00> : vector<2000xf32>
    %reduce_sum3A_122 = vector.multi_reduction <add>, %mul3A_120, %reduce_sum3A_121 [1] : vector<2000x128xf32> to vector<2000xf32>
    %broadcast_in_dim3A_123 = vector.shape_cast %reduce_sum3A_122 : vector<2000xf32> to vector<2000x1xf32>
    %div3A_124 = arith.constant 1.280000e+02 : f32
    %div3A_125 = vector.broadcast %div3A_124 : f32 to vector<2000x1xf32>
    %div3A_126 = arith.divf %broadcast_in_dim3A_123, %div3A_125 : vector<2000x1xf32>
    %add3A_127 = arith.constant 9.99999974E-6 : f32
    %add3A_128 = vector.broadcast %add3A_127 : f32 to vector<2000x1xf32>
    %add3A_129 = arith.addf %div3A_126, %add3A_128 : vector<2000x1xf32>
    %rsqrt3A = math.rsqrt %add3A_129 : vector<2000x1xf32>
    %mul3A_130 = vector.broadcast %rsqrt3A : vector<2000x1xf32> to vector<2000x128xf32>
    %mul3A_131 = arith.mulf %sub3A_119, %mul3A_130 : vector<2000x128xf32>
    %get3A_132 = arith.constant 0 : index
    %get3A_133 = arith.constant 0 : index
    %get3A_134 = vector.load %arg6[%get3A_132, %get3A_133] : memref<1x128xf32, #tpu.memory_space<vmem>>, vector<1x128xf32>
    %mul3A_135 = vector.broadcast %get3A_134 : vector<1x128xf32> to vector<2000x128xf32>
    %mul3A_136 = arith.mulf %mul3A_131, %mul3A_135 : vector<2000x128xf32>
    %get3A_137 = arith.constant 0 : index
    %get3A_138 = arith.constant 0 : index
    %get3A_139 = vector.load %arg7[%get3A_137, %get3A_138] : memref<1x128xf32, #tpu.memory_space<vmem>>, vector<1x128xf32>
    %add3A_140 = vector.broadcast %get3A_139 : vector<1x128xf32> to vector<2000x128xf32>
    %add3A_141 = arith.addf %mul3A_136, %add3A_140 : vector<2000x128xf32>
    %gt3A = arith.constant 0.000000e+00 : f32
    %gt3A_142 = vector.broadcast %gt3A : f32 to vector<2000x128xf32>
    %gt3A_143 = arith.cmpf ogt, %add3A_141, %gt3A_142 : vector<2000x128xf32>
    %min3A = arith.constant 0.000000e+00 : f32
    %min3A_144 = vector.broadcast %min3A : f32 to vector<2000x128xf32>
    %min3A_145 = arith.minimumf %add3A_141, %min3A_144 : vector<2000x128xf32>
    %exp3A = math.exp %min3A_145 : vector<2000x128xf32>
    %sub3A_146 = arith.constant 1.000000e+00 : f32
    %sub3A_147 = vector.broadcast %sub3A_146 : f32 to vector<2000x128xf32>
    %sub3A_148 = arith.subf %exp3A, %sub3A_147 : vector<2000x128xf32>
    %select_n3A = arith.select %gt3A_143, %add3A_141, %sub3A_148 : vector<2000x128xi1>, vector<2000x128xf32>
    %swap3A = arith.constant 0 : index
    %swap3A_149 = arith.constant 0 : index
    %swap3A_150 = vector.load %arg8[%swap3A, %swap3A_149] : memref<2000x128xf32, #tpu.memory_space<vmem>>, vector<2000x128xf32>
    tpu.vector_store %arg8[%swap3A, %swap3A_149], %select_n3A {strides = array<i32>} : memref<2000x128xf32, #tpu.memory_space<vmem>>, vector<2000x128xf32>,
    return
  }
  func.func @transform_0(%arg0: i32) -> (i32, i32, i32) {
    %c0_i32 = arith.constant 0 : i32
    %c0_i32_0 = arith.constant 0 : i32
    %c0_i32_1 = arith.constant 0 : i32
    return %c0_i32, %arg0, %c0_i32_0 : i32, i32, i32
  }
  func.func @transform_1(%arg0: i32) -> (i32, i32, i32) {
    %c0_i32 = arith.constant 0 : i32
    %c0_i32_0 = arith.constant 0 : i32
    %c0_i32_1 = arith.constant 0 : i32
    return %c0_i32, %arg0, %c0_i32_0 : i32, i32, i32
  }
  func.func @transform_2(%arg0: i32) -> (i32, i32, i32) {
    %c0_i32 = arith.constant 0 : i32
    %c0_i32_0 = arith.constant 0 : i32
    %c0_i32_1 = arith.constant 0 : i32
    return %c0_i32, %arg0, %c0_i32_0 : i32, i32, i32
  }
  func.func @transform_3(%arg0: i32) -> (i32, i32) {
    %c0_i32 = arith.constant 0 : i32
    %c0_i32_0 = arith.constant 0 : i32
    return %arg0, %c0_i32 : i32, i32
  }
  func.func @transform_4(%arg0: i32) -> (i32, i32) {
    %c0_i32 = arith.constant 0 : i32
    %c0_i32_0 = arith.constant 0 : i32
    %c0_i32_1 = arith.constant 0 : i32
    return %c0_i32, %c0_i32_0 : i32, i32
  }
  func.func @transform_5(%arg0: i32) -> (i32, i32) {
    %c0_i32 = arith.constant 0 : i32
    %c0_i32_0 = arith.constant 0 : i32
    %c0_i32_1 = arith.constant 0 : i32
    return %c0_i32, %c0_i32_0 : i32, i32
  }
  func.func @transform_6(%arg0: i32) -> (i32, i32) {
    %c0_i32 = arith.constant 0 : i32
    %c0_i32_0 = arith.constant 0 : i32
    %c0_i32_1 = arith.constant 0 : i32
    return %c0_i32, %c0_i32_0 : i32, i32
  }
  func.func @transform_7(%arg0: i32) -> (i32, i32) {
    %c0_i32 = arith.constant 0 : i32
    %c0_i32_0 = arith.constant 0 : i32
    return %arg0, %c0_i32 : i32, i32
  }
}

</mosaic_0001>

<sc_bundles>
// kernel: kernel.11.cloned.1.call-start
scs
__scs_entry_jumppad:
0x0: {  	(pc) =	sbr.rel $0x88, $3  }
0x1: {  	(tag) =	ssettag $0x0;
	lr =	simm.s32 $0x1  }
0x2: {  	[smem:$0x3F97] =	sst lr;
	_ =	strace $0xD0000000  }
0x3: {  	_ = 	snop  }
0x4: {  	_ = 	snop  }
0x5: {  	_ = 	snop  }
0x6: {  	_ = 	snop  }
0x7: {  	_ = 	snop  }
__scs_overlays_trampoline_lowered:
0x8: {  	[smem:$0x3FA6] =	sst s0  }
0x9: {  	[smem:$0x3FA7] =	sst s1  }
0xa: {  	[smem:$0x3FA8] =	sst s2  }
0xb: {  	[smem:$0x3FA9] =	sst s3  }
0xc: {  	[smem:$0x3FAA] =	sst s4  }
0xd: {  	[smem:$0x3FAB] =	sst s5  }
0xe: {  	[smem:$0x3FAC] =	sst s6  }
0xf: {  	[smem:$0x3FAD] =	sst s7  }
0x10: {  	[smem:$0x3FAE] =	sst s8  }
0x11: {  	[smem:$0x3FAF] =	sst s9;
	s0 =	simm.s32 @!p0 $0x0  }
0x12: {  	s1 =	sld [smem:$0x3F95];
	s0 =	simm.s32 @p0 $0x1  }
0x13: {  	[smem:$0x3FB0] =	sst s0;
	s0 =	simm.s32 @!p1 $0x0  }
0x14: {  	s2 =	sld [smem:$0x3F94];
	s0 =	simm.s32 @p1 $0x1  }
0x15: {  	[smem:$0x3FB1] =	sst s0;
	s0 =	simm.s32 @!p2 $0x0  }
0x16: {  	s3 =	sld [smem:$0x3FDB];
	s0 =	simm.s32 @p2 $0x1  }
0x17: {  	s4 =	simm.s32 $0x1BF5;
	[smem:$0x3FB3] =	sst s0  }
0x18: {  	s0 =	sld [smem:$0x3F96];
	_ =	swait.ge [sflag:s4], $0x0  }
0x19: {  	s7 =	sld [smem:$0x3F97]  }
0x1a: {  	s8 =	sadd.s32 $0xFFFFE003, lr  }
0x1b: {  	s9 =	sadd.s32 $0xFFFFFEF7, lr;
	s5 =	simm.s32 $0xFFFFFFFF;
	p2 =	slt.u32 s8, $0xFFFFF086  }
0x1c: {  	p1 =	slt.u32 s9, $0xF7A;
	s5 =	simm.s32 @!p2 $0x0  }
0x1d: {  	s5 =	simm.s32 @p1 $0x1;
	p0 =	seq.s32 s7, s2  }
0x1e: {  	s7 =	smul.u32 @!p0 $0xF7A, s2;
	p2 =	seq.s32 @!p0 s5, $0x0  }
0x1f: {  	s9 =	smul.u32 $0xF7A, s1;
	s8 =	simm.s32 @!p0 $0x1BF5;
	p2 =	por !p2, p0  }
0x20: {  	[sflag:s8] =	ssyncset.s32 @!p0 $0xFFFFF086;
	s6 =	sadd.s32 @!p0 s3, s7;
	s7 =	simm.s32 @!p0 $0x108  }
0x21: {  	s3 =	sadd.s32 s3, s9;
	s6 =	sadd.s32 @!p0 $0x88, s6;
	s7 =	simm.s32 @p2 $0x1082  }
0x22: {  	[simem:s7], [sflag:s8] =	dma.local @!p0 [hbm:s6], $0xF7A  }
0x23: {  	s9 =	sor.u32 $0xD0000000, s2;
	s6 =	simm.s32 $0x108;
	_ =	swait.ge @!p0 [sflag:s8], $0x0  }
0x24: {  	s3 =	sadd.s32 $0x88, s3;
	s6 =	simm.s32 @!p1 $0x1082;
	[sflag:s4] =	ssyncset.s32 $0xFFFFF086  }
0x25: {  	[simem:s6], [sflag:s4] =	dma.local [hbm:s3], $0xF7A  }
0x26: {  	[smem:$0x3F97] =	sst s1;
	(tag) =	ssettag s2;
	_ =	strace s9  }
0x27: {  	s1 =	sld [smem:$0x3FA7]  }
0x28: {  	s2 =	sld [smem:$0x3FA8]  }
0x29: {  	s4 =	sld [smem:$0x3FAA]  }
0x2a: {  	p0 =	seq.s32 s5, $0x0;
	s5 =	sld [smem:$0x3FAB]  }
0x2b: {  	s6 =	sld [smem:$0x3FAC]  }
0x2c: {  	s7 =	sld [smem:$0x3FAD]  }
0x2d: {  	s3 =	simm.s32 $0x108;
	s8 =	sld [smem:$0x3FAE]  }
0x2e: {  	s3 =	simm.s32 @!p0 $0x1082;
	s9 =	sld [smem:$0x3FAF]  }
0x2f: {  	lr =	sadd.s32 s0, s3;
	s0 =	sld [smem:$0x3FA6]  }
0x30: {  	s3 =	sld [smem:$0x3FA9]  }
0x31: {  	[smem:$0x3FB2] =	sst s10  }
0x32: {  	s10 =	sld [smem:$0x3FB0];
	_ =	sdelay $0x3  }
0x33: {  	p0 =	seq.s32 s10, $0x1;
	s10 =	sld [smem:$0x3FB2];
	_ =	sdelay $0x3  }
0x34: {  	[smem:$0x3FB2] =	sst s10  }
0x35: {  	s10 =	sld [smem:$0x3FB1];
	_ =	sdelay $0x3  }
0x36: {  	p1 =	seq.s32 s10, $0x1;
	s10 =	sld [smem:$0x3FB2];
	_ =	sdelay $0x3  }
0x37: {  	[smem:$0x3FB2] =	sst s10  }
0x38: {  	s10 =	sld [smem:$0x3FB3]  }
0x39: {  	_ = 	snop;
	(pc) =	sbr.ind lr, $3  }
0x3a: {  	_ = 	snop  }
0x3b: {  	_ = 	snop  }
0x3c: {  	p2 =	seq.s32 s10, $0x1;
	s10 =	sld [smem:$0x3FB2]  }
0x3d: {  	_ =	shalt  }
0x3e: {  	_ =	shalt  }
0x3f: {  	_ =	shalt  }
0x40: {  	_ =	shalt  }
0x41: {  	_ =	shalt  }
0x42: {  	_ =	shalt  }
0x43: {  	_ =	shalt  }
0x44: {  	_ =	shalt  }
0x45: {  	_ =	shalt  }
0x46: {  	_ =	shalt  }
0x47: {  	_ =	shalt  }
0x48: {  	_ =	shalt  }
0x49: {  	_ =	shalt  }
0x4a: {  	_ =	shalt  }
0x4b: {  	_ =	shalt  }
0x4c: {  	_ =	shalt  }
0x4d: {  	_ =	shalt  }
0x4e: {  	_ =	shalt  }
0x4f: {  	_ =	shalt  }
0x50: {  	_ =	shalt  }
0x51: {  	_ =	shalt  }
0x52: {  	_ =	shalt  }
0x53: {  	_ =	shalt  }
0x54: {  	_ =	shalt  }
0x55: {  	_ =	shalt  }
0x56: {  	_ =	shalt  }
0x57: {  	_ =	shalt  }
0x58: {  	_ =	shalt  }
0x59: {  	_ =	shalt  }
0x5a: {  	_ =	shalt  }
0x5b: {  	_ =	shalt  }
0x5c: {  	_ =	shalt  }
0x5d: {  	_ =	shalt  }
0x5e: {  	_ =	shalt  }
0x5f: {  	_ =	shalt  }
0x60: {  	_ =	shalt  }
0x61: {  	_ =	shalt  }
0x62: {  	_ =	shalt  }
0x63: {  	_ =	shalt  }
0x64: {  	_ =	shalt  }
0x65: {  	_ =	shalt  }
0x66: {  	_ =	shalt  }
0x67: {  	_ =	shalt  }
0x68: {  	_ =	shalt  }
0x69: {  	_ =	shalt  }
0x6a: {  	_ =	shalt  }
0x6b: {  	_ =	shalt  }
0x6c: {  	_ =	shalt  }
0x6d: {  	_ =	shalt  }
0x6e: {  	_ =	shalt  }
0x6f: {  	_ =	shalt  }
0x70: {  	_ =	shalt  }
0x71: {  	_ =	shalt  }
0x72: {  	_ =	shalt  }
0x73: {  	_ =	shalt  }
0x74: {  	_ =	shalt  }
0x75: {  	_ =	shalt  }
0x76: {  	_ =	shalt  }
0x77: {  	_ =	shalt  }
0x78: {  	_ =	shalt  }
0x79: {  	_ =	shalt  }
0x7a: {  	_ =	shalt  }
0x7b: {  	_ =	shalt  }
0x7c: {  	_ =	shalt  }
0x7d: {  	_ =	shalt  }
0x7e: {  	_ =	shalt  }
0x7f: {  	_ =	shalt  }
0x80: {  	_ =	shalt  }
0x81: {  	_ =	shalt  }
0x82: {  	_ =	shalt  }
0x83: {  	_ =	shalt  }
0x84: {  	_ =	shalt  }
0x85: {  	_ =	shalt  }
0x86: {  	_ =	shalt  }
0x87: {  	_ =	shalt  }
.Lfunc_end0:
.L_simem_size_0:
called_computation.1_lowered:
.L_overlay_start_0:
0x88: {  	s2 =	sld [smem:$0x3FD9]  }
0x89: {  	s3 =	sld [smem:$0x3FFE];
	_ =	sdelay $0x1  }
0x8a: {  	s1 =	srdreg.scid  }
0x8b: {  	s0 =	sand.u32 $0x1, s1  }
0x8c: {  	s17 =	sshll.u32 s0, $0xA;
	s2 =	sadd.s32 s3, s2  }
0x8d: {  	s2 =	sadd.s32 s2, s17  }
0x8e: {  	[smem:$0x3FBE] =	sst s2  }
0x8f: {  	_ = 	snop  }
0x90: {  	s2 =	sld [smem:$0x3FD0];
	(tm) =	ssettm $0x1  }
0x91: {  	s18 =	sld [smem:$0x3FFB];
	_ =	sdelay $0x3  }
0x92: {  	_ =	strace s18  }
0x93: {  	s3 =	sld [smem:$0x3FFC];
	_ =	sdelay $0x3  }
0x94: {  	_ =	strace s3  }
0x95: {  	s3 =	sld [smem:$0x3FFD];
	_ =	sdelay $0x3  }
0x96: {  	_ =	strace s3  }
0x97: {  	_ =	strace $0x8FFFFFFF  }
0x98: {  	s19 =	sld [smem:$0x3FDB];
	_ =	sdelay $0x1  }
0x99: {  	s4 =	simm.s32 $_scs_section_size  }
0x9a: {  	s5 =	simm.s32 $_size__tile_overlayer_lowered;
	s6 =	simm.s32 $_tile_overlayer_lowered  }
0x9b: {  	s22 =	simm.s32 $0x1BFF;
	s21 =	sshll.u32 s6, $0x1;
	s3 =	sadd.s32 s4, s19  }
0x9c: {  	s7 =	simm.s32 $0x0;
	s20 =	sshll.u32 s5, $0x1;
	s5 =	sadd.s32 s21, s3  }
0x9d: {  	[timem:s7], [sflag:s22] =	dma.local [hbm:s5], s20  }
0x9e: {  	_ =	swait.ge [sflag:s22], s20  }
0x9f: {  	s4 =	ssub.s32 $0x0, s20;
	[sflag:s22] =	ssyncset.done $0x0  }
0xa0: {  	[sflag:s22] =	ssyncadd.s32 s4;
	_ =	sdelay $0x1  }
0xa1: {  	s23 =	simm.s32 $0x1B8B  }
0xa2: {  	_ =	swait.ge [sflag:s23], $0x1  }
0xa3: {  	[sflag:s23] =	ssyncset.done $0x0  }
0xa4: {  	s25 =	simm.s32 $0x1B8E;
	s24 =	sld [smem:$0x3FFE];
	[sflag:s23] =	ssyncadd.s32 $0xFFFFFFFF  }
0xa5: {  	s26 =	simm.s32 $execute0_lowered;
	[smem:$0x3FD2] =	sst s25  }
0xa6: {  	s5 =	sshll.u32 s26, $0x1;
	_ =	strace $0x80000049;
	[dreg:$0x1] =	wrdreg $0xFFFFFFFF  }
0xa7: {  	s28 =	simm.s32 $_size_execute0_lowered;
	s3 =	sadd.s32 s3, s5;
	[dreg:$0x0] =	wrdreg $0x0  }
0xa8: {  	s5 =	sshll.u32 s28, $0x1;
	[dreg:$0x2] =	wrdreg s3  }
0xa9: {  	[dreg:$0x3] =	wrdreg s5  }
0xaa: {  	[dreg:$0x4] =	wrdreg $0xC0  }
0xab: {  	_ =	task [dreg:s7], $0x5FFFF  }
0xac: {  	[dreg:$0x1] =	wrdreg $0xFFFFFFFF  }
0xad: {  	[dreg:$0x0] =	wrdreg $0x60  }
0xae: {  	[dreg:$0x2] =	wrdreg s24  }
0xaf: {  	[dreg:$0x3] =	wrdreg s2  }
0xb0: {  	[dreg:$0x4] =	wrdreg $0x101800  }
0xb1: {  	[dreg:$0x5] =	wrdreg $0x1A1800  }
0xb2: {  	[dreg:$0x6] =	wrdreg $0x9  }
0xb3: {  	_ =	task.clear_ibuf [dreg:s7], $0x7FFFF;
	_ =	strace $0x90000049  }
0xb4: {  	s29 =	simm.s32 $0x9;
	_ =	strace $0x8000004B  }
0xb5: {  	_ =	swait.ge [sflag:s29], $0x1  }
0xb6: {  	[sflag:s29] =	ssyncadd.s32 $0xFFFFFFFF  }
0xb7: {  	_ =	strace $0x9000004B  }
0xb8: {  	_ =	sfence  }
0xb9: {  	s30 =	sld [smem:$0x0];
	_ =	sdelay $0x2  }
0xba: {  	s31 =	sshll.u32 s1, $0xD;
	s1 =	sshrl.u32 s1, $0x2  }
0xbb: {  	s3 =	sand.u32 $0x4000, s31;
	s1 =	sadd.s32 s1, s30  }
0xbc: {  	s0 =	sor.u32 s3, s0;
	s1 =	sshll.u32 s1, $0x11  }
0xbd: {  	s0 =	sor.u32 s1, s0  }
0xbe: {  	s0 =	sadd.s32 $0x8F2B, s0  }
0xbf: {  	[sflag:s0] =	ssyncadd.remote.s32 $0x1  }
0xc0: {  	_ =	sfence.sel $0xFFFF  }
0xc1: {  	[dreg:$0x0] =	wrdreg $0xFFFFFFFF;
	(pc) =	sbr.abs _section_cstart, $3  }
0xc2: {  	[dreg:$0x1] =	wrdreg $0xFFFFFFFF  }
0xc3: {  	_ =	task.clear_ibuf [dreg:s7], $0x2FFFF;
	_ =	strace $0x9FFFFFFF  }
0xc4: {  	(tm) =	ssettm $0x7FFFFFFF  }
0xc5: {  	_ =	shalt  }
tec
execute0_lowered:
.L_overlay_start_1:
0x0: {  	(tag) =	ssettag $0x1  }
0x1: {  	s0 =	rddreg [dreg:$0x0]  }
0x2: {  	s3 =	rddreg [dreg:$0x1]  }
0x3: {  	s1 =	rddreg [dreg:$0x2]  }
0x4: {  	s2 =	rddreg [dreg:$0x3];
	s17 =	stileid.u32  }
0x5: {  	s18 =	simm.s32 $0x0;
	s4 =	srdreg.scid;
	s6 =	smul.u32 $0x4E20, s17  }
0x6: {  	[smem:$0x7FF] =	sst s18;
	s4 =	sand.u32 $0x1, s4;
	s12 =	smul.u32 $0xA0, s17  }
0x7: {  	s5 =	sadd.s32 $0x35200, s0;
	s7 =	sadd.s32 $0x2B400, s0;
	s14 =	smul.u32 $0x28000, s17  }
0x8: {  	s8 =	sadd.s32 $0x55200, s0;
	s9 =	sadd.s32 $0x3800, s0;
	s26 =	smul.u32 $0x14000, s17  }
0x9: {  	s10 =	sadd.s32 $0x55E400, s0;
	s11 =	smul.u32 $0x14000, s4;
	s13 =	ssub.s32 $0x2, s4  }
0xa: {  	s16 =	smul.u32 $0xA00, s4;
	s15 =	sshrl.u32 s13, $0x1;
	s14 =	sshrl.u32 s14, $0x2  }
0xb: {  	_ =	strace $0x8000004A;
	s13 =	ssub.s32 s13, s15;
	s19 =	sadd.s32 s14, s1  }
0xc: {  	s12 =	sadd.s32 s16, s12;
	s16 =	smax.u32 s13, $0x1;
	[dreg:$0x6] =	wrdreg s19  }
0xd: {  	s24 =	smul.u32 $0x1400, s17;
	s20 =	sadd.s32 $0x1000, s19;
	[dreg:$0x9] =	wrdreg s16  }
0xe: {  	s0 =	sadd.s32 s11, s0;
	s21 =	sadd.s32 $0x1800, s19;
	[dreg:$0xb] =	wrdreg s20  }
0xf: {  	s11 =	smul.u32 $0x9C400, s4;
	s22 =	sadd.s32 $0x2000, s19;
	[dreg:$0xc] =	wrdreg s21  }
0x10: {  	s15 =	sshrl.u32 s26, $0x2;
	s25 =	sadd.s32 $0x2800, s19;
	[dreg:$0xd] =	wrdreg s22  }
0x11: {  	s4 =	sshll.u32 s4, $0x6;
	s26 =	sadd.s32 $0x3000, s19;
	[dreg:$0xe] =	wrdreg s25  }
0x12: {  	s0 =	sadd.s32 s24, s0;
	s17 =	sadd.s32 $0x4000, s19;
	[dreg:$0xf] =	wrdreg s26  }
0x13: {  	s24 =	sor.u32 $0x1280, s4;
	s4 =	sadd.s32 $0x7000, s19;
	[dreg:$0x11] =	wrdreg s17  }
0x14: {  	s13 =	sadd.s32 $0x7800, s19;
	[dreg:$0x17] =	wrdreg s4  }
0x15: {  	s15 =	sadd.s32 s15, s2;
	[dreg:$0x18] =	wrdreg s13  }
0x16: {  	s23 =	sadd.s32 $0x800, s19;
	[dreg:$0x7] =	wrdreg s15  }
0x17: {  	s16 =	sadd.s32 $0x3800, s19;
	[dreg:$0xa] =	wrdreg s23  }
0x18: {  	s20 =	sadd.s32 $0x4800, s19;
	[dreg:$0x10] =	wrdreg s16  }
0x19: {  	s21 =	sadd.s32 $0x5000, s19;
	[dreg:$0x12] =	wrdreg s20  }
0x1a: {  	s22 =	sadd.s32 $0x5800, s19;
	[dreg:$0x13] =	wrdreg s21  }
0x1b: {  	s12 =	sshll.u32 s12, $0x4;
	s26 =	sadd.s32 $0x6000, s19;
	[dreg:$0x14] =	wrdreg s22  }
0x1c: {  	s12 =	sadd.s32 s3, s12;
	s3 =	sadd.s32 $0x6800, s19;
	[dreg:$0x15] =	wrdreg s26  }
0x1d: {  	s17 =	sadd.s32 $0x8800, s19;
	[dreg:$0x16] =	wrdreg s3  }
0x1e: {  	s4 =	sadd.s32 $0x3000, s15;
	[dreg:$0x1a] =	wrdreg s17  }
0x1f: {  	[smem:$0x7F1] =	sst s4  }
0x20: {  	s13 =	sadd.s32 $0x800, s15;
	[dreg:$0x8] =	wrdreg s12  }
0x21: {  	s31 =	sadd.s32 $0x1800, s15;
	[dreg:$0x1d] =	wrdreg s13  }
0x22: {  	s16 =	sadd.s32 $0x8000, s19;
	[dreg:$0x1f] =	wrdreg s31  }
0x23: {  	s20 =	sadd.s32 $0x9000, s19;
	[dreg:$0x19] =	wrdreg s16  }
0x24: {  	s21 =	sadd.s32 $0x9800, s19;
	[dreg:$0x1b] =	wrdreg s20  }
0x25: {  	s22 =	sadd.s32 $0x2000, s15;
	[dreg:$0x1c] =	wrdreg s21  }
0x26: {  	s3 =	sadd.s32 $0x2800, s15;
	[smem:$0x7EF] =	sst s22  }
0x27: {  	s17 =	sadd.s32 $0x4000, s15;
	[smem:$0x7F0] =	sst s3  }
0x28: {  	s4 =	sadd.s32 $0x400, s12;
	[smem:$0x7F3] =	sst s17  }
0x29: {  	s26 =	sadd.s32 $0x1000, s15;
	[smem:$0x7F8] =	sst s4  }
0x2a: {  	s16 =	sadd.s32 $0x3800, s15;
	[dreg:$0x1e] =	wrdreg s26  }
0x2b: {  	s20 =	sadd.s32 $0x4800, s15;
	[smem:$0x7F2] =	sst s16  }
0x2c: {  	s21 =	sadd.s32 $0x100, s12;
	[smem:$0x7F4] =	sst s20  }
0x2d: {  	s22 =	sadd.s32 $0x200, s12;
	[smem:$0x7F5] =	sst s21  }
0x2e: {  	s3 =	sadd.s32 $0x300, s12;
	[smem:$0x7F6] =	sst s22  }
0x2f: {  	s28 =	simm.s32 $0x2;
	s17 =	sadd.s32 $0x600, s12;
	[smem:$0x7F7] =	sst s3  }
0x30: {  	s29 =	simm.s32 $0x400;
	s16 =	sadd.s32 $0x500, s12;
	[smem:$0x7FA] =	sst s17  }
0x31: {  	s30 =	simm.s32 $0x500;
	s20 =	sadd.s32 $0x700, s12;
	[smem:$0x7F9] =	sst s16  }
0x32: {  	s14 =	sadd.s32 $0x4E200, s11;
	s21 =	sadd.s32 $0x800, s12;
	[smem:$0x7FB] =	sst s20  }
0x33: {  	s25 =	sadd.s32 $0x7C400, s0;
	s22 =	sadd.s32 $0x900, s12;
	[smem:$0x7FC] =	sst s21  }
0x34: {  	s17 =	simm.s32 $0x1;
	[smem:$0x7FD] =	sst s22;
	s21 =	simm.s32 $0x6180  }
0x35: {  	v0 =	vimm.f32 $0.0e+00;
	s16 =	simm.s32 $0x3;
	s20 =	simm.s32 $0x600;
	s22 =	simm.s32 $0x50  }
.LBB2_1:
0x36: {  	[dreg:$0x5] =	wrdreg s18;
	s0 =	simm.s32 $0x0;
	s4 =	simm.s32 $0x200  }
.LBB2_2:
0x37: {  	p0 =	sne.s32 s4, $0x13E00;
	[tilespmem:s0+$0x61F0] =	vst v0  }
0x38: {  	[tilespmem:s0+$0x6180] =	vst v0  }
0x39: {  	[tilespmem:s0+$0x6190] =	vst v0  }
.Ltmp0:
0x3a: {  	[tilespmem:s0+$0x61A0] =	vst v0;
	(pc) =	sbr.rel @p0 .LBB2_2-.Ltmp0, $4  }
0x3b: {  	[tilespmem:s0+$0x61B0] =	vst v0  }
0x3c: {  	[tilespmem:s0+$0x61C0] =	vst v0  }
0x3d: {  	[tilespmem:s0+$0x61D0] =	vst v0  }
0x3e: {  	[tilespmem:s0+$0x61E0] =	vst v0;
	s0 =	sshra.s32 s4, $0x2;
	s4 =	sadd.s32 $0x200, s4  }
0x3f: {  	[tilespmem:s0+$0x61F0] =	vst v0  }
0x40: {  	[tilespmem:s0+$0x6180] =	vst v0  }
0x41: {  	[tilespmem:s0+$0x6190] =	vst v0  }
0x42: {  	[tilespmem:s0+$0x61A0] =	vst v0  }
0x43: {  	[tilespmem:s0+$0x61B0] =	vst v0  }
0x44: {  	[tilespmem:s0+$0x61C0] =	vst v0  }
0x45: {  	[tilespmem:s0+$0x61D0] =	vst v0  }
0x46: {  	[tilespmem:s0+$0x61E0] =	vst v0  }
0x47: {  	[spmem:s19] =	stream.linear.scatter [tilespmem:s21], [sflag:$0x3], $0x800, $0x38;
	[tilespmem:$0x1F180] =	vst v63  }
0x48: {  	_ =	swait.ge [sflag:s16], $0x800  }
0x49: {  	[sflag:s16] =	ssyncset.done $0x0  }
0x4a: {  	[sflag:s16] =	ssyncadd.s32 $0xFFFFF800  }
0x4b: {  	[spmem:s23] =	stream.linear.scatter [tilespmem:s21], [sflag:$0x3], $0x800, $0x38;
	[tilespmem:$0x1F180] =	vst v63  }
0x4c: {  	_ =	swait.ge [sflag:s16], $0x800  }
0x4d: {  	[sflag:s16] =	ssyncset.done $0x0  }
0x4e: {  	s18 =	rddreg [dreg:$0xb];
	[sflag:s16] =	ssyncadd.s32 $0xFFFFF800  }
0x4f: {  	[spmem:s18] =	stream.linear.scatter [tilespmem:s21], [sflag:$0x3], $0x800, $0x38;
	[tilespmem:$0x1F180] =	vst v63  }
0x50: {  	_ =	swait.ge [sflag:s16], $0x800  }
0x51: {  	[sflag:s16] =	ssyncset.done $0x0  }
0x52: {  	s19 =	rddreg [dreg:$0xc];
	[sflag:s16] =	ssyncadd.s32 $0xFFFFF800  }
0x53: {  	[spmem:s19] =	stream.linear.scatter [tilespmem:s21], [sflag:$0x3], $0x800, $0x38;
	[tilespmem:$0x1F180] =	vst v63  }
0x54: {  	_ =	swait.ge [sflag:s16], $0x800  }
0x55: {  	[sflag:s16] =	ssyncset.done $0x0  }
0x56: {  	s23 =	rddreg [dreg:$0xd];
	[sflag:s16] =	ssyncadd.s32 $0xFFFFF800  }
0x57: {  	[spmem:s23] =	stream.linear.scatter [tilespmem:s21], [sflag:$0x3], $0x800, $0x38;
	[tilespmem:$0x1F180] =	vst v63  }
0x58: {  	_ =	swait.ge [sflag:s16], $0x800  }
0x59: {  	[sflag:s16] =	ssyncset.done $0x0  }
0x5a: {  	s3 =	rddreg [dreg:$0xe];
	[sflag:s16] =	ssyncadd.s32 $0xFFFFF800  }
0x5b: {  	[spmem:s3] =	stream.linear.scatter [tilespmem:s21], [sflag:$0x3], $0x800, $0x38;
	[tilespmem:$0x1F180] =	vst v63  }
0x5c: {  	_ =	swait.ge [sflag:s16], $0x800  }
0x5d: {  	[sflag:s16] =	ssyncset.done $0x0  }
0x5e: {  	s4 =	rddreg [dreg:$0xf];
	[sflag:s16] =	ssyncadd.s32 $0xFFFFF800  }
0x5f: {  	[spmem:s4] =	stream.linear.scatter [tilespmem:s21], [sflag:$0x3], $0x800, $0x38;
	[tilespmem:$0x1F180] =	vst v63  }
0x60: {  	_ =	swait.ge [sflag:s16], $0x800  }
0x61: {  	[sflag:s16] =	ssyncset.done $0x0  }
0x62: {  	s12 =	rddreg [dreg:$0x10];
	[sflag:s16] =	ssyncadd.s32 $0xFFFFF800  }
0x63: {  	[spmem:s12] =	stream.linear.scatter [tilespmem:s21], [sflag:$0x3], $0x800, $0x38;
	[tilespmem:$0x1F180] =	vst v63  }
0x64: {  	_ =	swait.ge [sflag:s16], $0x800  }
0x65: {  	[sflag:s16] =	ssyncset.done $0x0  }
0x66: {  	s18 =	rddreg [dreg:$0x11];
	[sflag:s16] =	ssyncadd.s32 $0xFFFFF800  }
0x67: {  	[spmem:s18] =	stream.linear.scatter [tilespmem:s21], [sflag:$0x3], $0x800, $0x38;
	[tilespmem:$0x1F180] =	vst v63  }
0x68: {  	_ =	swait.ge [sflag:s16], $0x800  }
0x69: {  	[sflag:s16] =	ssyncset.done $0x0  }
0x6a: {  	s19 =	rddreg [dreg:$0x12];
	[sflag:s16] =	ssyncadd.s32 $0xFFFFF800  }
0x6b: {  	[spmem:s19] =	stream.linear.scatter [tilespmem:s21], [sflag:$0x3], $0x800, $0x38;
	[tilespmem:$0x1F180] =	vst v63  }
0x6c: {  	_ =	swait.ge [sflag:s16], $0x800  }
0x6d: {  	[sflag:s16] =	ssyncset.done $0x0  }
0x6e: {  	s23 =	rddreg [dreg:$0x13];
	[sflag:s16] =	ssyncadd.s32 $0xFFFFF800  }
0x6f: {  	[spmem:s23] =	stream.linear.scatter [tilespmem:s21], [sflag:$0x3], $0x800, $0x38;
	[tilespmem:$0x1F180] =	vst v63  }
0x70: {  	_ =	swait.ge [sflag:s16], $0x800  }
0x71: {  	[sflag:s16] =	ssyncset.done $0x0  }
0x72: {  	s3 =	rddreg [dreg:$0x14];
	[sflag:s16] =	ssyncadd.s32 $0xFFFFF800  }
0x73: {  	[spmem:s3] =	stream.linear.scatter [tilespmem:s21], [sflag:$0x3], $0x800, $0x38;
	[tilespmem:$0x1F180] =	vst v63  }
0x74: {  	_ =	swait.ge [sflag:s16], $0x800  }
0x75: {  	[sflag:s16] =	ssyncset.done $0x0  }
0x76: {  	s4 =	rddreg [dreg:$0x15];
	[sflag:s16] =	ssyncadd.s32 $0xFFFFF800  }
0x77: {  	[spmem:s4] =	stream.linear.scatter [tilespmem:s21], [sflag:$0x3], $0x800, $0x38;
	[tilespmem:$0x1F180] =	vst v63  }
0x78: {  	_ =	swait.ge [sflag:s16], $0x800  }
0x79: {  	[sflag:s16] =	ssyncset.done $0x0  }
0x7a: {  	s12 =	rddreg [dreg:$0x16];
	[sflag:s16] =	ssyncadd.s32 $0xFFFFF800  }
0x7b: {  	[spmem:s12] =	stream.linear.scatter [tilespmem:s21], [sflag:$0x3], $0x800, $0x38;
	[tilespmem:$0x1F180] =	vst v63  }
0x7c: {  	_ =	swait.ge [sflag:s16], $0x800  }
0x7d: {  	[sflag:s16] =	ssyncset.done $0x0  }
0x7e: {  	s18 =	rddreg [dreg:$0x17];
	[sflag:s16] =	ssyncadd.s32 $0xFFFFF800  }
0x7f: {  	[spmem:s18] =	stream.linear.scatter [tilespmem:s21], [sflag:$0x3], $0x800, $0x38;
	[tilespmem:$0x1F180] =	vst v63  }
0x80: {  	_ =	swait.ge [sflag:s16], $0x800  }
0x81: {  	[sflag:s16] =	ssyncset.done $0x0  }
0x82: {  	s19 =	rddreg [dreg:$0x18];
	[sflag:s16] =	ssyncadd.s32 $0xFFFFF800  }
0x83: {  	[spmem:s19] =	stream.linear.scatter [tilespmem:s21], [sflag:$0x3], $0x800, $0x38;
	[tilespmem:$0x1F180] =	vst v63  }
0x84: {  	_ =	swait.ge [sflag:s16], $0x800  }
0x85: {  	[sflag:s16] =	ssyncset.done $0x0  }
0x86: {  	s23 =	rddreg [dreg:$0x19];
	[sflag:s16] =	ssyncadd.s32 $0xFFFFF800  }
0x87: {  	[spmem:s23] =	stream.linear.scatter [tilespmem:s21], [sflag:$0x3], $0x800, $0x38;
	[tilespmem:$0x1F180] =	vst v63  }
0x88: {  	_ =	swait.ge [sflag:s16], $0x800  }
0x89: {  	[sflag:s16] =	ssyncset.done $0x0  }
0x8a: {  	s3 =	rddreg [dreg:$0x1a];
	[sflag:s16] =	ssyncadd.s32 $0xFFFFF800  }
0x8b: {  	[spmem:s3] =	stream.linear.scatter [tilespmem:s21], [sflag:$0x3], $0x800, $0x38;
	[tilespmem:$0x1F180] =	vst v63  }
0x8c: {  	_ =	swait.ge [sflag:s16], $0x800  }
0x8d: {  	[sflag:s16] =	ssyncset.done $0x0  }
0x8e: {  	s4 =	rddreg [dreg:$0x1b];
	[sflag:s16] =	ssyncadd.s32 $0xFFFFF800  }
0x8f: {  	[spmem:s4] =	stream.linear.scatter [tilespmem:s21], [sflag:$0x3], $0x800, $0x38;
	[tilespmem:$0x1F180] =	vst v63  }
0x90: {  	_ =	swait.ge [sflag:s16], $0x800  }
0x91: {  	[sflag:s16] =	ssyncset.done $0x0  }
0x92: {  	s12 =	rddreg [dreg:$0x1c];
	[sflag:s16] =	ssyncadd.s32 $0xFFFFF800  }
0x93: {  	[spmem:s12] =	stream.linear.scatter [tilespmem:s21], [sflag:$0x3], $0x800, $0x38;
	[tilespmem:$0x1F180] =	vst v63  }
0x94: {  	_ =	swait.ge [sflag:s16], $0x800  }
0x95: {  	[sflag:s16] =	ssyncset.done $0x0  }
0x96: {  	[sflag:s16] =	ssyncadd.s32 $0xFFFFF800  }
0x97: {  	[spmem:s15] =	stream.linear.scatter [tilespmem:s21], [sflag:$0x3], $0x800, $0x38;
	[tilespmem:$0x1F180] =	vst v63  }
0x98: {  	_ =	swait.ge [sflag:s16], $0x800  }
0x99: {  	[sflag:s16] =	ssyncset.done $0x0  }
0x9a: {  	[sflag:s16] =	ssyncadd.s32 $0xFFFFF800  }
0x9b: {  	[spmem:s13] =	stream.linear.scatter [tilespmem:s21], [sflag:$0x3], $0x800, $0x38;
	[tilespmem:$0x1F180] =	vst v63  }
0x9c: {  	_ =	swait.ge [sflag:s16], $0x800  }
0x9d: {  	[sflag:s16] =	ssyncset.done $0x0  }
0x9e: {  	[sflag:s16] =	ssyncadd.s32 $0xFFFFF800  }
0x9f: {  	[spmem:s26] =	stream.linear.scatter [tilespmem:s21], [sflag:$0x3], $0x800, $0x38;
	[tilespmem:$0x1F180] =	vst v63  }
0xa0: {  	_ =	swait.ge [sflag:s16], $0x800  }
0xa1: {  	[sflag:s16] =	ssyncset.done $0x0  }
0xa2: {  	[sflag:s16] =	ssyncadd.s32 $0xFFFFF800  }
0xa3: {  	[spmem:s31] =	stream.linear.scatter [tilespmem:s21], [sflag:$0x3], $0x800, $0x38;
	[tilespmem:$0x1F180] =	vst v63  }
0xa4: {  	_ =	swait.ge [sflag:s16], $0x800  }
0xa5: {  	s15 =	sld [smem:$0x7EF]  }
0xa6: {  	[sflag:s16] =	ssyncset.done $0x0  }
0xa7: {  	[sflag:s16] =	ssyncadd.s32 $0xFFFFF800  }
0xa8: {  	[spmem:s15] =	stream.linear.scatter [tilespmem:s21], [sflag:$0x3], $0x800, $0x38;
	[tilespmem:$0x1F180] =	vst v63  }
0xa9: {  	_ =	swait.ge [sflag:s16], $0x800  }
0xaa: {  	s18 =	sld [smem:$0x7F0]  }
0xab: {  	[sflag:s16] =	ssyncset.done $0x0  }
0xac: {  	[sflag:s16] =	ssyncadd.s32 $0xFFFFF800  }
0xad: {  	[spmem:s18] =	stream.linear.scatter [tilespmem:s21], [sflag:$0x3], $0x800, $0x38;
	[tilespmem:$0x1F180] =	vst v63  }
0xae: {  	_ =	swait.ge [sflag:s16], $0x800  }
0xaf: {  	s19 =	sld [smem:$0x7F1]  }
0xb0: {  	[sflag:s16] =	ssyncset.done $0x0  }
0xb1: {  	[sflag:s16] =	ssyncadd.s32 $0xFFFFF800  }
0xb2: {  	[spmem:s19] =	stream.linear.scatter [tilespmem:s21], [sflag:$0x3], $0x800, $0x38;
	[tilespmem:$0x1F180] =	vst v63  }
0xb3: {  	_ =	swait.ge [sflag:s16], $0x800  }
0xb4: {  	s23 =	sld [smem:$0x7F2]  }
0xb5: {  	[sflag:s16] =	ssyncset.done $0x0  }
0xb6: {  	[sflag:s16] =	ssyncadd.s32 $0xFFFFF800  }
0xb7: {  	[spmem:s23] =	stream.linear.scatter [tilespmem:s21], [sflag:$0x3], $0x800, $0x38;
	[tilespmem:$0x1F180] =	vst v63  }
0xb8: {  	_ =	swait.ge [sflag:s16], $0x800  }
0xb9: {  	s26 =	sld [smem:$0x7F3]  }
0xba: {  	[sflag:s16] =	ssyncset.done $0x0  }
0xbb: {  	[sflag:s16] =	ssyncadd.s32 $0xFFFFF800  }
0xbc: {  	[spmem:s26] =	stream.linear.scatter [tilespmem:s21], [sflag:$0x3], $0x800, $0x38;
	[tilespmem:$0x1F180] =	vst v63  }
0xbd: {  	_ =	swait.ge [sflag:s16], $0x800  }
0xbe: {  	s31 =	sld [smem:$0x7F4]  }
0xbf: {  	[sflag:s16] =	ssyncset.done $0x0  }
0xc0: {  	[sflag:s16] =	ssyncadd.s32 $0xFFFFF800  }
0xc1: {  	[spmem:s31] =	stream.linear.scatter [tilespmem:s21], [sflag:$0x3], $0x800, $0x38;
	[tilespmem:$0x1F180] =	vst v63  }
0xc2: {  	_ =	swait.ge [sflag:s16], $0x800  }
0xc3: {  	[sflag:s16] =	ssyncset.done $0x0  }
0xc4: {  	[sflag:s16] =	ssyncadd.s32 $0xFFFFF800  }
0xc5: {  	s15 =	simm.s32 $0x0;
	s19 =	simm.s32 $0x0;
	[bflag:$0x0] =	sbarrier.arrive $0xFFFF  }
.LBB2_4:
0xc6: {  	s0 =	smul.u32 $0xA0, s15;
	_ =	sdelay $0x1  }
0xc7: {  	s0 =	sadd.s32 s6, s0  }
0xc8: {  	s4 =	sshrl.u32 s0, $0x3  }
0xc9: {  	s3 =	simm.s32 $0x100;
	s18 =	simm.s32 $0x780;
	s12 =	sadd.s32 s5, s4  }
0xca: {  	[tilespmem:s19], [sflag:$0x1] =	stream.linear.gather [hbm4b:s12+s19], $0xA0, $0x38;
	[tilespmem:$0x1F180] =	vst v63  }
0xcb: {  	s13 =	sadd.s32 s11, s0;
	s4 =	sadd.s32 s7, s4;
	s12 =	sshll.u32 s0, $0x1  }
0xcc: {  	[tilespmem:s3], [sflag:$0x1] =	stream.linear.gather [hbm4b:s4+s19], $0xA0, $0x38;
	[tilespmem:$0x1F180] =	vst v63  }
0xcd: {  	s23 =	sshrl.u32 s13, $0x3;
	s0 =	sadd.s32 s0, s14;
	s4 =	sadd.s32 s10, s12  }
0xce: {  	[tilespmem:s18], [sflag:$0x1] =	stream.linear.gather [hbm4b:s4+s19], $0xA00, $0x38;
	[tilespmem:$0x1F180] =	vst v63  }
0xcf: {  	s0 =	sshrl.u32 s0, $0x3;
	s4 =	sadd.s32 s8, s23  }
0xd0: {  	[tilespmem:s20], [sflag:$0x1] =	stream.linear.gather [hbm4b:s4+s19], $0xA0, $0x38;
	[tilespmem:$0x1F180] =	vst v63  }
0xd1: {  	s26 =	simm.s32 $0x6A0;
	s0 =	sadd.s32 s8, s0  }
0xd2: {  	[tilespmem:s26], [sflag:$0x1] =	stream.linear.gather [hbm4b:s0+s19], $0xA0, $0x38;
	[tilespmem:$0x1F180] =	vst v63  }
0xd3: {  	_ =	swait.ge [sflag:s17], $0xA0  }
0xd4: {  	[sflag:s17] =	ssyncset.done $0x0  }
0xd5: {  	[sflag:s17] =	ssyncadd.s32 $0xFFFFFF60  }
0xd6: {  	_ =	swait.ge [sflag:s17], $0xA0  }
0xd7: {  	[sflag:s17] =	ssyncset.done $0x0  }
0xd8: {  	[sflag:s17] =	ssyncadd.s32 $0xFFFFFF60  }
0xd9: {  	_ =	swait.ge [sflag:s17], $0xA00  }
0xda: {  	[sflag:s17] =	ssyncset.done $0x0  }
0xdb: {  	[sflag:s17] =	ssyncadd.s32 $0xFFFFF600  }
0xdc: {  	_ =	swait.ge [sflag:s17], $0xA0  }
0xdd: {  	[sflag:s17] =	ssyncset.done $0x0  }
0xde: {  	[sflag:s17] =	ssyncadd.s32 $0xFFFFFF60  }
0xdf: {  	_ =	swait.ge [sflag:s17], $0xA0  }
0xe0: {  	[sflag:s17] =	ssyncset.done $0x0  }
0xe1: {  	s4 =	simm.s32 $0x1180;
	[sflag:s17] =	ssyncadd.s32 $0xFFFFFF60  }
0xe2: {  	[tilespmem:s4], [sflag:$0x2] =	stream.indirect.gather [hbm4b:s9+s22], $0x80, s19, s22, $0xb8;
	[tilespmem:$0x1F180] =	vst v63  }
0xe3: {  	s13 =	simm.s32 $0x110;
	s12 =	simm.s32 $0x3980  }
0xe4: {  	[tilespmem:s12], [sflag:$0x2] =	stream.indirect.gather [hbm4b:s9+s22], $0x80, s22, s22, $0xb8;
	[tilespmem:$0x1F180] =	vst v63  }
0xe5: {  	v2 =	vld [tilespmem:s13+$0x0];
	_ =	sdelay $0x1  }
0xe6: {  	s18 =	simm.s32 $0x1;
	s23 =	simm.s32 $0xFFFFFFFC  }
0xe7: {  	p0 =	por $0x0, $0x0;
	s26 =	smin.u32 s18, s23;
	s12 =	simm.s32 $0x80;
	v4 =	vld [tilespmem:s13+$0xFFFFFFF0]  }
0xe8: {  	s13 =	sshll.u32 s26, $0x4;
	s12 =	simm.s32 @!p0 $0x0  }
0xe9: {  	p1 =	por $0x1, $0x1;
	s31 =	simm.s32 $0x2;
	s12 =	sadd.s32 s12, s13;
	v1 =	vshrl.u32 v2, $0x1;
	v3 =	vand.u32 $0x1, v2  }
0xea: {  	s3 =	simm.s32 $0x80;
	s0 =	simm.s32 $0x410;
	s23 =	simm.s32 $0x130;
	[tilespmem:s12+$0x200] =	vst v1;
	v1 =	vshrl.u32 v2, $0x2;
	v3 =	vcvt.s32.f32 v3  }
0xeb: {  	p0 =	por $0x0, $0x0;
	s26 =	simm.s32 $0x0;
	[tilespmem:s12+$0x300] =	vst v1;
	s12 =	simm.s32 $0xFFFFFFB0  }
0xec: {  	s13 =	simm.s32 $0x510;
	s3 =	simm.s32 @!p0 $0x0;
	v7 =	vand.u32 $0x1, v4;
	v5 =	vshrl.u32 v4, $0x1;
	v8 =	vand.u32 $0x3, v2;
	v1 =	vld [tilespmem:s23+$0x0];
	s12 =	smov.u32 @p1 s26;
	[tilespmem:s0+$0x0] =	vst v3  }
0xed: {  	s4 =	simm.s32 $0xFFFFFFB0;
	v6 =	vshrl.u32 v4, $0x2;
	v4 =	vand.u32 $0x3, v4;
	v2 =	vld [tilespmem:s23+$0xFFFFFFF0];
	v3 =	vcvt.s32.f32 v7;
	s26 =	simm.s32 $0x4;
	s12 =	sor.u32 s3, s12;
	[tilespmem:s13+$0x0] =	vst v8  }
.LBB2_5:
0xee: {  	p0 =	slt.u32 s26, $0x8;
	s3 =	sadd.s32 $0x1, s31;
	s18 =	sadd.s32 $0xFFFFFFFC, s31;
	[tilespmem:s12+$0x200] =	vst v5  }
0xef: {  	p1 =	sgt.u32 s31, $0x3;
	s3 =	smin.u32 s3, s18;
	[tilespmem:s12+$0x300] =	vst v6;
	s12 =	simm.s32 $0x80  }
0xf0: {  	s3 =	sshll.u32 s3, $0x4;
	s12 =	simm.s32 @!p1 $0x0;
	[tilespmem:s0+$0xFFFFFFF0] =	vst v3  }
0xf1: {  	p2 =	slt.u32 s31, $0x5;
	v3 =	vshrl.u32 v1, $0x1;
	s3 =	sadd.s32 s12, s3;
	v5 =	vand.u32 $0x1, v1;
	[tilespmem:s13+$0xFFFFFFF0] =	vst v4  }
.Ltmp1:
0xf2: {  	s4 =	sadd.s32 $0x20, s4;
	p1 =	sgt.u32 s31, $0x4;
	v7 =	vshrl.u32 v1, $0x2;
	v4 =	vand.u32 $0x1, v2;
	[tilespmem:s3+$0x200] =	vst v3;
	v8 =	vcvt.s32.f32 v5;
	(pc) =	sbr.rel @p0 .LBB2_5-.Ltmp1, $4  }
0xf3: {  	s23 =	sadd.s32 $0x20, s23;
	s12 =	sadd.s32 $0x50, s4;
	[tilespmem:s3+$0x300] =	vst v7;
	s3 =	smov.u32 s4  }
0xf4: {  	s0 =	sadd.s32 $0x20, s0;
	v5 =	vshrl.u32 v2, $0x1;
	v6 =	vshrl.u32 v2, $0x2;
	v3 =	vcvt.s32.f32 v4;
	s3 =	smov.u32 @p2 s12;
	s12 =	simm.s32 $0x80  }
0xf5: {  	s13 =	sadd.s32 $0x20, s13;
	v4 =	vand.u32 $0x3, v2;
	v7 =	vand.u32 $0x3, v1;
	[tilespmem:s0+$0x0] =	vst v8;
	v1 =	vld [tilespmem:s23+$0x0];
	s12 =	simm.s32 @!p1 $0x0  }
0xf6: {  	s31 =	smov.u32 s26;
	s26 =	sadd.s32 $0x2, s26;
	v2 =	vld [tilespmem:s23+$0xFFFFFFF0];
	s12 =	sor.u32 s12, s3;
	[tilespmem:s13+$0x0] =	vst v7  }
0xf7: {  	s3 =	sadd.s32 $0x1, s31;
	s18 =	sadd.s32 $0xFFFFFFFC, s31;
	[tilespmem:s12+$0x200] =	vst v5  }
0xf8: {  	p0 =	sgt.u32 s31, $0x3;
	[tilespmem:s12+$0x300] =	vst v6;
	s12 =	simm.s32 $0x80;
	s3 =	smin.u32 s3, s18  }
0xf9: {  	s12 =	simm.s32 @!p0 $0x0;
	[tilespmem:s0+$0xFFFFFFF0] =	vst v3;
	s3 =	sshll.u32 s3, $0x4  }
0xfa: {  	[tilespmem:s13+$0xFFFFFFF0] =	vst v4;
	v3 =	vshrl.u32 v1, $0x1;
	s3 =	sadd.s32 s12, s3;
	v5 =	vand.u32 $0x1, v1  }
0xfb: {  	p1 =	slt.u32 s31, $0x5;
	s4 =	sadd.s32 $0x20, s4;
	s26 =	sadd.s32 $0x20, s0;
	[tilespmem:s3+$0x200] =	vst v3;
	v3 =	vshrl.u32 v1, $0x2;
	v4 =	vcvt.s32.f32 v5  }
0xfc: {  	p0 =	sgt.u32 s31, $0x4;
	s12 =	sadd.s32 $0x50, s4;
	[tilespmem:s3+$0x300] =	vst v3;
	s3 =	simm.s32 $0x80  }
0xfd: {  	s13 =	sadd.s32 $0x20, s13;
	s4 =	smov.u32 @p1 s12;
	v1 =	vand.u32 $0x3, v1;
	s3 =	simm.s32 @!p0 $0x0;
	[tilespmem:s26+$0x0] =	vst v4  }
0xfe: {  	v3 =	vand.u32 $0x1, v2;
	v4 =	vshrl.u32 v2, $0x1;
	s3 =	sor.u32 s3, s4;
	[tilespmem:s13+$0x0] =	vst v1  }
0xff: {  	v3 =	vcvt.s32.f32 v3;
	v1 =	vshrl.u32 v2, $0x2;
	[tilespmem:s3+$0x200] =	vst v4  }
0x100: {  	[tilespmem:s3+$0x300] =	vst v1  }
0x101: {  	v1 =	vand.u32 $0x3, v2;
	[tilespmem:s26+$0xFFFFFFF0] =	vst v3  }
0x102: {  	[tilespmem:s13+$0xFFFFFFF0] =	vst v1  }
0x103: {  	s18 =	simm.s32 $0x1;
	_ =	swait.ge [sflag:s28], $0x2800  }
0x104: {  	s23 =	simm.s32 $0x3;
	v4 =	vmov s18;
	[sflag:s28] =	ssyncset.done $0x0  }
0x105: {  	v5 =	vmov s23;
	[sflag:s28] =	ssyncadd.s32 $0xFFFFD800  }
0x106: {  	_ =	swait.ge [sflag:s28], $0x2800  }
0x107: {  	[sflag:s28] =	ssyncset.done $0x0  }
0x108: {  	[sflag:s28] =	ssyncadd.s32 $0xFFFFD800  }
0x109: {  	s26 =	simm.s32 $0x0;
	v7 =	vld.idx.msk [tilespmem:v4+s20+$0x0], $0xffff  }
0x10a: {  	v1 =	vmov s26;
	v2 =	vld.idx.msk [tilespmem:v5+s20+$0x0], $0xffff  }
0x10b: {  	s3 =	simm.s32 $0x2;
	v6 =	vld.idx.msk [tilespmem:v5+s29+$0x0], $0xffff  }
0x10c: {  	v16 =	vmov s3;
	v8 =	vld [tilespmem:s24+$0x80]  }
0x10d: {  	v9 =	vld.idx.msk [tilespmem:v4+s29+$0x0], $0xffff  }
0x10e: {  	v10 =	vld [tilespmem:s24+$0xFFFFFF80]  }
0x10f: {  	v11 =	vadd.s32 $0xA0, v5;
	v3 =	vld.idx.msk [tilespmem:v1+s20+$0x0], $0xffff  }
0x110: {  	v15 =	vld.idx.msk [tilespmem:v1+s29+$0x0], $0xffff  }
0x111: {  	v12 =	vadd.s32 $0xA0, v4;
	v14 =	vld.idx.msk [tilespmem:v16+s20+$0x0], $0xffff;
	v17 =	vsub.f32 $1.000000000e+00, v6;
	v8 =	vmul.f32 v8, v2  }
0x112: {  	v18 =	vld.idx.msk [tilespmem:v16+s29+$0x0], $0xffff  }
0x113: {  	v13 =	vld [tilespmem:s24+$0x0];
	v19 =	vsub.f32 $1.000000000e+00, v9;
	v10 =	vmul.f32 v10, v7;
	v20 =	vmul.f32 v8, v17  }
0x114: {  	s4 =	simm.s32 $0x6280;
	v21 =	vld.idx.msk [tilespmem:v11+s20+$0x0], $0xffff;
	v8 =	vmul.f32 v8, v6  }
0x115: {  	v11 =	vld [tilespmem:s24+$0xFFFFFF00];
	v22 =	vmul.f32 v10, v19;
	[tilespmem:s4+$0x80] =	vst v20  }
0x116: {  	v24 =	vld.idx.msk [tilespmem:v12+s20+$0x0], $0xffff;
	v10 =	vmul.f32 v10, v9;
	[tilespmem:s4+$0xC0] =	vst v8  }
0x117: {  	v20 =	vadd.s32 $0xA0, v16;
	[tilespmem:s4+$0xFFFFFF80] =	vst v22;
	v8 =	vld [tilespmem:s24+$0x90]  }
0x118: {  	v12 =	vadd.s32 $0xA0, v1;
	v13 =	vmul.f32 v13, v14;
	v22 =	vsub.f32 $1.000000000e+00, v18;
	[tilespmem:s4+$0xFFFFFFC0] =	vst v10  }
0x119: {  	v10 =	vld [tilespmem:s24+$0xFFFFFF90]  }
0x11a: {  	v11 =	vmul.f32 v11, v3;
	v25 =	vsub.f32 $1.000000000e+00, v15;
	v23 =	vmul.f32 v13, v22  }
0x11b: {  	v26 =	vmul.f32 v13, v18  }
0x11c: {  	v13 =	vld.idx.msk [tilespmem:v20+s20+$0x0], $0xffff;
	v20 =	vmul.f32 v11, v25;
	[tilespmem:s4+$0x0] =	vst v23;
	v8 =	vmul.f32 v8, v2  }
0x11d: {  	v23 =	vmul.f32 v11, v15;
	v11 =	vld.idx.msk [tilespmem:v12+s20+$0x0], $0xffff;
	[tilespmem:s4+$0x40] =	vst v26  }
0x11e: {  	v12 =	vld [tilespmem:s24+$0x10];
	v10 =	vmul.f32 v10, v7;
	[tilespmem:s4+$0xFFFFFF00] =	vst v20;
	v20 =	vmul.f32 v8, v17  }
0x11f: {  	[tilespmem:s4+$0xFFFFFF40] =	vst v23;
	v8 =	vmul.f32 v8, v6  }
0x120: {  	v23 =	vld [tilespmem:s24+$0xFFFFFF10];
	v26 =	vmul.f32 v10, v19;
	[tilespmem:s4+$0x90] =	vst v20  }
0x121: {  	v10 =	vmul.f32 v10, v9;
	[tilespmem:s4+$0xD0] =	vst v8  }
0x122: {  	[tilespmem:s4+$0xFFFFFF90] =	vst v26;
	v8 =	vld [tilespmem:s24+$0xA0]  }
0x123: {  	[tilespmem:s4+$0xFFFFFFD0] =	vst v10;
	v12 =	vmul.f32 v12, v14  }
0x124: {  	v10 =	vld [tilespmem:s24+$0xFFFFFFA0]  }
0x125: {  	v20 =	vmul.f32 v23, v3;
	v23 =	vmul.f32 v12, v22  }
0x126: {  	v12 =	vmul.f32 v12, v18  }
0x127: {  	v26 =	vmul.f32 v20, v25;
	[tilespmem:s4+$0x10] =	vst v23;
	v8 =	vmul.f32 v8, v21  }
0x128: {  	v20 =	vmul.f32 v20, v15;
	[tilespmem:s4+$0x50] =	vst v12  }
0x129: {  	v12 =	vld [tilespmem:s24+$0x20];
	v10 =	vmul.f32 v10, v24;
	[tilespmem:s4+$0xFFFFFF10] =	vst v26;
	v23 =	vmul.f32 v8, v17  }
0x12a: {  	[tilespmem:s4+$0xFFFFFF50] =	vst v20;
	v8 =	vmul.f32 v8, v6  }
0x12b: {  	v20 =	vld [tilespmem:s24+$0xFFFFFF20];
	v26 =	vmul.f32 v10, v19;
	[tilespmem:s4+$0xA0] =	vst v23  }
0x12c: {  	v10 =	vmul.f32 v10, v9;
	[tilespmem:s4+$0xE0] =	vst v8  }
0x12d: {  	[tilespmem:s4+$0xFFFFFFA0] =	vst v26;
	v8 =	vld [tilespmem:s24+$0xB0]  }
0x12e: {  	[tilespmem:s4+$0xFFFFFFE0] =	vst v10;
	v12 =	vmul.f32 v12, v13  }
0x12f: {  	v10 =	vld [tilespmem:s24+$0xFFFFFFB0]  }
0x130: {  	v20 =	vmul.f32 v20, v11;
	v23 =	vmul.f32 v12, v22  }
0x131: {  	v12 =	vmul.f32 v12, v18  }
0x132: {  	v26 =	vmul.f32 v20, v25;
	[tilespmem:s4+$0x20] =	vst v23;
	v8 =	vmul.f32 v8, v21  }
0x133: {  	v20 =	vmul.f32 v20, v15;
	[tilespmem:s4+$0x60] =	vst v12  }
0x134: {  	v10 =	vmul.f32 v10, v24;
	[tilespmem:s4+$0xFFFFFF20] =	vst v26;
	v12 =	vmul.f32 v8, v17  }
0x135: {  	[tilespmem:s4+$0xFFFFFF60] =	vst v20;
	v6 =	vmul.f32 v8, v6  }
0x136: {  	v17 =	vld [tilespmem:s24+$0x30];
	v8 =	vmul.f32 v10, v19;
	[tilespmem:s4+$0xB0] =	vst v12  }
0x137: {  	v19 =	vld [tilespmem:s24+$0xFFFFFF30];
	v9 =	vmul.f32 v10, v9;
	[tilespmem:s4+$0xF0] =	vst v6  }
0x138: {  	s13 =	simm.s32 $0x7A0;
	[tilespmem:s4+$0xFFFFFFB0] =	vst v8;
	v23 =	vld.idx.msk [tilespmem:v5+s30+$0x0], $0xffff  }
0x139: {  	[tilespmem:s4+$0xFFFFFFF0] =	vst v9;
	v30 =	vld [tilespmem:s13+$0x10]  }
0x13a: {  	s18 =	simm.s32 $0x5;
	v20 =	vld.idx.msk [tilespmem:v4+s30+$0x0], $0xffff  }
0x13b: {  	s23 =	simm.s32 $0x7;
	s26 =	simm.s32 $0x6;
	v8 =	vmov s18;
	v6 =	vmul.f32 v17, v13;
	v17 =	vld [tilespmem:s13+$0xFFFFFFF0]  }
0x13c: {  	v10 =	vmov s26;
	s26 =	sadd.s32 $0x200, s24;
	v12 =	vmov s23;
	v9 =	vmul.f32 v19, v11  }
0x13d: {  	s12 =	simm.s32 $0x4;
	v27 =	vld [tilespmem:s26+$0x80];
	v19 =	vmul.f32 v6, v22  }
0x13e: {  	v35 =	vld [tilespmem:s26+$0x0];
	v5 =	vmov s12;
	v18 =	vmul.f32 v6, v18;
	v22 =	vmul.f32 v9, v25  }
0x13f: {  	v36 =	vld [tilespmem:s26+$0xFFFFFF00];
	v26 =	vmul.f32 v9, v15;
	vm0 =	veq.s32 v23, $0x3;
	[tilespmem:s4+$0x30] =	vst v19;
	v19 =	vmul.f32 v30, v21  }
0x140: {  	v6 =	vld.idx.msk [tilespmem:v8+s20+$0x0], $0xffff;
	[tilespmem:s4+$0x70] =	vst v18;
	v25 =	vsel vm0, $0x3F800000, v0;
	vm0 =	veq.s32 v20, $0x0;
	v18 =	vmul.f32 v17, v7  }
0x141: {  	v9 =	vld.idx.msk [tilespmem:v12+s20+$0x0], $0xffff;
	vm1 =	veq.s32 v20, $0x1;
	[tilespmem:s4+$0xFFFFFF30] =	vst v22;
	v21 =	vsel vm0, $0x3F800000, v0;
	v7 =	vmul.f32 v25, v19  }
0x142: {  	s23 =	simm.s32 $0xB280;
	v22 =	vld.idx.msk [tilespmem:v12+s29+$0x0], $0xffff;
	[tilespmem:s4+$0xFFFFFF70] =	vst v26;
	v26 =	vsel vm1, $0x3F800000, v0;
	vm0 =	veq.s32 v20, $0x2;
	v28 =	vmul.f32 v21, v18  }
0x143: {  	v15 =	vld.idx.msk [tilespmem:v8+s29+$0x0], $0xffff;
	vm1 =	veq.s32 v20, $0x3;
	v29 =	vsel vm0, $0x3F800000, v0;
	v31 =	vmul.f32 v26, v18;
	[tilespmem:s23+$0xF0] =	vst v7  }
0x144: {  	v32 =	vmul.f32 v17, v24;
	v33 =	vsel vm1, $0x3F800000, v0;
	v24 =	vld [tilespmem:s26+$0xFFFFFF80];
	v17 =	vmul.f32 v29, v18;
	[tilespmem:s23+$0xFFFFFF80] =	vst v28  }
0x145: {  	v20 =	vld.idx.msk [tilespmem:v10+s29+$0x0], $0xffff;
	v18 =	vmul.f32 v33, v18;
	[tilespmem:s23+$0xFFFFFFA0] =	vst v31;
	v31 =	vadd.s32 $0xA0, v12  }
0x146: {  	v34 =	vmul.f32 v26, v32;
	v27 =	vmul.f32 v27, v9;
	v7 =	vld.idx.msk [tilespmem:v10+s20+$0x0], $0xffff;
	[tilespmem:s23+$0xFFFFFFC0] =	vst v17  }
0x147: {  	v4 =	vld.idx.msk [tilespmem:v5+s20+$0x0], $0xffff;
	v28 =	vmul.f32 v21, v32;
	v17 =	vadd.s32 $0xA0, v8;
	v26 =	vsub.f32 $1.000000000e+00, v22;
	[tilespmem:s23+$0xFFFFFFE0] =	vst v18  }
0x148: {  	v37 =	vadd.s32 $0xA0, v10;
	v21 =	vld.idx.msk [tilespmem:v5+s29+$0x0], $0xffff;
	v18 =	vmul.f32 v29, v32;
	[tilespmem:s23+$0xFFFFFFB0] =	vst v34  }
0x149: {  	v38 =	vld.idx.msk [tilespmem:v16+s30+$0x0], $0xffff;
	v16 =	vmul.f32 v24, v6;
	[tilespmem:s23+$0xFFFFFF90] =	vst v28;
	v28 =	vsub.f32 $1.000000000e+00, v15;
	v39 =	vmul.f32 v27, v26  }
0x14a: {  	s31 =	simm.s32 $0x6480;
	v46 =	vadd.s32 $0xA0, v5;
	v27 =	vmul.f32 v27, v22;
	[tilespmem:s23+$0xFFFFFFD0] =	vst v18;
	v24 =	vld.idx.msk [tilespmem:v31+s20+$0x0], $0xffff  }
0x14b: {  	v29 =	vsub.f32 $1.000000000e+00, v20;
	v35 =	vmul.f32 v35, v7;
	v40 =	vmul.f32 v16, v28;
	v31 =	vld [tilespmem:s13+$0x0];
	[tilespmem:s31+$0x80] =	vst v39  }
0x14c: {  	v16 =	vmul.f32 v16, v15;
	v18 =	vld.idx.msk [tilespmem:v17+s20+$0x0], $0xffff;
	[tilespmem:s31+$0xC0] =	vst v27  }
0x14d: {  	v36 =	vmul.f32 v36, v4;
	v27 =	vsub.f32 $1.000000000e+00, v21;
	v47 =	vmul.f32 v35, v29;
	[tilespmem:s31+$0xFFFFFF80] =	vst v40;
	v48 =	vld [tilespmem:s26+$0x90]  }
0x14e: {  	v17 =	vld.idx.msk [tilespmem:v37+s20+$0x0], $0xffff;
	v35 =	vmul.f32 v35, v20;
	[tilespmem:s31+$0xFFFFFFC0] =	vst v16  }
0x14f: {  	v49 =	vmul.f32 v36, v27;
	v41 =	vld [tilespmem:s26+$0xFFFFFF90];
	[tilespmem:s31+$0x0] =	vst v47  }
0x150: {  	vm0 =	veq.s32 v38, $0x0;
	v16 =	vld.idx.msk [tilespmem:v46+s20+$0x0], $0xffff;
	v36 =	vmul.f32 v36, v21;
	[tilespmem:s31+$0x40] =	vst v35;
	v14 =	vmul.f32 v31, v14  }
0x151: {  	v32 =	vmul.f32 v33, v32;
	vm1 =	veq.s32 v38, $0x1;
	v50 =	vsel vm0, $0x3F800000, v0;
	[tilespmem:s31+$0xFFFFFF00] =	vst v49;
	v51 =	vld [tilespmem:s26+$0x10]  }
0x152: {  	v52 =	vsel vm1, $0x3F800000, v0;
	[tilespmem:s31+$0xFFFFFF40] =	vst v36;
	v54 =	vmul.f32 v48, v9;
	v53 =	vmul.f32 v50, v14  }
0x153: {  	[tilespmem:s23+$0xFFFFFFF0] =	vst v32;
	v56 =	vld [tilespmem:s26+$0xFFFFFF10];
	v55 =	vmul.f32 v52, v14  }
0x154: {  	v57 =	vmul.f32 v41, v6;
	v58 =	vmul.f32 v54, v26;
	[tilespmem:s23+$0x0] =	vst v53  }
0x155: {  	v36 =	vmul.f32 v54, v22;
	[tilespmem:s23+$0x20] =	vst v55  }
0x156: {  	v60 =	vmul.f32 v57, v28;
	v33 =	vmul.f32 v51, v7;
	[tilespmem:s31+$0x90] =	vst v58  }
0x157: {  	v2 =	vmul.f32 v30, v2;
	v32 =	vmul.f32 v57, v15;
	[tilespmem:s31+$0xD0] =	vst v36  }
0x158: {  	v61 =	vmul.f32 v56, v4;
	[tilespmem:s31+$0xFFFFFF90] =	vst v60;
	v62 =	vmul.f32 v33, v29;
	v63 =	vld [tilespmem:s26+$0xA0]  }
0x159: {  	v59 =	vld [tilespmem:s13+$0xFFFFFFE0];
	v25 =	vmul.f32 v25, v2;
	vm0 =	veq.s32 v38, $0x2;
	[tilespmem:s31+$0xFFFFFFD0] =	vst v32;
	v43 =	vmul.f32 v33, v20  }
0x15a: {  	vm1 =	veq.s32 v38, $0x3;
	v13 =	vmul.f32 v31, v13;
	v31 =	vmul.f32 v61, v27;
	v44 =	vld [tilespmem:s26+$0xFFFFFFA0];
	[tilespmem:s31+$0x10] =	vst v62  }
0x15b: {  	v45 =	vsel vm0, $0x3F800000, v0;
	v30 =	vsel vm1, $0x3F800000, v0;
	v36 =	vmul.f32 v61, v21;
	[tilespmem:s31+$0x50] =	vst v43  }
0x15c: {  	v46 =	vmul.f32 v45, v14;
	v14 =	vmul.f32 v30, v14;
	[tilespmem:s31+$0xFFFFFF10] =	vst v31;
	v31 =	vld [tilespmem:s26+$0x20]  }
0x15d: {  	v34 =	vmul.f32 v50, v13;
	[tilespmem:s31+$0xFFFFFF50] =	vst v36;
	v47 =	vmul.f32 v63, v24  }
0x15e: {  	v3 =	vmul.f32 v59, v3;
	[tilespmem:s23+$0x60] =	vst v14;
	v14 =	vmul.f32 v52, v13;
	v48 =	vld [tilespmem:s26+$0xFFFFFF20]  }
0x15f: {  	[tilespmem:s23+$0x10] =	vst v34;
	v49 =	vmul.f32 v44, v18;
	v50 =	vmul.f32 v47, v26  }
0x160: {  	v11 =	vmul.f32 v59, v11;
	[tilespmem:s23+$0x30] =	vst v14;
	v51 =	vmul.f32 v47, v22  }
0x161: {  	vm2 =	veq.s32 v23, $0x2;
	v52 =	vmul.f32 v49, v28;
	v31 =	vmul.f32 v31, v17;
	[tilespmem:s31+$0xA0] =	vst v50  }
0x162: {  	v1 =	vld.idx.msk [tilespmem:v1+s30+$0x0], $0xffff;
	vm0 =	veq.s32 v23, $0x0;
	v53 =	vmul.f32 v45, v13;
	v32 =	vmul.f32 v49, v15;
	[tilespmem:s31+$0xE0] =	vst v51  }
0x163: {  	vm1 =	veq.s32 v23, $0x1;
	v23 =	vmul.f32 v48, v16;
	[tilespmem:s31+$0xFFFFFFA0] =	vst v52;
	v54 =	vmul.f32 v31, v29;
	v35 =	vld [tilespmem:s26+$0xB0]  }
0x164: {  	v55 =	vsel vm0, $0x3F800000, v0;
	v13 =	vmul.f32 v30, v13;
	[tilespmem:s31+$0xFFFFFFE0] =	vst v32;
	v30 =	vmul.f32 v31, v20  }
0x165: {  	v56 =	vmul.f32 v55, v2;
	v37 =	vmul.f32 v23, v27;
	v57 =	vld [tilespmem:s26+$0xFFFFFFB0];
	[tilespmem:s31+$0x20] =	vst v54  }
0x166: {  	v58 =	vsel vm2, $0x3F800000, v0;
	v31 =	vsel vm1, $0x3F800000, v0;
	v23 =	vmul.f32 v23, v21;
	[tilespmem:s31+$0x60] =	vst v30  }
0x167: {  	vm0 =	veq.s32 v1, $0x0;
	v59 =	vmul.f32 v31, v2;
	v30 =	vmul.f32 v58, v2;
	[tilespmem:s31+$0xFFFFFF20] =	vst v37;
	v2 =	vld [tilespmem:s26+$0x30]  }
0x168: {  	v34 =	vmul.f32 v58, v19;
	v14 =	vsel vm0, $0x3F800000, v0;
	[tilespmem:s31+$0xFFFFFF60] =	vst v23;
	v23 =	vmul.f32 v35, v24  }
0x169: {  	[tilespmem:s23+$0xE0] =	vst v25;
	vm0 =	veq.s32 v1, $0x2;
	v36 =	vmul.f32 v55, v19;
	v60 =	vmul.f32 v31, v19;
	v19 =	vld [tilespmem:s26+$0xFFFFFF30]  }
0x16a: {  	[tilespmem:s23+$0x40] =	vst v46;
	vm1 =	veq.s32 v1, $0x1;
	v31 =	vmul.f32 v57, v18;
	v26 =	vmul.f32 v23, v26  }
0x16b: {  	[tilespmem:s23+$0x70] =	vst v13;
	v61 =	vmul.f32 v14, v3;
	v13 =	vsel vm1, $0x3F800000, v0;
	v22 =	vmul.f32 v23, v22  }
0x16c: {  	vm1 =	veq.s32 v1, $0x3;
	v23 =	vmul.f32 v31, v28;
	v2 =	vmul.f32 v2, v17;
	[tilespmem:s31+$0xB0] =	vst v26  }
0x16d: {  	v28 =	vmul.f32 v13, v3;
	v1 =	vmul.f32 v31, v15;
	v15 =	vsel vm0, $0x3F800000, v0;
	[tilespmem:s31+$0xF0] =	vst v22  }
0x16e: {  	s4 =	simm.s32 $0x7E0;
	[tilespmem:s23+$0x50] =	vst v53;
	v19 =	vmul.f32 v19, v16;
	v62 =	vmul.f32 v15, v3;
	v12 =	vld.idx.msk [tilespmem:v12+s30+$0x0], $0xffff  }
0x16f: {  	v26 =	vsel vm1, $0x3F800000, v0;
	v22 =	vmul.f32 v2, v29;
	[tilespmem:s31+$0xFFFFFFF0] =	vst v1;
	v1 =	vmul.f32 v2, v20;
	v29 =	vld [tilespmem:s4+$0x10]  }
0x170: {  	[tilespmem:s31+$0xFFFFFFB0] =	vst v23;
	v63 =	vmul.f32 v26, v3;
	v23 =	vmul.f32 v14, v11  }
0x171: {  	s12 =	simm.s32 $0x9;
	v2 =	vmul.f32 v19, v27;
	v14 =	vmul.f32 v19, v21;
	v19 =	vld.idx.msk [tilespmem:v8+s30+$0x0], $0xffff;
	[tilespmem:s31+$0x30] =	vst v22  }
0x172: {  	s3 =	simm.s32 $0x8;
	s13 =	simm.s32 $0xA;
	v20 =	vmul.f32 v15, v11;
	v3 =	vmov s12;
	[tilespmem:s31+$0x70] =	vst v1;
	v22 =	vmul.f32 v13, v11;
	v13 =	vld [tilespmem:s4+$0xFFFFFFF0]  }
0x173: {  	v21 =	vmul.f32 v26, v11;
	v1 =	vmov s3;
	[tilespmem:s31+$0xFFFFFF30] =	vst v2;
	v2 =	vmov s13  }
0x174: {  	[tilespmem:s23+$0x80] =	vst v56;
	v10 =	vld.idx.msk [tilespmem:v10+s30+$0x0], $0xffff;
	vm6 =	veq.s32 v12, $0x0;
	vm2 =	veq.s32 v12, $0x3;
	v8 =	vmul.f32 v29, v24  }
0x175: {  	[tilespmem:s23+$0xD0] =	vst v34;
	vm1 =	veq.s32 v12, $0x1;
	vm0 =	veq.s32 v12, $0x2;
	v11 =	vsel vm2, $0x3F800000, v0  }
0x176: {  	[tilespmem:s31+$0xFFFFFF70] =	vst v14;
	v15 =	vld [tilespmem:s4+$0x0];
	vm10 =	veq.s32 v19, $0x0;
	vm7 =	veq.s32 v19, $0x1;
	vm11 =	veq.s32 v19, $0x2  }
0x177: {  	[tilespmem:s23+$0xFFFFFF00] =	vst v61;
	v5 =	vld.idx.msk [tilespmem:v5+s30+$0x0], $0xffff;
	vm8 =	veq.s32 v19, $0x3;
	v12 =	vmul.f32 v11, v8;
	v33 =	vmul.f32 v13, v6  }
0x178: {  	[tilespmem:s23+$0x90] =	vst v36;
	v31 =	vmul.f32 v13, v18;
	v35 =	vsel vm10, $0x3F800000, v0;
	v36 =	vsel vm7, $0x3F800000, v0  }
0x179: {  	[tilespmem:s23+$0xA0] =	vst v59;
	v24 =	vld [tilespmem:s4+$0xFFFFFFE0];
	v34 =	vsel vm11, $0x3F800000, v0;
	v18 =	vsel vm6, $0x3F800000, v0;
	vm12 =	veq.s32 v10, $0x0  }
0x17a: {  	s18 =	simm.s32 $0xB;
	[tilespmem:s23+$0xB0] =	vst v60;
	v14 =	vld.idx.msk [tilespmem:v1+s20+$0x0], $0xffff;
	vm13 =	veq.s32 v10, $0x1;
	vm9 =	veq.s32 v10, $0x2;
	vm14 =	veq.s32 v10, $0x3  }
0x17b: {  	[tilespmem:s23+$0xC0] =	vst v30;
	v6 =	vld.idx.msk [tilespmem:v1+s29+$0x0], $0xffff;
	v26 =	vmul.f32 v15, v7;
	v7 =	vmov s18;
	v19 =	vmul.f32 v15, v17  }
0x17c: {  	[tilespmem:s23+$0xFFFFFF20] =	vst v28;
	v15 =	vmul.f32 v29, v9;
	v10 =	vld.idx.msk [tilespmem:v3+s29+$0x0], $0xffff;
	v29 =	vsel vm8, $0x3F800000, v0;
	vm5 =	veq.s32 v5, $0x0  }
0x17d: {  	s0 =	simm.s32 $0xB480;
	[tilespmem:s23+$0xFFFFFF40] =	vst v62;
	vm3 =	veq.s32 v5, $0x1;
	vm2 =	veq.s32 v5, $0x2;
	vm4 =	veq.s32 v5, $0x3;
	v5 =	vld.idx.msk [tilespmem:v3+s20+$0x0], $0xffff  }
0x17e: {  	[tilespmem:s0+$0xF0] =	vst v12;
	v28 =	vsel vm12, $0x3F800000, v0;
	v12 =	vld.idx.msk [tilespmem:v2+s29+$0x0], $0xffff;
	v27 =	vsel vm9, $0x3F800000, v0;
	v25 =	vsel vm14, $0x3F800000, v0  }
0x17f: {  	[tilespmem:s23+$0xFFFFFF60] =	vst v63;
	s13 =	simm.s32 $0xC;
	v13 =	vmul.f32 v24, v4;
	v9 =	vmul.f32 v24, v16;
	v4 =	vld.idx.msk [tilespmem:v2+s20+$0x0], $0xffff;
	v24 =	vsel vm13, $0x3F800000, v0  }
.LBB2_7:
0x180: {  	p0 =	slt.u32 s13, $0x9C;
	v16 =	vld.idx.msk [tilespmem:v7+s20+$0x0], $0xffff;
	v40 =	vsel vm5, $0x3F800000, v0;
	v32 =	vsel vm1, $0x3F800000, v0;
	v44 =	vsel vm0, $0x3F800000, v0;
	[tilespmem:s23+$0xFFFFFF10] =	vst v23;
	v17 =	vmovc v14  }
0x181: {  	v42 =	vsel vm3, $0x3F800000, v0;
	v43 =	vsel vm2, $0x3F800000, v0;
	v41 =	vsel vm4, $0x3F800000, v0;
	s26 =	sadd.s32 $0x200, s26;
	v30 =	vld.idx.msk [tilespmem:v7+s29+$0x0], $0xffff;
	[tilespmem:s23+$0xFFFFFF30] =	vst v22  }
0x182: {  	v23 =	vmul.f32 v36, v33;
	v22 =	vmul.f32 v35, v33;
	v14 =	vld [tilespmem:s26+$0x80];
	[tilespmem:s23+$0xFFFFFF50] =	vst v20  }
0x183: {  	v37 =	vmul.f32 v34, v33;
	v33 =	vmul.f32 v29, v33;
	v20 =	vld [tilespmem:s26+$0xFFFFFF00];
	[tilespmem:s23+$0xFFFFFF70] =	vst v21;
	s23 =	smov.u32 s0  }
0x184: {  	v21 =	vadd.s32 $0xA0, v1;
	v38 =	vld [tilespmem:s26+$0xFFFFFF80];
	[tilespmem:s0+$0xFFFFFF80] =	vst v22;
	v22 =	vmul.f32 v35, v31;
	v35 =	vmul.f32 v36, v31  }
0x185: {  	v45 =	vadd.s32 $0xA0, v3;
	v47 =	vmul.f32 v29, v31;
	v46 =	vld [tilespmem:s26+$0x0];
	[tilespmem:s0+$0xFFFFFFA0] =	vst v23;
	v23 =	vmul.f32 v34, v31  }
0x186: {  	v48 =	vmul.f32 v28, v26;
	v49 =	vmul.f32 v24, v26;
	v29 =	vadd.s32 $0xA0, v7;
	[tilespmem:s0+$0xFFFFFFC0] =	vst v37  }
0x187: {  	v50 =	vmul.f32 v27, v26;
	v37 =	vsub.f32 $1.000000000e+00, v30;
	v14 =	vmul.f32 v14, v16;
	[tilespmem:s0+$0xFFFFFFE0] =	vst v33  }
0x188: {  	v51 =	vmul.f32 v25, v26;
	v31 =	vadd.s32 $0xA0, v2;
	v20 =	vmul.f32 v20, v17;
	[tilespmem:s0+$0xFFFFFF90] =	vst v22  }
0x189: {  	v39 =	vsub.f32 $1.000000000e+00, v10;
	v22 =	vmul.f32 v38, v5;
	v33 =	vmul.f32 v14, v37;
	[tilespmem:s0+$0xFFFFFFB0] =	vst v35  }
0x18a: {  	s31 =	sadd.s32 $0x200, s31;
	v36 =	vsub.f32 $1.000000000e+00, v12;
	v38 =	vmul.f32 v14, v30;
	v34 =	vmul.f32 v46, v4;
	[tilespmem:s0+$0xFFFFFFD0] =	vst v23  }
0x18b: {  	v35 =	vsub.f32 $1.000000000e+00, v6;
	v23 =	vmul.f32 v22, v39;
	v22 =	vmul.f32 v22, v10;
	v26 =	vld.idx.msk [tilespmem:v29+s20+$0x0], $0xffff;
	[tilespmem:s31+$0x80] =	vst v33  }
0x18c: {  	v14 =	vld.idx.msk [tilespmem:v45+s20+$0x0], $0xffff;
	v33 =	vmul.f32 v34, v36;
	v34 =	vmul.f32 v34, v12;
	[tilespmem:s31+$0xC0] =	vst v38  }
0x18d: {  	v45 =	vmul.f32 v20, v35;
	v20 =	vmul.f32 v20, v6;
	[tilespmem:s31+$0xFFFFFF80] =	vst v23;
	v23 =	vld [tilespmem:s26+$0x90]  }
0x18e: {  	v52 =	vmul.f32 v24, v19;
	v46 =	vmul.f32 v28, v19;
	[tilespmem:s31+$0xFFFFFFC0] =	vst v22;
	v29 =	vld.idx.msk [tilespmem:v31+s20+$0x0], $0xffff  }
0x18f: {  	v53 =	vmul.f32 v27, v19;
	v54 =	vmul.f32 v25, v19;
	v22 =	vld [tilespmem:s26+$0xFFFFFF90];
	[tilespmem:s31+$0x0] =	vst v33  }
0x190: {  	v38 =	vmul.f32 v18, v15;
	v24 =	vld.idx.msk [tilespmem:v21+s20+$0x0], $0xffff;
	[tilespmem:s31+$0x40] =	vst v34;
	v34 =	vmul.f32 v32, v15  }
0x191: {  	v31 =	vmul.f32 v11, v15;
	v33 =	vmul.f32 v44, v15;
	[tilespmem:s31+$0xFFFFFF00] =	vst v45;
	v21 =	vld [tilespmem:s26+$0x10]  }
0x192: {  	v28 =	vmul.f32 v18, v8;
	[tilespmem:s31+$0xFFFFFF40] =	vst v20;
	v11 =	vmul.f32 v23, v16  }
0x193: {  	v19 =	vmul.f32 v32, v8;
	v15 =	vmul.f32 v44, v8;
	v20 =	vld [tilespmem:s26+$0xFFFFFF10];
	[tilespmem:s0+$0xFFFFFFF0] =	vst v47  }
0x194: {  	v8 =	vmul.f32 v22, v5;
	v22 =	vmul.f32 v11, v37;
	[tilespmem:s0+$0x0] =	vst v48  }
0x195: {  	v18 =	vmul.f32 v40, v13;
	v11 =	vmul.f32 v11, v30;
	[tilespmem:s0+$0x20] =	vst v49  }
0x196: {  	v23 =	vmul.f32 v8, v39;
	v21 =	vmul.f32 v21, v4;
	[tilespmem:s31+$0x90] =	vst v22  }
0x197: {  	v25 =	vmul.f32 v42, v13;
	v8 =	vmul.f32 v8, v10;
	[tilespmem:s31+$0xD0] =	vst v11  }
0x198: {  	v11 =	vmul.f32 v20, v17;
	[tilespmem:s31+$0xFFFFFF90] =	vst v23;
	v20 =	vmul.f32 v21, v36;
	v44 =	vld [tilespmem:s26+$0xA0]  }
0x199: {  	v27 =	vmul.f32 v43, v13;
	[tilespmem:s31+$0xFFFFFFD0] =	vst v8;
	v8 =	vmul.f32 v21, v12  }
0x19a: {  	v21 =	vmul.f32 v11, v35;
	v11 =	vmul.f32 v11, v6;
	v45 =	vld [tilespmem:s26+$0xFFFFFFA0];
	[tilespmem:s31+$0x10] =	vst v20  }
0x19b: {  	v32 =	vmul.f32 v41, v13;
	v23 =	vmul.f32 v40, v9;
	[tilespmem:s31+$0x50] =	vst v8  }
0x19c: {  	v22 =	vmul.f32 v42, v9;
	v20 =	vmul.f32 v43, v9;
	[tilespmem:s31+$0xFFFFFF10] =	vst v21;
	v8 =	vld [tilespmem:s26+$0x20]  }
0x19d: {  	v21 =	vmul.f32 v41, v9;
	[tilespmem:s31+$0xFFFFFF50] =	vst v11;
	v11 =	vmul.f32 v44, v26  }
0x19e: {  	v9 =	vld [tilespmem:s26+$0xFFFFFF20];
	[tilespmem:s0+$0x40] =	vst v50  }
0x19f: {  	v13 =	vmul.f32 v45, v14;
	v40 =	vmul.f32 v11, v37;
	[tilespmem:s0+$0x60] =	vst v51  }
0x1a0: {  	v11 =	vmul.f32 v11, v30;
	[tilespmem:s0+$0x10] =	vst v46  }
0x1a1: {  	v41 =	vmul.f32 v13, v39;
	v8 =	vmul.f32 v8, v29;
	[tilespmem:s31+$0xA0] =	vst v40  }
0x1a2: {  	v13 =	vmul.f32 v13, v10;
	[tilespmem:s31+$0xE0] =	vst v11  }
0x1a3: {  	v9 =	vmul.f32 v9, v24;
	[tilespmem:s31+$0xFFFFFFA0] =	vst v41;
	v11 =	vmul.f32 v8, v36;
	v40 =	vld [tilespmem:s26+$0xB0]  }
0x1a4: {  	v8 =	vmul.f32 v8, v12;
	[tilespmem:s31+$0xFFFFFFE0] =	vst v13  }
0x1a5: {  	v13 =	vmul.f32 v9, v35;
	v9 =	vmul.f32 v9, v6;
	v41 =	vld [tilespmem:s26+$0xFFFFFFB0];
	[tilespmem:s31+$0x20] =	vst v11  }
0x1a6: {  	[tilespmem:s31+$0x60] =	vst v8  }
0x1a7: {  	[tilespmem:s31+$0xFFFFFF20] =	vst v13;
	v8 =	vld [tilespmem:s26+$0x30]  }
0x1a8: {  	[tilespmem:s31+$0xFFFFFF60] =	vst v9;
	v9 =	vmul.f32 v40, v26  }
0x1a9: {  	v11 =	vld [tilespmem:s26+$0xFFFFFF30];
	[tilespmem:s0+$0x30] =	vst v52  }
0x1aa: {  	v13 =	vmul.f32 v41, v14;
	v37 =	vmul.f32 v9, v37;
	[tilespmem:s0+$0x50] =	vst v53  }
0x1ab: {  	v9 =	vmul.f32 v9, v30;
	[tilespmem:s0+$0x70] =	vst v54  }
0x1ac: {  	v30 =	vmul.f32 v13, v39;
	v8 =	vmul.f32 v8, v29;
	[tilespmem:s31+$0xB0] =	vst v37  }
0x1ad: {  	v10 =	vmul.f32 v13, v10;
	[tilespmem:s31+$0xF0] =	vst v9  }
0x1ae: {  	s4 =	sadd.s32 $0x40, s4;
	v9 =	vmul.f32 v11, v24;
	[tilespmem:s31+$0xFFFFFFB0] =	vst v30;
	v11 =	vmul.f32 v8, v36;
	v7 =	vld.idx.msk [tilespmem:v7+s30+$0x0], $0xffff  }
0x1af: {  	v8 =	vmul.f32 v8, v12;
	[tilespmem:s31+$0xFFFFFFF0] =	vst v10;
	v10 =	vld [tilespmem:s4+$0x10]  }
0x1b0: {  	v12 =	vmul.f32 v9, v35;
	v6 =	vmul.f32 v9, v6;
	v9 =	vld.idx.msk [tilespmem:v3+s30+$0x0], $0xffff;
	[tilespmem:s31+$0x30] =	vst v11  }
0x1b1: {  	v13 =	vld [tilespmem:s4+$0xFFFFFFF0];
	[tilespmem:s31+$0x70] =	vst v8  }
0x1b2: {  	s3 =	sadd.s32 $0x1, s13;
	s12 =	sadd.s32 $0x2, s13;
	v11 =	vmov s13;
	[tilespmem:s31+$0xFFFFFF30] =	vst v12;
	v12 =	vld.idx.msk [tilespmem:v2+s30+$0x0], $0xffff  }
0x1b3: {  	v3 =	vmov s3;
	v2 =	vmov s12;
	[tilespmem:s31+$0xFFFFFF70] =	vst v6;
	v30 =	vld [tilespmem:s4+$0x0]  }
0x1b4: {  	vm6 =	veq.s32 v7, $0x0;
	vm2 =	veq.s32 v7, $0x3;
	v35 =	vld.idx.msk [tilespmem:v1+s30+$0x0], $0xffff;
	v8 =	vmul.f32 v10, v26;
	[tilespmem:s0+$0x80] =	vst v38;
	v1 =	vmovc v11  }
0x1b5: {  	vm1 =	veq.s32 v7, $0x1;
	vm0 =	veq.s32 v7, $0x2;
	v11 =	vsel vm2, $0x3F800000, v0;
	v36 =	vld [tilespmem:s4+$0xFFFFFFE0];
	[tilespmem:s0+$0xA0] =	vst v34  }
0x1b6: {  	vm14 =	veq.s32 v9, $0x0;
	vm7 =	veq.s32 v9, $0x1;
	v6 =	vmul.f32 v11, v8;
	[tilespmem:s0+$0xC0] =	vst v33  }
0x1b7: {  	vm10 =	veq.s32 v9, $0x2;
	vm8 =	veq.s32 v9, $0x3;
	v33 =	vmul.f32 v13, v5;
	s0 =	sadd.s32 $0x200, s0;
	[tilespmem:s23+$0xE0] =	vst v31  }
0x1b8: {  	vm12 =	veq.s32 v12, $0x0;
	vm13 =	veq.s32 v12, $0x1;
	vm9 =	veq.s32 v12, $0x2;
	[tilespmem:s0+$0xF0] =	vst v6  }
0x1b9: {  	v31 =	vmul.f32 v13, v14;
	vm11 =	veq.s32 v12, $0x3;
	v26 =	vmul.f32 v30, v4;
	[tilespmem:s23+$0x90] =	vst v28  }
0x1ba: {  	s3 =	sadd.s32 $0x3, s13;
	vm5 =	veq.s32 v35, $0x0;
	vm3 =	veq.s32 v35, $0x1;
	vm2 =	veq.s32 v35, $0x2;
	v14 =	vld.idx.msk [tilespmem:v1+s20+$0x0], $0xffff;
	[tilespmem:s23+$0xB0] =	vst v19  }
.Ltmp2:
0x1bb: {  	v7 =	vmov s3;
	vm4 =	veq.s32 v35, $0x3;
	v19 =	vmul.f32 v30, v29;
	v6 =	vld.idx.msk [tilespmem:v1+s29+$0x0], $0xffff;
	[tilespmem:s23+$0xD0] =	vst v15;
	(pc) =	sbr.rel @p0 .LBB2_7-.Ltmp2, $4  }
0x1bc: {  	v35 =	vsel vm14, $0x3F800000, v0;
	v13 =	vmul.f32 v36, v17;
	v15 =	vmul.f32 v10, v16;
	v5 =	vld.idx.msk [tilespmem:v3+s20+$0x0], $0xffff;
	[tilespmem:s23+$0xFFFFFF00] =	vst v18  }
0x1bd: {  	v34 =	vsel vm10, $0x3F800000, v0;
	v9 =	vmul.f32 v36, v24;
	v36 =	vsel vm7, $0x3F800000, v0;
	v10 =	vld.idx.msk [tilespmem:v3+s29+$0x0], $0xffff;
	[tilespmem:s23+$0xFFFFFF20] =	vst v25  }
0x1be: {  	v28 =	vsel vm12, $0x3F800000, v0;
	v29 =	vsel vm8, $0x3F800000, v0;
	v24 =	vsel vm13, $0x3F800000, v0;
	v4 =	vld.idx.msk [tilespmem:v2+s20+$0x0], $0xffff;
	[tilespmem:s23+$0xFFFFFF40] =	vst v27  }
0x1bf: {  	s13 =	sadd.s32 $0x4, s13;
	v18 =	vsel vm6, $0x3F800000, v0;
	v25 =	vsel vm11, $0x3F800000, v0;
	v27 =	vsel vm9, $0x3F800000, v0;
	v12 =	vld.idx.msk [tilespmem:v2+s29+$0x0], $0xffff;
	[tilespmem:s23+$0xFFFFFF60] =	vst v32  }
0x1c0: {  	_ = 	snop  }
0x1c1: {  	[tilespmem:s23+$0xFFFFFF10] =	vst v23  }
0x1c2: {  	[tilespmem:s23+$0xFFFFFF30] =	vst v22  }
0x1c3: {  	v41 =	vmul.f32 v35, v33;
	[tilespmem:s23+$0xFFFFFF50] =	vst v20  }
0x1c4: {  	v16 =	vld.idx.msk [tilespmem:v7+s20+$0x0], $0xffff;
	v42 =	vmul.f32 v36, v33;
	[tilespmem:s23+$0xFFFFFF70] =	vst v21  }
0x1c5: {  	v23 =	vld.idx.msk [tilespmem:v7+s29+$0x0], $0xffff;
	s13 =	sadd.s32 $0x200, s26;
	v43 =	vmul.f32 v34, v33;
	[tilespmem:s0+$0xFFFFFF80] =	vst v41  }
0x1c6: {  	v44 =	vmul.f32 v29, v33;
	v17 =	vld [tilespmem:s13+$0x80];
	[tilespmem:s0+$0xFFFFFFA0] =	vst v42  }
0x1c7: {  	v32 =	vmul.f32 v35, v31;
	[tilespmem:s0+$0xFFFFFFC0] =	vst v43  }
0x1c8: {  	v46 =	vmul.f32 v36, v31;
	v30 =	vld [tilespmem:s13+$0xFFFFFF80];
	[tilespmem:s0+$0xFFFFFFE0] =	vst v44  }
0x1c9: {  	v50 =	vmul.f32 v34, v31;
	[tilespmem:s0+$0xFFFFFF90] =	vst v32  }
0x1ca: {  	v45 =	vadd.s32 $0xA0, v7;
	v48 =	vadd.s32 $0xA0, v3;
	v60 =	vmul.f32 v29, v31;
	v49 =	vld [tilespmem:s13+$0xFFFFFF00];
	[tilespmem:s0+$0xFFFFFFB0] =	vst v46  }
0x1cb: {  	v62 =	vmul.f32 v28, v26;
	[tilespmem:s0+$0xFFFFFFD0] =	vst v50;
	v36 =	vsub.f32 $1.000000000e+00, v23;
	v17 =	vmul.f32 v17, v16  }
0x1cc: {  	v37 =	vadd.s32 $0xA0, v2;
	v11 =	vmul.f32 v11, v15;
	v47 =	vld [tilespmem:s13+$0x0];
	[tilespmem:s0+$0xFFFFFFF0] =	vst v60  }
0x1cd: {  	v32 =	vsub.f32 $1.000000000e+00, v10;
	[tilespmem:s0+$0x0] =	vst v62;
	v30 =	vmul.f32 v30, v5;
	v38 =	vmul.f32 v17, v36  }
0x1ce: {  	v51 =	vadd.s32 $0xA0, v1;
	s26 =	sadd.s32 $0x200, s31;
	[tilespmem:s0+$0xE0] =	vst v11;
	v17 =	vmul.f32 v17, v23  }
0x1cf: {  	v22 =	vsub.f32 $1.000000000e+00, v6;
	v34 =	vld.idx.msk [tilespmem:v45+s20+$0x0], $0xffff;
	v54 =	vmul.f32 v49, v14;
	v53 =	vmul.f32 v30, v32;
	[tilespmem:s26+$0x80] =	vst v38  }
0x1d0: {  	v21 =	vld.idx.msk [tilespmem:v48+s20+$0x0], $0xffff;
	v30 =	vmul.f32 v30, v10;
	[tilespmem:s26+$0xC0] =	vst v17  }
0x1d1: {  	v20 =	vld.idx.msk [tilespmem:v37+s20+$0x0], $0xffff;
	v52 =	vmul.f32 v47, v4;
	v57 =	vmul.f32 v54, v22;
	[tilespmem:s26+$0xFFFFFF80] =	vst v53  }
0x1d2: {  	v39 =	vsub.f32 $1.000000000e+00, v12;
	v59 =	vmul.f32 v54, v6;
	[tilespmem:s26+$0xFFFFFFC0] =	vst v30;
	v56 =	vld [tilespmem:s13+$0x90]  }
0x1d3: {  	v40 =	vmul.f32 v52, v12;
	v17 =	vld.idx.msk [tilespmem:v51+s20+$0x0], $0xffff;
	[tilespmem:s26+$0xFFFFFF00] =	vst v57  }
0x1d4: {  	v55 =	vmul.f32 v52, v39;
	[tilespmem:s26+$0xFFFFFF40] =	vst v59;
	v58 =	vld [tilespmem:s13+$0xFFFFFF90]  }
0x1d5: {  	[tilespmem:s26+$0x40] =	vst v40;
	v40 =	vmul.f32 v24, v26;
	v38 =	vld [tilespmem:s13+$0xFFFFFF10]  }
0x1d6: {  	[tilespmem:s26+$0x0] =	vst v55;
	v51 =	vmul.f32 v27, v26  }
0x1d7: {  	v53 =	vmul.f32 v25, v26;
	[tilespmem:s0+$0x20] =	vst v40;
	v63 =	vmul.f32 v56, v16  }
0x1d8: {  	v55 =	vmul.f32 v28, v19;
	v61 =	vld [tilespmem:s13+$0x10];
	[tilespmem:s0+$0x40] =	vst v51  }
0x1d9: {  	[tilespmem:s0+$0x60] =	vst v53;
	v41 =	vmul.f32 v58, v5;
	v42 =	vmul.f32 v63, v36  }
0x1da: {  	[tilespmem:s0+$0x10] =	vst v55;
	v45 =	vmul.f32 v38, v14;
	v43 =	vmul.f32 v63, v23  }
0x1db: {  	v44 =	vmul.f32 v41, v32;
	[tilespmem:s26+$0x90] =	vst v42  }
0x1dc: {  	v49 =	vmul.f32 v45, v22;
	[tilespmem:s26+$0xD0] =	vst v43  }
0x1dd: {  	v30 =	vmul.f32 v61, v4;
	v31 =	vmul.f32 v45, v6;
	[tilespmem:s26+$0xFFFFFF90] =	vst v44  }
0x1de: {  	v29 =	vmul.f32 v41, v10;
	[tilespmem:s26+$0xFFFFFF10] =	vst v49  }
0x1df: {  	v46 =	vmul.f32 v30, v39;
	[tilespmem:s26+$0xFFFFFF50] =	vst v31;
	v47 =	vld [tilespmem:s13+$0xA0]  }
0x1e0: {  	v48 =	vmul.f32 v30, v12;
	[tilespmem:s26+$0xFFFFFFD0] =	vst v29;
	v56 =	vld [tilespmem:s13+$0xFFFFFF20]  }
0x1e1: {  	v40 =	vmul.f32 v24, v19;
	[tilespmem:s26+$0x10] =	vst v46;
	v50 =	vld [tilespmem:s13+$0xFFFFFFA0]  }
0x1e2: {  	v41 =	vmul.f32 v27, v19;
	[tilespmem:s26+$0x50] =	vst v48  }
0x1e3: {  	[tilespmem:s0+$0x30] =	vst v40;
	v43 =	vmul.f32 v25, v19;
	v31 =	vsel vm4, $0x3F800000, v0;
	v52 =	vld [tilespmem:s13+$0x20]  }
0x1e4: {  	[tilespmem:s0+$0x50] =	vst v41;
	v33 =	vmul.f32 v31, v13;
	v54 =	vmul.f32 v47, v34  }
0x1e5: {  	[tilespmem:s0+$0x70] =	vst v43;
	v60 =	vmul.f32 v56, v17;
	v56 =	vmul.f32 v18, v15  }
0x1e6: {  	[tilespmem:s0+$0xFFFFFF60] =	vst v33;
	v57 =	vmul.f32 v50, v21;
	v35 =	vmul.f32 v54, v36  }
0x1e7: {  	v58 =	vmul.f32 v54, v23;
	[tilespmem:s0+$0x80] =	vst v56  }
0x1e8: {  	v30 =	vmul.f32 v52, v20;
	v59 =	vmul.f32 v57, v32;
	[tilespmem:s26+$0xA0] =	vst v35  }
0x1e9: {  	v29 =	vmul.f32 v57, v10;
	[tilespmem:s26+$0xE0] =	vst v58  }
0x1ea: {  	v61 =	vmul.f32 v30, v39;
	[tilespmem:s26+$0xFFFFFFA0] =	vst v59  }
0x1eb: {  	v63 =	vmul.f32 v30, v12;
	[tilespmem:s26+$0xFFFFFFE0] =	vst v29  }
0x1ec: {  	v37 =	vmul.f32 v60, v22;
	[tilespmem:s26+$0x20] =	vst v61  }
0x1ed: {  	v26 =	vmul.f32 v60, v6;
	v57 =	vsel vm0, $0x3F800000, v0;
	[tilespmem:s26+$0x60] =	vst v63  }
0x1ee: {  	v55 =	vsel vm1, $0x3F800000, v0;
	v25 =	vmul.f32 v57, v8;
	[tilespmem:s26+$0xFFFFFF20] =	vst v37;
	v62 =	vld [tilespmem:s13+$0xB0]  }
0x1ef: {  	[tilespmem:s26+$0xFFFFFF60] =	vst v26;
	v58 =	vmul.f32 v55, v15  }
0x1f0: {  	v59 =	vmul.f32 v57, v15;
	v63 =	vsel vm5, $0x3F800000, v0;
	v38 =	vld [tilespmem:s13+$0xFFFFFFB0];
	[tilespmem:s0+$0xD0] =	vst v25  }
0x1f1: {  	v26 =	vsel vm3, $0x3F800000, v0;
	v27 =	vmul.f32 v63, v13;
	[tilespmem:s0+$0xA0] =	vst v58  }
0x1f2: {  	v28 =	vld [tilespmem:s13+$0x30];
	v29 =	vmul.f32 v26, v13;
	[tilespmem:s0+$0xC0] =	vst v59  }
0x1f3: {  	v11 =	vmul.f32 v63, v9;
	[tilespmem:s0+$0xFFFFFF00] =	vst v27;
	v42 =	vmul.f32 v62, v34  }
0x1f4: {  	v44 =	vld [tilespmem:s13+$0xFFFFFF30];
	[tilespmem:s0+$0xFFFFFF20] =	vst v29;
	v62 =	vmul.f32 v18, v8  }
0x1f5: {  	[tilespmem:s0+$0xFFFFFF10] =	vst v11;
	v45 =	vmul.f32 v38, v21;
	v46 =	vmul.f32 v42, v36  }
0x1f6: {  	v23 =	vmul.f32 v42, v23;
	[tilespmem:s0+$0x90] =	vst v62  }
0x1f7: {  	v48 =	vmul.f32 v28, v20;
	v47 =	vmul.f32 v45, v32;
	[tilespmem:s26+$0xB0] =	vst v46  }
0x1f8: {  	v49 =	vmul.f32 v45, v10;
	[tilespmem:s26+$0xF0] =	vst v23  }
0x1f9: {  	s31 =	sadd.s32 $0x40, s4;
	v50 =	vmul.f32 v44, v17;
	v51 =	vmul.f32 v48, v39;
	[tilespmem:s26+$0xFFFFFFB0] =	vst v47;
	v7 =	vld.idx.msk [tilespmem:v7+s30+$0x0], $0xffff  }
0x1fa: {  	v52 =	vmul.f32 v48, v12;
	[tilespmem:s26+$0xFFFFFFF0] =	vst v49;
	v53 =	vld [tilespmem:s31+$0x10]  }
0x1fb: {  	v22 =	vmul.f32 v50, v22;
	[tilespmem:s26+$0x30] =	vst v51;
	v3 =	vld.idx.msk [tilespmem:v3+s30+$0x0], $0xffff  }
0x1fc: {  	v54 =	vmul.f32 v50, v6;
	[tilespmem:s26+$0x70] =	vst v52;
	v30 =	vld [tilespmem:s31+$0xFFFFFFF0]  }
0x1fd: {  	v28 =	vsel vm2, $0x3F800000, v0;
	v10 =	vmul.f32 v55, v8;
	[tilespmem:s26+$0xFFFFFF30] =	vst v22  }
0x1fe: {  	v32 =	vmul.f32 v28, v13;
	[tilespmem:s26+$0xFFFFFF70] =	vst v54  }
0x1ff: {  	v6 =	vmul.f32 v26, v9;
	v8 =	vmul.f32 v31, v9;
	[tilespmem:s0+$0xB0] =	vst v10  }
0x200: {  	[tilespmem:s0+$0xFFFFFF40] =	vst v32;
	v10 =	vmul.f32 v28, v9;
	vm12 =	veq.s32 v7, $0x3;
	v24 =	vmul.f32 v53, v34  }
0x201: {  	[tilespmem:s0+$0xFFFFFF30] =	vst v6;
	vm13 =	veq.s32 v3, $0x0;
	v34 =	vmul.f32 v30, v5;
	v60 =	vsel vm12, $0x3F800000, v0  }
0x202: {  	[tilespmem:s0+$0xFFFFFF70] =	vst v8;
	vm14 =	veq.s32 v3, $0x1;
	v35 =	vsel vm13, $0x3F800000, v0;
	v61 =	vmul.f32 v60, v24  }
0x203: {  	s3 =	sadd.s32 $0x200, s0;
	v2 =	vld.idx.msk [tilespmem:v2+s30+$0x0], $0xffff;
	[tilespmem:s0+$0xFFFFFF50] =	vst v10;
	vm15 =	veq.s32 v3, $0x2;
	v36 =	vsel vm14, $0x3F800000, v0;
	v37 =	vmul.f32 v35, v34  }
0x204: {  	v38 =	vld [tilespmem:s31+$0x0];
	vm4 =	veq.s32 v3, $0x3;
	v3 =	vsel vm15, $0x3F800000, v0;
	v39 =	vmul.f32 v36, v34;
	[tilespmem:s3+$0xF0] =	vst v61  }
0x205: {  	v40 =	vmul.f32 v30, v21;
	v41 =	vsel vm4, $0x3F800000, v0;
	v42 =	vmul.f32 v3, v34;
	[tilespmem:s3+$0xFFFFFF80] =	vst v37  }
0x206: {  	v5 =	vmul.f32 v41, v34;
	[tilespmem:s3+$0xFFFFFFA0] =	vst v39  }
0x207: {  	v9 =	vmul.f32 v35, v40;
	[tilespmem:s3+$0xFFFFFFC0] =	vst v42  }
0x208: {  	vm5 =	veq.s32 v2, $0x0;
	v6 =	vmul.f32 v36, v40;
	[tilespmem:s3+$0xFFFFFFE0] =	vst v5  }
0x209: {  	v43 =	vmul.f32 v38, v4;
	vm6 =	veq.s32 v2, $0x1;
	v3 =	vmul.f32 v3, v40;
	[tilespmem:s3+$0xFFFFFF90] =	vst v9  }
0x20a: {  	vm7 =	veq.s32 v2, $0x2;
	v44 =	vsel vm5, $0x3F800000, v0;
	v8 =	vmul.f32 v41, v40;
	[tilespmem:s3+$0xFFFFFFB0] =	vst v6  }
0x20b: {  	vm8 =	veq.s32 v2, $0x3;
	v2 =	vsel vm7, $0x3F800000, v0;
	v46 =	vmul.f32 v44, v43;
	[tilespmem:s3+$0xFFFFFFD0] =	vst v3  }
0x20c: {  	v47 =	vmul.f32 v38, v20;
	v48 =	vsel vm8, $0x3F800000, v0;
	v49 =	vmul.f32 v2, v43;
	[tilespmem:s3+$0xFFFFFFF0] =	vst v8  }
0x20d: {  	v45 =	vsel vm6, $0x3F800000, v0;
	v4 =	vmul.f32 v48, v43;
	[tilespmem:s3+$0x0] =	vst v46  }
0x20e: {  	v50 =	vmul.f32 v45, v47;
	[tilespmem:s3+$0x40] =	vst v49  }
0x20f: {  	v51 =	vmul.f32 v53, v16;
	vm10 =	veq.s32 v7, $0x1;
	v2 =	vmul.f32 v2, v47;
	[tilespmem:s3+$0x60] =	vst v4  }
0x210: {  	v1 =	vld.idx.msk [tilespmem:v1+s30+$0x0], $0xffff;
	v54 =	vsel vm10, $0x3F800000, v0;
	v52 =	vmul.f32 v48, v47;
	[tilespmem:s3+$0x30] =	vst v50  }
0x211: {  	v53 =	vld [tilespmem:s31+$0xFFFFFFE0];
	v56 =	vmul.f32 v54, v51;
	[tilespmem:s3+$0x50] =	vst v2  }
0x212: {  	vm9 =	veq.s32 v7, $0x0;
	vm11 =	veq.s32 v7, $0x2;
	v7 =	vmul.f32 v54, v24;
	[tilespmem:s3+$0x70] =	vst v52  }
0x213: {  	v3 =	vmul.f32 v45, v43;
	[tilespmem:s3+$0xA0] =	vst v56  }
0x214: {  	v2 =	vsel vm11, $0x3F800000, v0;
	v4 =	vmul.f32 v60, v51;
	[tilespmem:s3+$0xB0] =	vst v7  }
0x215: {  	vm12 =	veq.s32 v1, $0x0;
	v57 =	vmul.f32 v2, v51;
	[tilespmem:s3+$0x20] =	vst v3  }
0x216: {  	vm13 =	veq.s32 v1, $0x1;
	v58 =	vmul.f32 v53, v14;
	v2 =	vmul.f32 v2, v24;
	[tilespmem:s3+$0xE0] =	vst v4  }
0x217: {  	vm14 =	veq.s32 v1, $0x2;
	v59 =	vsel vm12, $0x3F800000, v0;
	v3 =	vmul.f32 v44, v47;
	[tilespmem:s3+$0xC0] =	vst v57  }
0x218: {  	vm15 =	veq.s32 v1, $0x3;
	v1 =	vsel vm14, $0x3F800000, v0;
	v60 =	vmul.f32 v59, v58;
	[tilespmem:s3+$0xD0] =	vst v2  }
0x219: {  	v62 =	vsel vm15, $0x3F800000, v0;
	v63 =	vmul.f32 v1, v58;
	[tilespmem:s3+$0x10] =	vst v3  }
0x21a: {  	v6 =	vmul.f32 v62, v58;
	v3 =	vsel vm9, $0x3F800000, v0;
	[tilespmem:s3+$0xFFFFFF00] =	vst v60  }
0x21b: {  	v2 =	vmul.f32 v53, v17;
	v55 =	vmul.f32 v3, v51;
	[tilespmem:s3+$0xFFFFFF40] =	vst v63  }
0x21c: {  	v3 =	vmul.f32 v3, v24;
	[tilespmem:s3+$0xFFFFFF60] =	vst v6  }
0x21d: {  	v4 =	vmul.f32 v59, v2;
	[tilespmem:s3+$0x80] =	vst v55  }
0x21e: {  	v1 =	vmul.f32 v1, v2;
	[tilespmem:s3+$0x90] =	vst v3;
	v3 =	vsel vm13, $0x3F800000, v0  }
0x21f: {  	[tilespmem:s3+$0xFFFFFF10] =	vst v4;
	v61 =	vmul.f32 v3, v58  }
0x220: {  	[tilespmem:s3+$0xFFFFFF50] =	vst v1;
	v3 =	vmul.f32 v3, v2  }
0x221: {  	v2 =	vmul.f32 v62, v2;
	[tilespmem:s3+$0xFFFFFF20] =	vst v61  }
0x222: {  	[tilespmem:s3+$0xFFFFFF30] =	vst v3  }
0x223: {  	s12 =	simm.s32 $0x200;
	[tilespmem:s3+$0xFFFFFF70] =	vst v2  }
0x224: {  	[spmem:s1] =	stream.indirect.scatter.add.f32 [tilespmem:s21], [sflag:$0x3], $0x80, s12, s22, $0xb8;
	[tilespmem:$0x1F180] =	vst v63  }
0x225: {  	_ =	swait.ge [sflag:s16], $0x2800  }
0x226: {  	[sflag:s16] =	ssyncset.done $0x0  }
0x227: {  	s13 =	simm.s32 $0x300;
	s3 =	simm.s32 $0xB180;
	[sflag:s16] =	ssyncadd.s32 $0xFFFFD800  }
0x228: {  	[spmem:s2] =	stream.indirect.scatter.add.f32 [tilespmem:s3], [sflag:$0x3], $0x80, s13, s22, $0xb8;
	[tilespmem:$0x1F180] =	vst v63  }
0x229: {  	_ =	swait.ge [sflag:s16], $0x2800  }
0x22a: {  	[sflag:s16] =	ssyncset.done $0x0  }
0x22b: {  	s18 =	simm.s32 $0x280;
	s23 =	simm.s32 $0x8980;
	[sflag:s16] =	ssyncadd.s32 $0xFFFFD800  }
0x22c: {  	[spmem:s1] =	stream.indirect.scatter.add.f32 [tilespmem:s23], [sflag:$0x3], $0x80, s18, s22, $0xb8;
	[tilespmem:$0x1F180] =	vst v63  }
0x22d: {  	s15 =	sadd.s32 $0x1, s15;
	_ =	swait.ge [sflag:s16], $0x2800  }
0x22e: {  	p0 =	sne.s32 s15, $0x7D;
	s26 =	simm.s32 $0x380;
	[sflag:s16] =	ssyncset.done $0x0  }
.Ltmp3:
0x22f: {  	s31 =	simm.s32 $0xD980;
	[sflag:s16] =	ssyncadd.s32 $0xFFFFD800;
	(pc) =	sbr.rel @p0 .LBB2_4-.Ltmp3, $4  }
0x230: {  	[spmem:s2] =	stream.indirect.scatter.add.f32 [tilespmem:s31], [sflag:$0x3], $0x80, s26, s22, $0xb8;
	[tilespmem:$0x1F180] =	vst v63  }
0x231: {  	_ =	swait.ge [sflag:s16], $0x2800  }
0x232: {  	[sflag:s16] =	ssyncset.done $0x0  }
0x233: {  	[sflag:s16] =	ssyncadd.s32 $0xFFFFD800  }
0x234: {  	[bflag:$0x0] =	sbarrier.arrive $0xFFFF;
	s0 =	stileid.u32  }
0x235: {  	s0 =	sshll.u32 s0, $0x6;
	s19 =	rddreg [dreg:$0x6]  }
0x236: {  	s3 =	sadd.s32 $0x0, s25;
	s0 =	sor.u32 $0x1C03, s0;
	s4 =	sshrl.u32 s19, $0x3  }
0x237: {  	[hbm:s3], [sflag:s0] =	dma.local [spmem:s4], $0x100  }
0x238: {  	_ =	swait.ge [sflag:s16], $0x100  }
0x239: {  	s23 =	rddreg [dreg:$0xa]  }
0x23a: {  	s18 =	rddreg [dreg:$0x5]  }
0x23b: {  	s4 =	simm.s32 $0x100;
	s15 =	rddreg [dreg:$0x7];
	s12 =	smov.u32 s23  }
.LBB2_10:
0x23c: {  	s3 =	sadd.s32 s4, s25;
	[sflag:s16] =	ssyncset.done $0x0;
	p0 =	seq.s32 s4, $0x1300  }
.Ltmp4:
0x23d: {  	s13 =	sshrl.u32 s12, $0x3;
	[sflag:s16] =	ssyncadd.s32 $0xFFFFFF00;
	(pc) =	sbr.rel @!p0 .LBB2_10-.Ltmp4, $3  }
0x23e: {  	[hbm:s3], [sflag:s0] =	dma.local [spmem:s13], $0x100  }
0x23f: {  	s4 =	sadd.s32 $0x100, s4;
	_ =	sdelay $0x1  }
0x240: {  	s12 =	sadd.s32 $0x800, s12;
	_ =	swait.ge [sflag:s16], $0x100  }
0x241: {  	s26 =	rddreg [dreg:$0x1e]  }
0x242: {  	[sflag:s16] =	ssyncset.done $0x0;
	s31 =	rddreg [dreg:$0x1f]  }
0x243: {  	s3 =	sshrl.u32 s15, $0x3;
	s4 =	rddreg [dreg:$0x8];
	[sflag:s16] =	ssyncadd.s32 $0xFFFFFF00  }
0x244: {  	[hbm:s4], [sflag:s0] =	dma.local [spmem:s3], $0x100  }
0x245: {  	_ =	swait.ge [sflag:s16], $0x100  }
0x246: {  	s12 =	sld [smem:$0x7F5]  }
0x247: {  	[sflag:s16] =	ssyncset.done $0x0;
	s13 =	rddreg [dreg:$0x1d]  }
0x248: {  	[sflag:s16] =	ssyncadd.s32 $0xFFFFFF00;
	s4 =	sshrl.u32 s13, $0x3  }
0x249: {  	[hbm:s12], [sflag:s0] =	dma.local [spmem:s4], $0x100  }
0x24a: {  	_ =	swait.ge [sflag:s16], $0x100  }
0x24b: {  	s12 =	sld [smem:$0x7F6]  }
0x24c: {  	[sflag:s16] =	ssyncset.done $0x0  }
0x24d: {  	s4 =	sshrl.u32 s26, $0x3;
	[sflag:s16] =	ssyncadd.s32 $0xFFFFFF00  }
0x24e: {  	[hbm:s12], [sflag:s0] =	dma.local [spmem:s4], $0x100  }
0x24f: {  	_ =	swait.ge [sflag:s16], $0x100  }
0x250: {  	s12 =	sld [smem:$0x7F7]  }
0x251: {  	[sflag:s16] =	ssyncset.done $0x0  }
0x252: {  	s4 =	sshrl.u32 s31, $0x3;
	[sflag:s16] =	ssyncadd.s32 $0xFFFFFF00  }
0x253: {  	[hbm:s12], [sflag:s0] =	dma.local [spmem:s4], $0x100  }
0x254: {  	_ =	swait.ge [sflag:s16], $0x100  }
0x255: {  	s4 =	sld [smem:$0x7EF]  }
0x256: {  	s12 =	sld [smem:$0x7F8]  }
0x257: {  	[sflag:s16] =	ssyncset.done $0x0  }
0x258: {  	[sflag:s16] =	ssyncadd.s32 $0xFFFFFF00;
	s3 =	sshrl.u32 s4, $0x3  }
0x259: {  	[hbm:s12], [sflag:s0] =	dma.local [spmem:s3], $0x100  }
0x25a: {  	_ =	swait.ge [sflag:s16], $0x100  }
0x25b: {  	s4 =	sld [smem:$0x7F0]  }
0x25c: {  	s12 =	sld [smem:$0x7F9]  }
0x25d: {  	[sflag:s16] =	ssyncset.done $0x0  }
0x25e: {  	[sflag:s16] =	ssyncadd.s32 $0xFFFFFF00;
	s3 =	sshrl.u32 s4, $0x3  }
0x25f: {  	[hbm:s12], [sflag:s0] =	dma.local [spmem:s3], $0x100  }
0x260: {  	_ =	swait.ge [sflag:s16], $0x100  }
0x261: {  	s4 =	sld [smem:$0x7F1]  }
0x262: {  	s12 =	sld [smem:$0x7FA]  }
0x263: {  	[sflag:s16] =	ssyncset.done $0x0  }
0x264: {  	[sflag:s16] =	ssyncadd.s32 $0xFFFFFF00;
	s3 =	sshrl.u32 s4, $0x3  }
0x265: {  	[hbm:s12], [sflag:s0] =	dma.local [spmem:s3], $0x100  }
0x266: {  	_ =	swait.ge [sflag:s16], $0x100  }
0x267: {  	s4 =	sld [smem:$0x7F2]  }
0x268: {  	s12 =	sld [smem:$0x7FB]  }
0x269: {  	[sflag:s16] =	ssyncset.done $0x0  }
0x26a: {  	[sflag:s16] =	ssyncadd.s32 $0xFFFFFF00;
	s3 =	sshrl.u32 s4, $0x3  }
0x26b: {  	[hbm:s12], [sflag:s0] =	dma.local [spmem:s3], $0x100  }
0x26c: {  	_ =	swait.ge [sflag:s16], $0x100  }
0x26d: {  	s4 =	sld [smem:$0x7F3]  }
0x26e: {  	s12 =	sld [smem:$0x7FC]  }
0x26f: {  	[sflag:s16] =	ssyncset.done $0x0  }
0x270: {  	[sflag:s16] =	ssyncadd.s32 $0xFFFFFF00;
	s3 =	sshrl.u32 s4, $0x3  }
0x271: {  	[hbm:s12], [sflag:s0] =	dma.local [spmem:s3], $0x100  }
0x272: {  	_ =	swait.ge [sflag:s16], $0x100  }
0x273: {  	s4 =	sld [smem:$0x7F4]  }
0x274: {  	s12 =	sld [smem:$0x7FD]  }
0x275: {  	[sflag:s16] =	ssyncset.done $0x0  }
0x276: {  	[sflag:s16] =	ssyncadd.s32 $0xFFFFFF00;
	s3 =	sshrl.u32 s4, $0x3  }
0x277: {  	[hbm:s12], [sflag:s0] =	dma.local [spmem:s3], $0x100  }
0x278: {  	_ =	swait.ge [sflag:s16], $0x100  }
0x279: {  	s18 =	sadd.s32 $0x1, s18;
	s12 =	rddreg [dreg:$0x9]  }
0x27a: {  	p0 =	seq.s32 s18, s12  }
.Ltmp5:
0x27b: {  	_ = 	snop;
	(pc) =	sbr.rel @!p0 .LBB2_1-.Ltmp5, $3  }
0x27c: {  	_ =	sdelay $0x1  }
0x27d: {  	[sflag:s16] =	ssyncset.done $0x0  }
0x27e: {  	[sflag:s16] =	ssyncadd.s32 $0xFFFFFF00  }
0x27f: {  	_ =	sfence.sel $0x180000  }
0x280: {  	[bflag:$0x0] =	sbarrier.arrive $0xFFFF  }
0x281: {  	_ =	strace $0x9000004A  }
0x282: {  	s0 =	stileid.u32;
	[bflag:$0x2] =	sbarrier.arrive $0xFFFF  }
0x283: {  	p0 =	sne.s32 s0, $0x0;
	s0 =	rddreg [dreg:$0x4]  }
0x284: {  	s0 =	sadd.s32 @!p0 $0x100000, s0  }
0x285: {  	[sflag:s0] =	ssyncadd.tile.s32 @!p0 $0x1;
	_ =	shalt  }
.Lfunc_end2:
_tile_overlayer_lowered:
.L_overlay_start_2:
0x286: {  	(tag) =	ssettag $0x2  }
0x287: {  	s0 =	rddreg [dreg:$0x0];
	s2 =	stileid.u32  }
0x288: {  	s1 =	rddreg [dreg:$0x1];
	p0 =	sne.s32 s2, $0x0  }
0x289: {  	s3 =	rddreg [dreg:$0x2];
	[bflag:$0x3] =	sbarrier.arrive $0xFFFF;
	s2 =	simm.s32 @!p0 $0x1C03  }
0x28a: {  	[timem:s3], [sflag:s2] =	dma.local @!p0 [hbm:s0], s1  }
0x28b: {  	s0 =	simm.s32 @!p0 $0x3  }
0x28c: {  	_ =	swait.ge @!p0 [sflag:s0], s1  }
0x28d: {  	s1 =	ssub.s32 @!p0 $0x0, s1;
	[sflag:s0] =	ssyncset.done @!p0 $0x0  }
0x28e: {  	[sflag:s0] =	ssyncadd.s32 @!p0 s1  }
0x28f: {  	[bflag:$0x3] =	sbarrier.arrive $0xFFFF  }
0x290: {  	_ =	shalt  }

// kernel: kernel.8.cloned.1.call-start
scs
__scs_entry_jumppad:
0x0: {  	(pc) =	sbr.rel $0x88, $3  }
0x1: {  	(tag) =	ssettag $0x0;
	lr =	simm.s32 $0x1  }
0x2: {  	[smem:$0x3F97] =	sst lr;
	_ =	strace $0xD0000000  }
0x3: {  	_ = 	snop  }
0x4: {  	_ = 	snop  }
0x5: {  	_ = 	snop  }
0x6: {  	_ = 	snop  }
0x7: {  	_ = 	snop  }
__scs_overlays_trampoline_lowered:
0x8: {  	[smem:$0x3FA6] =	sst s0  }
0x9: {  	[smem:$0x3FA7] =	sst s1  }
0xa: {  	[smem:$0x3FA8] =	sst s2  }
0xb: {  	[smem:$0x3FA9] =	sst s3  }
0xc: {  	[smem:$0x3FAA] =	sst s4  }
0xd: {  	[smem:$0x3FAB] =	sst s5  }
0xe: {  	[smem:$0x3FAC] =	sst s6  }
0xf: {  	[smem:$0x3FAD] =	sst s7  }
0x10: {  	[smem:$0x3FAE] =	sst s8  }
0x11: {  	[smem:$0x3FAF] =	sst s9;
	s0 =	simm.s32 @!p0 $0x0  }
0x12: {  	s1 =	sld [smem:$0x3F95];
	s0 =	simm.s32 @p0 $0x1  }
0x13: {  	[smem:$0x3FB0] =	sst s0;
	s0 =	simm.s32 @!p1 $0x0  }
0x14: {  	s2 =	sld [smem:$0x3F94];
	s0 =	simm.s32 @p1 $0x1  }
0x15: {  	[smem:$0x3FB1] =	sst s0;
	s0 =	simm.s32 @!p2 $0x0  }
0x16: {  	s3 =	sld [smem:$0x3FDB];
	s0 =	simm.s32 @p2 $0x1  }
0x17: {  	s4 =	simm.s32 $0x1BF5;
	[smem:$0x3FB3] =	sst s0  }
0x18: {  	s0 =	sld [smem:$0x3F96];
	_ =	swait.ge [sflag:s4], $0x0  }
0x19: {  	s7 =	sld [smem:$0x3F97]  }
0x1a: {  	s8 =	sadd.s32 $0xFFFFE003, lr  }
0x1b: {  	s9 =	sadd.s32 $0xFFFFFEF7, lr;
	s5 =	simm.s32 $0xFFFFFFFF;
	p2 =	slt.u32 s8, $0xFFFFF086  }
0x1c: {  	p1 =	slt.u32 s9, $0xF7A;
	s5 =	simm.s32 @!p2 $0x0  }
0x1d: {  	s5 =	simm.s32 @p1 $0x1;
	p0 =	seq.s32 s7, s2  }
0x1e: {  	s7 =	smul.u32 @!p0 $0xF7A, s2;
	p2 =	seq.s32 @!p0 s5, $0x0  }
0x1f: {  	s9 =	smul.u32 $0xF7A, s1;
	s8 =	simm.s32 @!p0 $0x1BF5;
	p2 =	por !p2, p0  }
0x20: {  	[sflag:s8] =	ssyncset.s32 @!p0 $0xFFFFF086;
	s6 =	sadd.s32 @!p0 s3, s7;
	s7 =	simm.s32 @!p0 $0x108  }
0x21: {  	s3 =	sadd.s32 s3, s9;
	s6 =	sadd.s32 @!p0 $0x88, s6;
	s7 =	simm.s32 @p2 $0x1082  }
0x22: {  	[simem:s7], [sflag:s8] =	dma.local @!p0 [hbm:s6], $0xF7A  }
0x23: {  	s9 =	sor.u32 $0xD0000000, s2;
	s6 =	simm.s32 $0x108;
	_ =	swait.ge @!p0 [sflag:s8], $0x0  }
0x24: {  	s3 =	sadd.s32 $0x88, s3;
	s6 =	simm.s32 @!p1 $0x1082;
	[sflag:s4] =	ssyncset.s32 $0xFFFFF086  }
0x25: {  	[simem:s6], [sflag:s4] =	dma.local [hbm:s3], $0xF7A  }
0x26: {  	[smem:$0x3F97] =	sst s1;
	(tag) =	ssettag s2;
	_ =	strace s9  }
0x27: {  	s1 =	sld [smem:$0x3FA7]  }
0x28: {  	s2 =	sld [smem:$0x3FA8]  }
0x29: {  	s4 =	sld [smem:$0x3FAA]  }
0x2a: {  	p0 =	seq.s32 s5, $0x0;
	s5 =	sld [smem:$0x3FAB]  }
0x2b: {  	s6 =	sld [smem:$0x3FAC]  }
0x2c: {  	s7 =	sld [smem:$0x3FAD]  }
0x2d: {  	s3 =	simm.s32 $0x108;
	s8 =	sld [smem:$0x3FAE]  }
0x2e: {  	s3 =	simm.s32 @!p0 $0x1082;
	s9 =	sld [smem:$0x3FAF]  }
0x2f: {  	lr =	sadd.s32 s0, s3;
	s0 =	sld [smem:$0x3FA6]  }
0x30: {  	s3 =	sld [smem:$0x3FA9]  }
0x31: {  	[smem:$0x3FB2] =	sst s10  }
0x32: {  	s10 =	sld [smem:$0x3FB0];
	_ =	sdelay $0x3  }
0x33: {  	p0 =	seq.s32 s10, $0x1;
	s10 =	sld [smem:$0x3FB2];
	_ =	sdelay $0x3  }
0x34: {  	[smem:$0x3FB2] =	sst s10  }
0x35: {  	s10 =	sld [smem:$0x3FB1];
	_ =	sdelay $0x3  }
0x36: {  	p1 =	seq.s32 s10, $0x1;
	s10 =	sld [smem:$0x3FB2];
	_ =	sdelay $0x3  }
0x37: {  	[smem:$0x3FB2] =	sst s10  }
0x38: {  	s10 =	sld [smem:$0x3FB3]  }
0x39: {  	_ = 	snop;
	(pc) =	sbr.ind lr, $3  }
0x3a: {  	_ = 	snop  }
0x3b: {  	_ = 	snop  }
0x3c: {  	p2 =	seq.s32 s10, $0x1;
	s10 =	sld [smem:$0x3FB2]  }
0x3d: {  	_ =	shalt  }
0x3e: {  	_ =	shalt  }
0x3f: {  	_ =	shalt  }
0x40: {  	_ =	shalt  }
0x41: {  	_ =	shalt  }
0x42: {  	_ =	shalt  }
0x43: {  	_ =	shalt  }
0x44: {  	_ =	shalt  }
0x45: {  	_ =	shalt  }
0x46: {  	_ =	shalt  }
0x47: {  	_ =	shalt  }
0x48: {  	_ =	shalt  }
0x49: {  	_ =	shalt  }
0x4a: {  	_ =	shalt  }
0x4b: {  	_ =	shalt  }
0x4c: {  	_ =	shalt  }
0x4d: {  	_ =	shalt  }
0x4e: {  	_ =	shalt  }
0x4f: {  	_ =	shalt  }
0x50: {  	_ =	shalt  }
0x51: {  	_ =	shalt  }
0x52: {  	_ =	shalt  }
0x53: {  	_ =	shalt  }
0x54: {  	_ =	shalt  }
0x55: {  	_ =	shalt  }
0x56: {  	_ =	shalt  }
0x57: {  	_ =	shalt  }
0x58: {  	_ =	shalt  }
0x59: {  	_ =	shalt  }
0x5a: {  	_ =	shalt  }
0x5b: {  	_ =	shalt  }
0x5c: {  	_ =	shalt  }
0x5d: {  	_ =	shalt  }
0x5e: {  	_ =	shalt  }
0x5f: {  	_ =	shalt  }
0x60: {  	_ =	shalt  }
0x61: {  	_ =	shalt  }
0x62: {  	_ =	shalt  }
0x63: {  	_ =	shalt  }
0x64: {  	_ =	shalt  }
0x65: {  	_ =	shalt  }
0x66: {  	_ =	shalt  }
0x67: {  	_ =	shalt  }
0x68: {  	_ =	shalt  }
0x69: {  	_ =	shalt  }
0x6a: {  	_ =	shalt  }
0x6b: {  	_ =	shalt  }
0x6c: {  	_ =	shalt  }
0x6d: {  	_ =	shalt  }
0x6e: {  	_ =	shalt  }
0x6f: {  	_ =	shalt  }
0x70: {  	_ =	shalt  }
0x71: {  	_ =	shalt  }
0x72: {  	_ =	shalt  }
0x73: {  	_ =	shalt  }
0x74: {  	_ =	shalt  }
0x75: {  	_ =	shalt  }
0x76: {  	_ =	shalt  }
0x77: {  	_ =	shalt  }
0x78: {  	_ =	shalt  }
0x79: {  	_ =	shalt  }
0x7a: {  	_ =	shalt  }
0x7b: {  	_ =	shalt  }
0x7c: {  	_ =	shalt  }
0x7d: {  	_ =	shalt  }
0x7e: {  	_ =	shalt  }
0x7f: {  	_ =	shalt  }
0x80: {  	_ =	shalt  }
0x81: {  	_ =	shalt  }
0x82: {  	_ =	shalt  }
0x83: {  	_ =	shalt  }
0x84: {  	_ =	shalt  }
0x85: {  	_ =	shalt  }
0x86: {  	_ =	shalt  }
0x87: {  	_ =	shalt  }
.Lfunc_end0:
.L_simem_size_0:
called_computation_lowered:
.L_overlay_start_0:
0x88: {  	s2 =	sld [smem:$0x3FD9]  }
0x89: {  	s3 =	sld [smem:$0x3FFE];
	_ =	sdelay $0x1  }
0x8a: {  	s1 =	srdreg.scid  }
0x8b: {  	s0 =	sand.u32 $0x1, s1  }
0x8c: {  	s17 =	sshll.u32 s0, $0xA;
	s2 =	sadd.s32 s3, s2  }
0x8d: {  	s2 =	sadd.s32 s2, s17  }
0x8e: {  	[smem:$0x3FBE] =	sst s2  }
0x8f: {  	_ = 	snop  }
0x90: {  	s2 =	sld [smem:$0x3FD0];
	(tm) =	ssettm $0x1  }
0x91: {  	s18 =	sld [smem:$0x3FFB];
	_ =	sdelay $0x3  }
0x92: {  	_ =	strace s18  }
0x93: {  	s3 =	sld [smem:$0x3FFC];
	_ =	sdelay $0x3  }
0x94: {  	_ =	strace s3  }
0x95: {  	s3 =	sld [smem:$0x3FFD];
	_ =	sdelay $0x3  }
0x96: {  	_ =	strace s3  }
0x97: {  	_ =	strace $0x8FFFFFFF  }
0x98: {  	s19 =	sld [smem:$0x3FDB];
	_ =	sdelay $0x1  }
0x99: {  	s4 =	simm.s32 $_scs_section_size  }
0x9a: {  	s5 =	simm.s32 $_size__tile_overlayer_lowered;
	s6 =	simm.s32 $_tile_overlayer_lowered  }
0x9b: {  	s22 =	simm.s32 $0x1BFF;
	s21 =	sshll.u32 s6, $0x1;
	s3 =	sadd.s32 s4, s19  }
0x9c: {  	s7 =	simm.s32 $0x0;
	s20 =	sshll.u32 s5, $0x1;
	s5 =	sadd.s32 s21, s3  }
0x9d: {  	[timem:s7], [sflag:s22] =	dma.local [hbm:s5], s20  }
0x9e: {  	_ =	swait.ge [sflag:s22], s20  }
0x9f: {  	s4 =	ssub.s32 $0x0, s20;
	[sflag:s22] =	ssyncset.done $0x0  }
0xa0: {  	[sflag:s22] =	ssyncadd.s32 s4;
	_ =	sdelay $0x1  }
0xa1: {  	s23 =	simm.s32 $0x1B8B  }
0xa2: {  	_ =	swait.ge [sflag:s23], $0x1  }
0xa3: {  	[sflag:s23] =	ssyncset.done $0x0  }
0xa4: {  	s25 =	simm.s32 $0x1B8E;
	s24 =	sld [smem:$0x3FFE];
	[sflag:s23] =	ssyncadd.s32 $0xFFFFFFFF  }
0xa5: {  	s26 =	simm.s32 $execute0_lowered;
	[smem:$0x3FD2] =	sst s25  }
0xa6: {  	s5 =	sshll.u32 s26, $0x1;
	_ =	strace $0x80000046;
	[dreg:$0x1] =	wrdreg $0xFFFFFFFF  }
0xa7: {  	s28 =	simm.s32 $_size_execute0_lowered;
	s3 =	sadd.s32 s3, s5;
	[dreg:$0x0] =	wrdreg $0x0  }
0xa8: {  	s5 =	sshll.u32 s28, $0x1;
	[dreg:$0x2] =	wrdreg s3  }
0xa9: {  	[dreg:$0x3] =	wrdreg s5  }
0xaa: {  	[dreg:$0x4] =	wrdreg $0xC0  }
0xab: {  	_ =	task [dreg:s7], $0x5FFFF  }
0xac: {  	[dreg:$0x1] =	wrdreg $0xFFFFFFFF  }
0xad: {  	[dreg:$0x0] =	wrdreg $0x60  }
0xae: {  	[dreg:$0x2] =	wrdreg s24  }
0xaf: {  	[dreg:$0x3] =	wrdreg s2  }
0xb0: {  	[dreg:$0x4] =	wrdreg $0x9  }
0xb1: {  	_ =	task.clear_ibuf [dreg:s7], $0x5FFFF;
	_ =	strace $0x90000046  }
0xb2: {  	s29 =	simm.s32 $0x9;
	_ =	strace $0x80000048  }
0xb3: {  	_ =	swait.ge [sflag:s29], $0x1  }
0xb4: {  	[sflag:s29] =	ssyncadd.s32 $0xFFFFFFFF  }
0xb5: {  	_ =	strace $0x90000048  }
0xb6: {  	_ =	sfence  }
0xb7: {  	s30 =	sld [smem:$0x0];
	_ =	sdelay $0x2  }
0xb8: {  	s31 =	sshll.u32 s1, $0xD;
	s1 =	sshrl.u32 s1, $0x2  }
0xb9: {  	s3 =	sand.u32 $0x4000, s31;
	s1 =	sadd.s32 s1, s30  }
0xba: {  	s0 =	sor.u32 s3, s0;
	s1 =	sshll.u32 s1, $0x11  }
0xbb: {  	s0 =	sor.u32 s1, s0  }
0xbc: {  	s0 =	sadd.s32 $0x8F2B, s0  }
0xbd: {  	[sflag:s0] =	ssyncadd.remote.s32 $0x1  }
0xbe: {  	_ =	sfence.sel $0xFFFF  }
0xbf: {  	[dreg:$0x0] =	wrdreg $0xFFFFFFFF;
	(pc) =	sbr.abs _section_cstart, $3  }
0xc0: {  	[dreg:$0x1] =	wrdreg $0xFFFFFFFF  }
0xc1: {  	_ =	task.clear_ibuf [dreg:s7], $0x2FFFF;
	_ =	strace $0x9FFFFFFF  }
0xc2: {  	(tm) =	ssettm $0x7FFFFFFF  }
0xc3: {  	_ =	shalt  }
tec
execute0_lowered:
.L_overlay_start_1:
0x0: {  	(tag) =	ssettag $0x1  }
0x1: {  	s7 =	rddreg [dreg:$0x0]  }
0x2: {  	s1 =	rddreg [dreg:$0x1];
	s3 =	simm.s32 $0x0;
	s2 =	srdreg.scid  }
0x3: {  	s15 =	simm.s32 $0xF000;
	s16 =	simm.s32 $0xEB00;
	s17 =	simm.s32 $0xEC00  }
0x4: {  	s18 =	simm.s32 $0xED00;
	s19 =	simm.s32 $0xEDA0;
	s20 =	simm.s32 $0x1  }
0x5: {  	s21 =	simm.s32 $0x9C80;
	s22 =	simm.s32 $0xEE80;
	s23 =	simm.s32 $0xEF20  }
0x6: {  	s24 =	simm.s32 $0x0;
	s8 =	sand.u32 $0x1, s2;
	s2 =	stileid.u32  }
0x7: {  	[smem:$0x7FF] =	sst s3;
	s4 =	sadd.s32 $0x35200, s7;
	s9 =	sshll.u32 s2, $0x1  }
0x8: {  	s5 =	sadd.s32 $0x2B400, s7;
	s6 =	smul.u32 $0x1388, s8;
	s9 =	sor.u32 s8, s9  }
0x9: {  	s30 =	sshll.u32 s8, $0x2;
	s12 =	ssub.s32 $0x2, s8;
	s9 =	smul.u32 $0x9C4, s9  }
0xa: {  	s11 =	sadd.s32 s30, s7;
	s31 =	sshrl.u32 s12, $0x1;
	s10 =	sadd.s32 s6, s7  }
0xb: {  	s6 =	sadd.s32 $0x55200, s7;
	s13 =	sadd.s32 s9, s7;
	s7 =	smul.u32 $0x9C400, s8  }
0xc: {  	_ =	strace $0x80000047;
	s14 =	ssub.s32 s12, s31;
	s8 =	smul.u32 $0x4E20, s2  }
0xd: {  	s9 =	sadd.s32 $0x3F000, s10;
	s10 =	sadd.s32 $0x2B200, s11;
	s12 =	sadd.s32 $0x41800, s13  }
0xe: {  	v0 =	vimm.f32 $0.0e+00;
	s13 =	smax.u32 s14, $0x1;
	s14 =	simm.s32 $0x2;
	s11 =	sadd.s32 $0x4E200, s7  }
.LBB2_1:
0xf: {  	[tilespmem:s3], [sflag:$0x2] =	stream.linear.gather [hbm4b:s9+s3], $0x9C40, $0x38;
	[tilespmem:$0xF080] =	vst v63  }
0x10: {  	_ =	swait.ge [sflag:s14], $0x9C40  }
0x11: {  	[sflag:s14] =	ssyncset.done $0x0  }
0x12: {  	[sflag:s14] =	ssyncadd.s32 $0xFFFF63C0  }
0x13: {  	[tilespmem:s15], [sflag:$0x2] =	stream.linear.gather [hbm4b:s10+s3], $0x20, $0x38;
	[tilespmem:$0xF080] =	vst v63  }
0x14: {  	_ =	swait.ge [sflag:s14], $0x20  }
0x15: {  	[sflag:s14] =	ssyncset.done $0x0  }
0x16: {  	[sflag:s14] =	ssyncadd.s32 $0xFFFFFFE0  }
0x17: {  	v1 =	vld [tilespmem:$0xF000]  }
0x18: {  	s25 =	simm.s32 $0x40;
	s26 =	simm.s32 $0x0;
	v2 =	vld [tilespmem:$0xF010]  }
.LBB2_2:
0x19: {  	p0 =	sne.s32 s25, $0x13840;
	[tilespmem:s26+$0x9C80] =	vst v0;
	s26 =	smov.u32 s25;
	s25 =	sadd.s32 $0x40, s25  }
.Ltmp0:
0x1a: {  	(pc) =	sbr.rel @p0 .LBB2_2-.Ltmp0, $2  }
0x1b: {  	_ =	sdelay $0x2  }
0x1c: {  	s26 =	sshra.s32 s26, $0x2  }
0x1d: {  	[tilespmem:s26+$0x9C80] =	vst v0;
	s25 =	simm.s32 $0x0;
	s26 =	simm.s32 $0x0  }
.LBB2_4:
0x1e: {  	s28 =	smul.u32 $0xA0, s26;
	_ =	sdelay $0x1  }
0x1f: {  	s28 =	sadd.s32 s8, s28  }
0x20: {  	s29 =	sshrl.u32 s28, $0x3  }
0x21: {  	s30 =	sadd.s32 s4, s29  }
0x22: {  	[tilespmem:s16], [sflag:$0x1] =	stream.linear.gather [hbm4b:s30+s25], $0xA0, $0x38;
	[tilespmem:$0xF080] =	vst v63  }
0x23: {  	s29 =	sadd.s32 s5, s29;
	s30 =	sadd.s32 s7, s28  }
0x24: {  	[tilespmem:s17], [sflag:$0x1] =	stream.linear.gather [hbm4b:s29+s25], $0xA0, $0x38;
	[tilespmem:$0xF080] =	vst v63  }
0x25: {  	s28 =	sadd.s32 s28, s11;
	s29 =	sshrl.u32 s30, $0x3  }
0x26: {  	s28 =	sshrl.u32 s28, $0x3;
	s30 =	sadd.s32 s1, s29  }
0x27: {  	[tilespmem:s18], [sflag:$0x1] =	stream.linear.gather [hbm4b:s30+s25], $0xA0, $0x38;
	[tilespmem:$0xF080] =	vst v63  }
0x28: {  	s30 =	sadd.s32 s1, s28  }
0x29: {  	[tilespmem:s19], [sflag:$0x1] =	stream.linear.gather [hbm4b:s30+s25], $0xA0, $0x38;
	[tilespmem:$0xF080] =	vst v63  }
0x2a: {  	_ =	swait.ge [sflag:s20], $0xA0  }
0x2b: {  	[sflag:s20] =	ssyncset.done $0x0  }
0x2c: {  	[sflag:s20] =	ssyncadd.s32 $0xFFFFFF60  }
0x2d: {  	_ =	swait.ge [sflag:s20], $0xA0  }
0x2e: {  	[sflag:s20] =	ssyncset.done $0x0  }
0x2f: {  	[sflag:s20] =	ssyncadd.s32 $0xFFFFFF60  }
0x30: {  	_ =	swait.ge [sflag:s20], $0xA0  }
0x31: {  	[sflag:s20] =	ssyncset.done $0x0  }
0x32: {  	[sflag:s20] =	ssyncadd.s32 $0xFFFFFF60  }
0x33: {  	_ =	swait.ge [sflag:s20], $0xA0  }
0x34: {  	[sflag:s20] =	ssyncset.done $0x0  }
0x35: {  	s30 =	simm.s32 $0x0;
	[sflag:s20] =	ssyncadd.s32 $0xFFFFFF60  }
0x36: {  	v3 =	vld [tilespmem:s30+$0xEC00]  }
0x37: {  	v4 =	vld [tilespmem:s30+$0xEB00];
	_ =	sdelay $0x4  }
0x38: {  	v5 =	vshll.u32 v3, $0x2;
	v4 =	vshll.u32 v4, $0x2  }
0x39: {  	v6 =	vor.u32 $0x2, v5;
	_ =	sdelay $0x3  }
0x3a: {  	v7 =	vld.idx.msk [tilespmem:v4+s3+$0x0], $0xffff  }
0x3b: {  	v6 =	vld.idx.msk [tilespmem:v6+s3+$0x0], $0xffff;
	_ =	sdelay $0x1  }
0x3c: {  	v8 =	vld [tilespmem:s30+$0xED00];
	_ =	sdelay $0x2  }
0x3d: {  	v6 =	vadd.f32 v6, v7;
	_ =	sdelay $0x1  }
0x3e: {  	v6 =	vadd.f32 v8, v6;
	_ =	sdelay $0x1  }
0x3f: {  	v63 =	vmul.f32 $2.000000030e-01, v6  }
0x40: {  	vm0 =	vge.f32 v6, $0.0e+00  }
0x41: {  	v6 =	vsel vm0, v6, v63  }
0x42: {  	v6 =	vsub.f32 v6, v1;
	_ =	sdelay $0x1  }
0x43: {  	v6 =	vmul.f32 $1.442695020e+00, v6;
	_ =	sdelay $0x1  }
0x44: {  	(erf) = vpow2.f32 v6;
	_ =	sdelay $0x5  }
0x45: {  	v3 =	vshll.u32 v3, $0x1  }
0x46: {  	v4 =	vor.u32 $0x1, v4  }
0x47: {  	v5 =	vor.u32 $0x3, v5  }
0x48: {  	v6 =	vpop (erf)  }
0x49: {  	[tilespmem:s30+$0xEE80] =	vst v6  }
0x4a: {  	[tilespmem:v3+s21+$0x0] =	vst.idx.add.f32.msk $0xffff, v6  }
0x4b: {  	v4 =	vld.idx.msk [tilespmem:v4+s3+$0x0], $0xffff  }
0x4c: {  	v5 =	vld.idx.msk [tilespmem:v5+s3+$0x0], $0xffff;
	_ =	sdelay $0x1  }
0x4d: {  	v6 =	vld [tilespmem:s30+$0xEDA0];
	_ =	sdelay $0x2  }
0x4e: {  	v4 =	vadd.f32 v5, v4;
	_ =	sdelay $0x1  }
0x4f: {  	v4 =	vadd.f32 v6, v4;
	_ =	sdelay $0x1  }
0x50: {  	v5 =	vmul.f32 $2.000000030e-01, v4  }
0x51: {  	vm15 =	vge.f32 v4, $0.0e+00  }
0x52: {  	v4 =	vsel vm15, v4, v5  }
0x53: {  	v4 =	vsub.f32 v4, v2;
	_ =	sdelay $0x1  }
0x54: {  	v4 =	vmul.f32 $1.442695020e+00, v4;
	_ =	sdelay $0x1  }
0x55: {  	(erf) = vpow2.f32 v4;
	_ =	sdelay $0x4  }
0x56: {  	s31 =	simm.s32 $0x40;
	v3 =	vor.u32 $0x1, v3  }
.LBB2_5:
0x57: {  	_ =	sdelay $0x2  }
0x58: {  	p0 =	sne.s32 s31, $0x240;
	s0 =	smov.u32 s31;
	s31 =	sadd.s32 $0x40, s31;
	v4 =	vpop (erf)  }
0x59: {  	[tilespmem:s30+$0xEF20] =	vst v4  }
0x5a: {  	s30 =	sshra.s32 s0, $0x2;
	[tilespmem:v3+s21+$0x0] =	vst.idx.add.f32.msk $0xffff, v4  }
0x5b: {  	v3 =	vld [tilespmem:s30+$0xEC00]  }
0x5c: {  	v4 =	vld [tilespmem:s30+$0xEB00];
	_ =	sdelay $0x3  }
0x5d: {  	v5 =	vshll.u32 v3, $0x2  }
0x5e: {  	v4 =	vshll.u32 v4, $0x2;
	v6 =	vor.u32 $0x2, v5;
	_ =	sdelay $0x4  }
0x5f: {  	v6 =	vld.idx.msk [tilespmem:v6+s3+$0x0], $0xffff  }
0x60: {  	v7 =	vld.idx.msk [tilespmem:v4+s3+$0x0], $0xffff;
	_ =	sdelay $0x2  }
0x61: {  	v8 =	vld [tilespmem:s30+$0xED00];
	_ =	sdelay $0x2  }
0x62: {  	v6 =	vadd.f32 v6, v7;
	_ =	sdelay $0x1  }
0x63: {  	v6 =	vadd.f32 v8, v6;
	_ =	sdelay $0x1  }
0x64: {  	v7 =	vmul.f32 $2.000000030e-01, v6  }
0x65: {  	vm0 =	vge.f32 v6, $0.0e+00  }
0x66: {  	v6 =	vsel vm0, v6, v7  }
0x67: {  	v6 =	vsub.f32 v6, v1;
	_ =	sdelay $0x1  }
0x68: {  	v6 =	vmul.f32 $1.442695020e+00, v6;
	_ =	sdelay $0x1  }
0x69: {  	(erf) = vpow2.f32 v6;
	_ =	sdelay $0x5  }
0x6a: {  	v3 =	vshll.u32 v3, $0x1  }
0x6b: {  	v5 =	vor.u32 $0x3, v5;
	v4 =	vor.u32 $0x1, v4;
	_ =	sdelay $0x1  }
0x6c: {  	v6 =	vpop (erf)  }
0x6d: {  	[tilespmem:s30+$0xEE80] =	vst v6  }
0x6e: {  	[tilespmem:v3+s21+$0x0] =	vst.idx.add.f32.msk $0xffff, v6  }
0x6f: {  	v4 =	vld.idx.msk [tilespmem:v4+s3+$0x0], $0xffff  }
0x70: {  	v5 =	vld.idx.msk [tilespmem:v5+s3+$0x0], $0xffff;
	_ =	sdelay $0x1  }
0x71: {  	v6 =	vld [tilespmem:s30+$0xEDA0];
	_ =	sdelay $0x3  }
0x72: {  	v4 =	vadd.f32 v5, v4;
	_ =	sdelay $0x1  }
0x73: {  	v4 =	vadd.f32 v6, v4;
	_ =	sdelay $0x1  }
0x74: {  	vm0 =	vge.f32 v4, $0.0e+00;
	v5 =	vmul.f32 $2.000000030e-01, v4;
	_ =	sdelay $0x1  }
0x75: {  	v4 =	vsel vm0, v4, v5  }
0x76: {  	v4 =	vsub.f32 v4, v2;
	_ =	sdelay $0x1  }
0x77: {  	v4 =	vmul.f32 $1.442695020e+00, v4;
	_ =	sdelay $0x1  }
0x78: {  	(erf) = vpow2.f32 v4  }
.Ltmp1:
0x79: {  	(pc) =	sbr.rel @p0 .LBB2_5-.Ltmp1, $2  }
0x7a: {  	_ =	sdelay $0x2  }
0x7b: {  	v3 =	vor.u32 $0x1, v3  }
0x7c: {  	_ =	sdelay $0x2  }
0x7d: {  	v4 =	vpop (erf)  }
0x7e: {  	[tilespmem:s30+$0xEF20] =	vst v4  }
0x7f: {  	s0 =	sadd.s32 s6, s29;
	[tilespmem:v3+s21+$0x0] =	vst.idx.add.f32.msk $0xffff, v4  }
0x80: {  	[hbm4b:s0+s3] =	stream.linear.scatter [tilespmem:s22], [sflag:$0x2], $0xA0, $0x38;
	[tilespmem:$0xF080] =	vst v63  }
0x81: {  	s26 =	sadd.s32 $0x1, s26;
	_ =	swait.ge [sflag:s14], $0xA0  }
0x82: {  	p0 =	sne.s32 s26, $0x7D;
	[sflag:s14] =	ssyncset.done $0x0  }
.Ltmp2:
0x83: {  	s31 =	sadd.s32 s6, s28;
	[sflag:s14] =	ssyncadd.s32 $0xFFFFFF60;
	(pc) =	sbr.rel @p0 .LBB2_4-.Ltmp2, $4  }
0x84: {  	[hbm4b:s31+s3] =	stream.linear.scatter [tilespmem:s23], [sflag:$0x2], $0xA0, $0x38;
	[tilespmem:$0xF080] =	vst v63  }
0x85: {  	_ =	swait.ge [sflag:s14], $0xA0  }
0x86: {  	[sflag:s14] =	ssyncset.done $0x0  }
0x87: {  	[sflag:s14] =	ssyncadd.s32 $0xFFFFFF60  }
0x88: {  	s24 =	sadd.s32 $0x1, s24  }
0x89: {  	p0 =	sne.s32 s24, s13  }
.Ltmp3:
0x8a: {  	_ = 	snop;
	(pc) =	sbr.rel @p0 .LBB2_1-.Ltmp3, $4  }
0x8b: {  	[hbm4b:s12+s3] =	stream.linear.scatter [tilespmem:s21], [sflag:$0x2], $0x4E20, $0x38;
	[tilespmem:$0xF080] =	vst v63  }
0x8c: {  	_ =	swait.ge [sflag:s14], $0x4E20  }
0x8d: {  	[sflag:s14] =	ssyncset.done $0x0  }
0x8e: {  	[sflag:s14] =	ssyncadd.s32 $0xFFFFB1E0  }
0x8f: {  	_ =	sfence.sel $0x180000  }
0x90: {  	[bflag:$0x0] =	sbarrier.arrive $0xFFFF  }
0x91: {  	_ =	strace $0x90000047  }
0x92: {  	[bflag:$0x2] =	sbarrier.arrive $0xFFFF  }
0x93: {  	p0 =	sne.s32 s2, $0x0;
	s0 =	rddreg [dreg:$0x2]  }
0x94: {  	s0 =	sadd.s32 @!p0 $0x100000, s0  }
0x95: {  	[sflag:s0] =	ssyncadd.tile.s32 @!p0 $0x1;
	_ =	shalt  }
.Lfunc_end2:
_tile_overlayer_lowered:
.L_overlay_start_2:
0x96: {  	(tag) =	ssettag $0x2  }
0x97: {  	s0 =	rddreg [dreg:$0x0];
	s2 =	stileid.u32  }
0x98: {  	s1 =	rddreg [dreg:$0x1];
	p0 =	sne.s32 s2, $0x0  }
0x99: {  	s3 =	rddreg [dreg:$0x2];
	[bflag:$0x3] =	sbarrier.arrive $0xFFFF;
	s2 =	simm.s32 @!p0 $0x1C02  }
0x9a: {  	[timem:s3], [sflag:s2] =	dma.local @!p0 [hbm:s0], s1  }
0x9b: {  	s0 =	simm.s32 @!p0 $0x2  }
0x9c: {  	_ =	swait.ge @!p0 [sflag:s0], s1  }
0x9d: {  	s1 =	ssub.s32 @!p0 $0x0, s1;
	[sflag:s0] =	ssyncset.done @!p0 $0x0  }
0x9e: {  	[sflag:s0] =	ssyncadd.s32 @!p0 s1  }
0x9f: {  	[bflag:$0x3] =	sbarrier.arrive $0xFFFF  }
0xa0: {  	_ =	shalt  }

</sc_bundles>
